<compile_context>
chip_gen: v7x
topology: tpu7x:2x2x1
jax: 0.10.2.dev20260603
libtpu: 0.0.44.dev20260713+nightly
codegen_flags: <defaults>
</compile_context>

<pallas_src>
import functools

import jax
import jax.numpy as jnp
from jax import lax
from jax.experimental import pallas as pl
from jax.experimental.pallas import tpu as pltpu
from jax.experimental.pallas import tpu_sc as plsc

N = 10000
E = 320000
F_IN = 128
F_H = 64
NC, NS, LANES = 2, 16, 16
NW = NC * NS
EPW = E // NW
CHP = 128
KCH = EPW // CHP
TAIL = EPW - KCH * CHP
N_PAD = 10240
ROWS_PT = N_PAD // NS
BLK = 1000


def _sc_mesh():
    return plsc.VectorSubcoreMesh(
        core_axis_name="c", subcore_axis_name="s",
        num_cores=NC, num_subcores=NS)


_SC_PARAMS = pltpu.CompilerParams(use_tc_tiling_on_sc=False)


@functools.partial(
    pl.kernel,
    out_type=jax.ShapeDtypeStruct((N_PAD, 8 * LANES), jnp.float32),
    mesh=_sc_mesh(),
    compiler_params=_SC_PARAMS,
    scratch_types=(
        pltpu.VMEM((EPW,), jnp.int32),
        pltpu.VMEM((CHP, LANES), jnp.float32),
        pltpu.VMEM((64, LANES), jnp.float32),
        pltpu.VMEM_SHARED((N_PAD, LANES), jnp.float32),
        pltpu.SemaphoreType.DMA,
        pltpu.SemaphoreType.DMA,
        pltpu.SemaphoreType.DMA,
        pltpu.SemaphoreType.DMA,
        pltpu.SemaphoreType.DMA,
        pltpu.SemaphoreType.DMA,
    ),
)
def _deg_kernel(edges, out, dbuf, ones, zbuf, acc,
                sem, st, sd0, sd1, sd2, sd3):
    sem_d = (sd0, sd1, sd2, sd3)
    c = lax.axis_index("c")
    s = lax.axis_index("s")
    wid = c * NS + s

    pltpu.async_copy(edges.at[1, pl.ds(wid * EPW, EPW)], dbuf, sem)

    def fill(i, _):
        ones[i, pl.ds(0, LANES)] = jnp.ones((LANES,), jnp.float32)
        return 0
    lax.fori_loop(0, CHP, fill, 0)

    def zero(i, _):
        zbuf[i, pl.ds(0, LANES)] = jnp.zeros((LANES,), jnp.float32)
        return 0
    lax.fori_loop(0, 64, zero, 0)

    row0 = s * ROWS_PT

    def zacc(t, _):
        pltpu.sync_copy(zbuf, acc.at[pl.ds(row0 + 64 * t, 64)])
        return 0
    lax.fori_loop(0, ROWS_PT // 64, zacc, 0)
    pltpu.make_async_copy(edges.at[1, pl.ds(wid * EPW, EPW)], dbuf, sem).wait()
    plsc.subcore_barrier()

    def didx(j):
        return dbuf.at[pl.ds(j * CHP, CHP)]

    tidx = dbuf.at[pl.ds(KCH * CHP, TAIL)]
    pltpu.async_copy(ones.at[pl.ds(0, TAIL)], acc.at[tidx], st, add=True)

    def body(i, _):
        for b in range(4):
            j = 4 * i + b

            @pl.when(j >= 4)
            def _():
                pltpu.make_async_copy(ones, acc.at[didx(j - 4)],
                                      sem_d[b]).wait()

            @pl.when(j < KCH)
            def _():
                pltpu.async_copy(ones, acc.at[didx(j)], sem_d[b], add=True)
        return 0
    lax.fori_loop(0, (KCH + 3) // 4, body, 0)
    for b in range(2):
        pltpu.make_async_copy(ones, acc.at[didx(KCH - 2 + b)],
                              sem_d[(KCH - 2 + b) % 4]).wait()
    pltpu.make_async_copy(ones.at[pl.ds(0, TAIL)], acc.at[tidx], st).wait()
    plsc.subcore_barrier()

    @pl.when(c == 0)
    def _():
        pltpu.sync_copy(acc.at[pl.ds(row0, ROWS_PT)],
                        out.at[pl.ds(row0, ROWS_PT), pl.ds(0, LANES)])

    @pl.when(c == 1)
    def _():
        pltpu.sync_copy(acc.at[pl.ds(row0, ROWS_PT)],
                        out.at[pl.ds(row0, ROWS_PT), pl.ds(LANES, LANES)])


@functools.partial(
    pl.kernel,
    out_type=jax.ShapeDtypeStruct((N_PAD, 2 * F_H), jnp.float32),
    mesh=_sc_mesh(),
    compiler_params=_SC_PARAMS,
    scratch_types=(
        pltpu.VMEM((EPW,), jnp.int32),
        pltpu.VMEM((EPW,), jnp.int32),
        pltpu.VMEM((CHP, F_H), jnp.float32),
        pltpu.VMEM((CHP, F_H), jnp.float32),
        pltpu.VMEM((CHP, F_H), jnp.float32),
        pltpu.VMEM((CHP, F_H), jnp.float32),
        pltpu.VMEM((CHP, F_H), jnp.float32),
        pltpu.VMEM((CHP, F_H), jnp.float32),
        pltpu.VMEM((TAIL, F_H), jnp.float32),
        pltpu.VMEM((64, F_H), jnp.float32),
        pltpu.VMEM_SHARED((N_PAD, F_H), jnp.float32),
        pltpu.SemaphoreType.DMA,
        pltpu.SemaphoreType.DMA,
        pltpu.SemaphoreType.DMA,
        pltpu.SemaphoreType.DMA,
        pltpu.SemaphoreType.DMA,
        pltpu.SemaphoreType.DMA,
        pltpu.SemaphoreType.DMA,
        pltpu.SemaphoreType.DMA,
        pltpu.SemaphoreType.DMA,
        pltpu.SemaphoreType.DMA,
        pltpu.SemaphoreType.DMA,
        pltpu.SemaphoreType.DMA,
        pltpu.SemaphoreType.DMA,
        pltpu.SemaphoreType.DMA,
        pltpu.SemaphoreType.DMA,
    ),
)
def _prop_kernel(hs, edges, out,
                 sbuf, dbuf, msg0, msg1, msg2, msg3, msg4, msg5, msgt, zbuf,
                 acc, sg0, sg1, sg2, sg3, sg4, sg5,
                 ss0, ss1, ss2, ss3, ss4, ss5, stg, sts, sem_i):
    msg = (msg0, msg1, msg2, msg3, msg4, msg5)
    sem_g = (sg0, sg1, sg2, sg3, sg4, sg5)
    sem_s = (ss0, ss1, ss2, ss3, ss4, ss5)
    c = lax.axis_index("c")
    s = lax.axis_index("s")
    wid = c * NS + s
    row0 = s * ROWS_PT

    eblk = pl.ds(wid * EPW, EPW)
    pltpu.async_copy(edges.at[0, eblk], sbuf, sem_i)
    pltpu.async_copy(edges.at[1, eblk], dbuf, sem_i)

    def zero(i, _):
        for k in range(F_H // LANES):
            zbuf[i, pl.ds(k * LANES, LANES)] = jnp.zeros((LANES,), jnp.float32)
        return 0
    lax.fori_loop(0, 64, zero, 0)

    def zacc(t, _):
        for b in range(5):
            tt = 5 * t + b
            pltpu.async_copy(zbuf, acc.at[pl.ds(row0 + 64 * tt, 64)],
                             sem_s[b])
        return 0
    lax.fori_loop(0, ROWS_PT // 64 // 5, zacc, 0)

    def zacc_drain(t, _):
        for b in range(5):
            tt = 5 * t + b
            pltpu.make_async_copy(zbuf, acc.at[pl.ds(row0 + 64 * tt, 64)],
                                  sem_s[b]).wait()
        return 0
    lax.fori_loop(0, ROWS_PT // 64 // 5, zacc_drain, 0)

    pltpu.make_async_copy(edges.at[0, eblk], sbuf, sem_i).wait()
    pltpu.make_async_copy(edges.at[1, eblk], dbuf, sem_i).wait()
    plsc.subcore_barrier()

    def gather(j, b):
        pltpu.async_copy(hs.at[sbuf.at[pl.ds(j * CHP, CHP)]], msg[b], sem_g[b])

    def wait_gather(j, b):
        pltpu.make_async_copy(hs.at[sbuf.at[pl.ds(j * CHP, CHP)]], msg[b],
                              sem_g[b]).wait()

    def scatter(j, b):
        pltpu.async_copy(msg[b], acc.at[dbuf.at[pl.ds(j * CHP, CHP)]],
                         sem_s[b], add=True)

    def drain_scatter(j, b):
        pltpu.make_async_copy(msg[b], acc.at[dbuf.at[pl.ds(j * CHP, CHP)]],
                              sem_s[b]).wait()

    tsl = pl.ds(KCH * CHP, TAIL)
    pltpu.async_copy(hs.at[sbuf.at[tsl]], msgt, stg)

    gather(0, 0)
    gather(1, 1)
    gather(2, 2)

    def body(i, _):
        for b in range(6):
            j = 6 * i + b

            @pl.when(j >= 3)
            def _():
                drain_scatter(j - 3, (b + 3) % 6)

            @pl.when(j + 3 < KCH)
            def _():
                gather(j + 3, (b + 3) % 6)

            wait_gather(j, b)
            scatter(j, b)
        return 0
    lax.fori_loop(0, KCH // 6, body, 0)
    pltpu.make_async_copy(hs.at[sbuf.at[tsl]], msgt, stg).wait()
    pltpu.async_copy(msgt, acc.at[dbuf.at[tsl]], sts, add=True)
    for j in (KCH - 3, KCH - 2, KCH - 1):
        drain_scatter(j, j % 6)
    pltpu.make_async_copy(msgt, acc.at[dbuf.at[tsl]], sts).wait()
    plsc.subcore_barrier()

    @pl.when(c == 0)
    def _():
        pltpu.sync_copy(acc.at[pl.ds(row0, ROWS_PT)],
                        out.at[pl.ds(row0, ROWS_PT), pl.ds(0, F_H)])

    @pl.when(c == 1)
    def _():
        pltpu.sync_copy(acc.at[pl.ds(row0, ROWS_PT)],
                        out.at[pl.ds(row0, ROWS_PT), pl.ds(F_H, F_H)])


def _mm1s_body(x_ref, w_ref, d_ref, hs_ref, dinv_ref):
    deg = d_ref[:, 0:1] + d_ref[:, LANES:LANES + 1] + 1.0
    dinv = lax.rsqrt(deg)
    dinv_ref[...] = dinv
    hs_ref[...] = jnp.dot(x_ref[...], w_ref[...],
                          preferred_element_type=jnp.float32) * dinv


def _mm1s(x, w1, d):
    return pl.pallas_call(
        _mm1s_body,
        grid=(N // BLK,),
        in_specs=[pl.BlockSpec((BLK, F_IN), lambda i: (i, 0)),
                  pl.BlockSpec((F_IN, F_H), lambda i: (0, 0)),
                  pl.BlockSpec((BLK, 8 * LANES), lambda i: (i, 0))],
        out_specs=[pl.BlockSpec((BLK, F_H), lambda i: (i, 0)),
                   pl.BlockSpec((BLK, 1), lambda i: (i, 0))],
        out_shape=[jax.ShapeDtypeStruct((N, F_H), jnp.float32),
                   jax.ShapeDtypeStruct((N, 1), jnp.float32)],
    )(x, w1, d)


def _mid_body(p_ref, hs_ref, dinv_ref, b_ref, w_ref, o_ref):
    dinv = dinv_ref[...]
    p = p_ref[:, :F_H] + p_ref[:, F_H:]
    t = dinv * (p + hs_ref[...]) + b_ref[...]
    t = jnp.maximum(t, 0.0)
    o_ref[...] = jnp.dot(t, w_ref[...],
                         preferred_element_type=jnp.float32) * dinv


def _mid(p, hs1, dinv, b1, w2):
    return pl.pallas_call(
        _mid_body,
        grid=(N // BLK,),
        in_specs=[pl.BlockSpec((BLK, 2 * F_H), lambda i: (i, 0)),
                  pl.BlockSpec((BLK, F_H), lambda i: (i, 0)),
                  pl.BlockSpec((BLK, 1), lambda i: (i, 0)),
                  pl.BlockSpec((1, F_H), lambda i: (0, 0)),
                  pl.BlockSpec((F_H, F_H), lambda i: (0, 0))],
        out_specs=pl.BlockSpec((BLK, F_H), lambda i: (i, 0)),
        out_shape=jax.ShapeDtypeStruct((N, F_H), jnp.float32),
    )(p, hs1, dinv, b1, w2)


def _final_body(p_ref, hs_ref, dinv_ref, b_ref, o_ref):
    dinv = dinv_ref[...]
    p = p_ref[:, :F_H] + p_ref[:, F_H:]
    t = dinv * (p + hs_ref[...]) + b_ref[...]
    t = jnp.maximum(t, 0.0)
    part = jnp.sum(t, axis=0, keepdims=True) * (1.0 / N)

    @pl.when(pl.program_id(0) == 0)
    def _():
        o_ref[...] = jnp.zeros_like(o_ref)

    o_ref[...] += part


def _final(q, hs2, dinv, b2):
    return pl.pallas_call(
        _final_body,
        grid=(N // BLK,),
        in_specs=[pl.BlockSpec((BLK, 2 * F_H), lambda i: (i, 0)),
                  pl.BlockSpec((BLK, F_H), lambda i: (i, 0)),
                  pl.BlockSpec((BLK, 1), lambda i: (i, 0)),
                  pl.BlockSpec((1, F_H), lambda i: (0, 0))],
        out_specs=pl.BlockSpec((1, F_H), lambda i: (0, 0)),
        out_shape=jax.ShapeDtypeStruct((1, F_H), jnp.float32),
    )(q, hs2, dinv, b2)


def kernel(x, edge_index, W1, b1, W2, b2):
    d = _deg_kernel(edge_index)
    hs1, dinv = _mm1s(x, W1, d)
    p = _prop_kernel(hs1, edge_index)
    hs2 = _mid(p, hs1, dinv, b1.reshape(1, F_H), W2)
    q = _prop_kernel(hs2, edge_index)
    return _final(q, hs2, dinv, b2.reshape(1, F_H))

# --- scband reference (transcript-rebuilt; emitter-appended) ---
"""Pipeline reference for scband-simple-gnnencoder-27865747816915 (READ-ONLY COPY).

The authoritative reference and input builder live on the scoring server;
editing this copy changes nothing except your own understanding.
"""

import jax, jax.numpy as jnp
import numpy as np

N_NODES = 10000
N_EDGES = 320000
IN_DIM = 128
HIDDEN = 64
OUT_DIM = 64


def glorot(key, shape):
    fan_in, fan_out = shape[0], shape[1]
    limit = (6.0 / (fan_in + fan_out)) ** 0.5
    return jax.random.uniform(key, shape, minval=-limit, maxval=limit, dtype=jnp.float32)


def setup_inputs(seed: int = 0) -> dict:
    key = jax.random.key(seed)
    k_x, k_e, k_w1, k_w2 = jax.random.split(key, 4)
    x = jax.random.normal(k_x, (N_NODES, IN_DIM), dtype=jnp.float32)
    edge_index = jax.random.randint(k_e, (2, N_EDGES), 0, N_NODES, dtype=jnp.int64 if jax.config.jax_enable_x64 else jnp.int32).astype(jnp.int32)
    W1 = glorot(k_w1, (IN_DIM, HIDDEN))
    b1 = jnp.zeros((HIDDEN,), dtype=jnp.float32)
    W2 = glorot(k_w2, (HIDDEN, OUT_DIM))
    b2 = jnp.zeros((OUT_DIM,), dtype=jnp.float32)
    return {"x": x, "edge_index": edge_index, "W1": W1, "b1": b1, "W2": W2, "b2": b2}


def gcn_conv(x, edge_index, W, b):
    # PyG GCNConv: linear transform (no bias), symmetric-normalized propagation
    # with self-loops, then add bias.
    n = x.shape[0]
    h = x @ W
    loop = jnp.arange(n, dtype=edge_index.dtype)
    src = jnp.concatenate([edge_index[0], loop])
    dst = jnp.concatenate([edge_index[1], loop])
    deg = jnp.zeros((n,), dtype=h.dtype).at[dst].add(1.0)
    deg_inv_sqrt = jnp.where(deg > 0, deg ** -0.5, 0.0)
    norm = deg_inv_sqrt[src] * deg_inv_sqrt[dst]
    msgs = h[src] * norm[:, None]
    out = jax.ops.segment_sum(msgs, dst, num_segments=n)
    return out + b


def reference(x, edge_index, W1, b1, W2, b2):
    h = jax.nn.relu(gcn_conv(x, edge_index, W1, b1))
    h = jax.nn.relu(gcn_conv(h, edge_index, W2, b2))
    # batch is None -> global mean over all nodes
    return h.mean(axis=0, keepdims=True)

if __name__ == "__main__":
    import jax
    _d = setup_inputs()
    print(jax.jit(kernel)(*tuple(_d.values())))

</pallas_src>

<mosaic_0001>
#map = affine_map<(d0, d1) -> (0, 0)>
module attributes {stable_mosaic.version = 14 : i64} {
  func.func @_deg_kernel(%arg0: i32, %arg1: i32, %arg2: memref<2x320000xi32, #tpu.memory_space<hbm>>, %arg3: memref<10240x128xf32, #tpu.memory_space<hbm>>, %arg4: memref<10000xi32, #tpu.memory_space<vmem>>, %arg5: memref<128x16xf32, #tpu.memory_space<vmem>>, %arg6: memref<64x16xf32, #tpu.memory_space<vmem>>, %arg7: memref<10240x16xf32, #tpu.memory_space<vmem_shared>>, %arg8: memref<!tpu.dma_semaphore, #tpu.memory_space<semaphore_mem>>, %arg9: memref<!tpu.dma_semaphore, #tpu.memory_space<semaphore_mem>>, %arg10: memref<!tpu.dma_semaphore, #tpu.memory_space<semaphore_mem>>, %arg11: memref<!tpu.dma_semaphore, #tpu.memory_space<semaphore_mem>>, %arg12: memref<!tpu.dma_semaphore, #tpu.memory_space<semaphore_mem>>, %arg13: memref<!tpu.dma_semaphore, #tpu.memory_space<semaphore_mem>>) attributes {dimension_semantics = [#tpu.dimension_semantics<core_parallel>, #tpu.dimension_semantics<subcore_parallel>], iteration_bounds = array<i64: 2, 16>, scalar_prefetch = 0 : i64, scratch_operands = 10 : i64, tpu.core_type = #tpu.core_type<sc_vector_subcore>, window_params = [{transform_indices = #map}, {transform_indices = #map}]} {
    %mul3A = arith.constant 16 : i32
    %mul3A_0 = arith.muli %arg0, %mul3A : i32
    %add3A = arith.addi %mul3A_0, %arg1 : i32
    %mul3A_1 = arith.constant 10000 : i32
    %mul3A_2 = arith.muli %add3A, %mul3A_1 : i32
    %dma_start3A = arith.constant 1 : i32
    %dma_start3A_3 = tpu.memref_slice %arg2[%dma_start3A, %mul3A_2] : memref<2x320000xi32, #tpu.memory_space<hbm>> -> memref<1x10000xi32, #tpu.memory_space<hbm>>
    %dma_start3A_4 = tpu.memref_squeeze %dma_start3A_3 : memref<1x10000xi32, #tpu.memory_space<hbm>> -> memref<10000xi32, #tpu.memory_space<hbm>>
    %dma_start3A_5 = tpu.memref_slice %arg2[%dma_start3A, %mul3A_2] : memref<2x320000xi32, #tpu.memory_space<hbm>> -> memref<1x10000xi32, #tpu.memory_space<hbm>>
    %dma_start3A_6 = tpu.memref_squeeze %dma_start3A_5 : memref<1x10000xi32, #tpu.memory_space<hbm>> -> memref<10000xi32, #tpu.memory_space<hbm>>
    tpu.enqueue_dma source(%dma_start3A_6 : memref<10000xi32, #tpu.memory_space<hbm>>) target(%arg4 : memref<10000xi32, #tpu.memory_space<vmem>>) target_semaphore(%arg8 : memref<!tpu.dma_semaphore, #tpu.memory_space<semaphore_mem>>)
    %scan3A = arith.constant 0 : i32
    %scan3A_7 = arith.constant 0 : i32
    %scan3A_8 = arith.constant 128 : i32
    %scan3A_9 = arith.addi %scan3A_7, %scan3A_8 : i32
    %scan3A_10 = arith.constant 1 : i32
    %scan3A_11 = scf.for %scan3A_76 = %scan3A_7 to %scan3A_9 step %scan3A_10 iter_args(%scan3A_77 = %scan3A) -> (i32)  : i32 {
      %broadcast_in_dim3A = arith.constant 1.000000e+00 : f32
      %broadcast_in_dim3A_78 = vector.broadcast %broadcast_in_dim3A : f32 to vector<16xf32>
      %swap3A = arith.index_cast %scan3A_76 : i32 to index
      %swap3A_79 = arith.constant 0 : index
      %swap3A_80 = tpu.vector_load %arg5[%swap3A, %swap3A_79] {strides = array<i32>} : memref<128x16xf32, #tpu.memory_space<vmem>>, vector<1x16xf32>,
      %swap3A_81 = vector.shape_cast %swap3A_80 : vector<1x16xf32> to vector<16xf32>
      %swap3A_82 = vector.shape_cast %broadcast_in_dim3A_78 : vector<16xf32> to vector<1x16xf32>
      tpu.vector_store %arg5[%swap3A, %swap3A_79], %swap3A_82 {strides = array<i32>} : memref<128x16xf32, #tpu.memory_space<vmem>>, vector<1x16xf32>,
      %scan3A_83 = arith.constant 0 : i32
      scf.yield %scan3A_83 : i32
    }
    %scan3A_12 = arith.constant 128 : i32
    %scan3A_13 = arith.constant 0 : i32
    %scan3A_14 = arith.constant 0 : i32
    %scan3A_15 = arith.constant 64 : i32
    %scan3A_16 = arith.addi %scan3A_14, %scan3A_15 : i32
    %scan3A_17 = arith.constant 1 : i32
    %scan3A_18 = scf.for %scan3A_76 = %scan3A_14 to %scan3A_16 step %scan3A_17 iter_args(%scan3A_77 = %scan3A_13) -> (i32)  : i32 {
      %broadcast_in_dim3A = arith.constant 0.000000e+00 : f32
      %broadcast_in_dim3A_78 = vector.broadcast %broadcast_in_dim3A : f32 to vector<16xf32>
      %swap3A = arith.index_cast %scan3A_76 : i32 to index
      %swap3A_79 = arith.constant 0 : index
      %swap3A_80 = tpu.vector_load %arg6[%swap3A, %swap3A_79] {strides = array<i32>} : memref<64x16xf32, #tpu.memory_space<vmem>>, vector<1x16xf32>,
      %swap3A_81 = vector.shape_cast %swap3A_80 : vector<1x16xf32> to vector<16xf32>
      %swap3A_82 = vector.shape_cast %broadcast_in_dim3A_78 : vector<16xf32> to vector<1x16xf32>
      tpu.vector_store %arg6[%swap3A, %swap3A_79], %swap3A_82 {strides = array<i32>} : memref<64x16xf32, #tpu.memory_space<vmem>>, vector<1x16xf32>,
      %scan3A_83 = arith.constant 0 : i32
      scf.yield %scan3A_83 : i32
    }
    %scan3A_19 = arith.constant 64 : i32
    %mul3A_20 = arith.constant 640 : i32
    %mul3A_21 = arith.muli %arg1, %mul3A_20 : i32
    %scan3A_22 = arith.constant 0 : i32
    %scan3A_23 = arith.constant 0 : i32
    %scan3A_24 = arith.constant 10 : i32
    %scan3A_25 = arith.addi %scan3A_23, %scan3A_24 : i32
    %scan3A_26 = arith.constant 1 : i32
    %scan3A_27 = scf.for %scan3A_76 = %scan3A_23 to %scan3A_25 step %scan3A_26 iter_args(%scan3A_77 = %scan3A_22) -> (i32)  : i32 {
      %mul3A_78 = arith.constant 64 : i32
      %mul3A_79 = arith.muli %mul3A_78, %scan3A_76 : i32
      %add3A_80 = arith.addi %mul3A_21, %mul3A_79 : i32
      "tpu.region"() ({
        %run_scoped3A = tpu.sem_alloc : memref<!tpu.dma_semaphore, #tpu.memory_space<semaphore_mem>>
        %dma_start3A_82 = arith.constant 0 : i32
        %dma_start3A_83 = tpu.memref_slice %arg7[%add3A_80, %dma_start3A_82] : memref<10240x16xf32, #tpu.memory_space<vmem_shared>> -> memref<64x16xf32, #tpu.memory_space<vmem_shared>>
        %dma_start3A_84 = arith.constant 0 : i32
        %dma_start3A_85 = tpu.memref_slice %arg7[%add3A_80, %dma_start3A_84] : memref<10240x16xf32, #tpu.memory_space<vmem_shared>> -> memref<64x16xf32, #tpu.memory_space<vmem_shared>>
        tpu.enqueue_dma source(%arg6 : memref<64x16xf32, #tpu.memory_space<vmem>>) target(%dma_start3A_85 : memref<64x16xf32, #tpu.memory_space<vmem_shared>>) target_semaphore(%run_scoped3A : memref<!tpu.dma_semaphore, #tpu.memory_space<semaphore_mem>>)
        %dma_wait3A_86 = arith.constant 0 : i32
        %dma_wait3A_87 = tpu.memref_slice %arg7[%add3A_80, %dma_wait3A_86] : memref<10240x16xf32, #tpu.memory_space<vmem_shared>> -> memref<64x16xf32, #tpu.memory_space<vmem_shared>>
        %dma_wait3A_88 = arith.constant 0 : i32
        %dma_wait3A_89 = tpu.memref_slice %arg7[%add3A_80, %dma_wait3A_88] : memref<10240x16xf32, #tpu.memory_space<vmem_shared>> -> memref<64x16xf32, #tpu.memory_space<vmem_shared>>
        tpu.wait_dma2 semaphore(%run_scoped3A : memref<!tpu.dma_semaphore, #tpu.memory_space<semaphore_mem>>) src(%arg6 : memref<64x16xf32, #tpu.memory_space<vmem>>) dst(%dma_wait3A_89 : memref<64x16xf32, #tpu.memory_space<vmem_shared>>)
        tpu.yield
      }) : () -> ()
      %scan3A_81 = arith.constant 0 : i32
      scf.yield %scan3A_81 : i32
    }
    %scan3A_28 = arith.constant 10 : i32
    %mul3A_29 = arith.constant 10000 : i32
    %mul3A_30 = arith.muli %add3A, %mul3A_29 : i32
    %dma_wait3A = arith.constant 1 : i32
    %dma_wait3A_31 = tpu.memref_slice %arg2[%dma_wait3A, %mul3A_30] : memref<2x320000xi32, #tpu.memory_space<hbm>> -> memref<1x10000xi32, #tpu.memory_space<hbm>>
    %dma_wait3A_32 = tpu.memref_squeeze %dma_wait3A_31 : memref<1x10000xi32, #tpu.memory_space<hbm>> -> memref<10000xi32, #tpu.memory_space<hbm>>
    %dma_wait3A_33 = tpu.memref_slice %arg2[%dma_wait3A, %mul3A_30] : memref<2x320000xi32, #tpu.memory_space<hbm>> -> memref<1x10000xi32, #tpu.memory_space<hbm>>
    %dma_wait3A_34 = tpu.memref_squeeze %dma_wait3A_33 : memref<1x10000xi32, #tpu.memory_space<hbm>> -> memref<10000xi32, #tpu.memory_space<hbm>>
    tpu.wait_dma2 semaphore(%arg8 : memref<!tpu.dma_semaphore, #tpu.memory_space<semaphore_mem>>) src(%dma_wait3A_34 : memref<10000xi32, #tpu.memory_space<hbm>>) dst(%arg4 : memref<10000xi32, #tpu.memory_space<vmem>>)
    %barrier3A = arith.constant 0 : index
    tpu.barrier barrier_id(%barrier3A)
    %dma_start3A_35 = arith.constant 0 : i32
    %dma_start3A_36 = arith.constant 0 : i32
    %dma_start3A_37 = tpu.memref_slice %arg5[%dma_start3A_35, %dma_start3A_36] : memref<128x16xf32, #tpu.memory_space<vmem>> -> memref<16x16xf32, #tpu.memory_space<vmem>>
    %dma_start3A_38 = arith.constant 9984 : i32
    %dma_start3A_39 = tpu.memref_slice %arg4[%dma_start3A_38] : memref<10000xi32, #tpu.memory_space<vmem>> -> memref<16xi32, #tpu.memory_space<vmem>>
    %dma_start3A_40 = arith.constant 0 : i32
    %dma_start3A_41 = arith.constant 0 : i32
    %dma_start3A_42 = tpu.memref_slice %arg7[%dma_start3A_40, %dma_start3A_41] : memref<10240x16xf32, #tpu.memory_space<vmem_shared>> -> memref<10240x16xf32, #tpu.memory_space<vmem_shared>>
    tpu.enqueue_indirect_dma source(%dma_start3A_37 : memref<16x16xf32, #tpu.memory_space<vmem>>) target(%dma_start3A_42 : memref<10240x16xf32, #tpu.memory_space<vmem_shared>>) offsets(%dma_start3A_39 : memref<16xi32, #tpu.memory_space<vmem>>) semaphore(%arg9 : memref<!tpu.dma_semaphore, #tpu.memory_space<semaphore_mem>>) {add = true}
    %scan3A_43 = arith.constant 0 : i32
    %scan3A_44 = arith.constant 0 : i32
    %scan3A_45 = arith.constant 20 : i32
    %scan3A_46 = arith.addi %scan3A_44, %scan3A_45 : i32
    %scan3A_47 = arith.constant 1 : i32
    %scan3A_48 = scf.for %scan3A_76 = %scan3A_44 to %scan3A_46 step %scan3A_47 iter_args(%scan3A_77 = %scan3A_43) -> (i32)  : i32 {
      %mul3A_78 = arith.constant 4 : i32
      %mul3A_79 = arith.muli %mul3A_78, %scan3A_76 : i32
      %add3A_80 = arith.constant 0 : i32
      %add3A_81 = arith.addi %mul3A_79, %add3A_80 : i32
      %ge3A = arith.constant 4 : i32
      %ge3A_82 = arith.cmpi sge, %add3A_81, %ge3A : i32
      %convert_element_type3A_83 = arith.extui %ge3A_82 : i1 to i32
      %cond3A_84 = arith.constant 0 : i32
      %cond3A_85 = arith.cmpi ne, %convert_element_type3A_83, %cond3A_84 : i32
      scf.if %cond3A_85 {
        %sub3A = arith.constant 4 : i32
        %sub3A_133 = arith.subi %add3A_81, %sub3A : i32
        %mul3A_134 = arith.constant 128 : i32
        %mul3A_135 = arith.muli %sub3A_133, %mul3A_134 : i32
        %dma_wait3A_136 = tpu.memref_slice %arg4[%mul3A_135] : memref<10000xi32, #tpu.memory_space<vmem>> -> memref<128xi32, #tpu.memory_space<vmem>>
        %dma_wait3A_137 = arith.constant 0 : i32
        %dma_wait3A_138 = arith.constant 0 : i32
        %dma_wait3A_139 = tpu.memref_slice %arg7[%dma_wait3A_137, %dma_wait3A_138] : memref<10240x16xf32, #tpu.memory_space<vmem_shared>> -> memref<10240x16xf32, #tpu.memory_space<vmem_shared>>
        tpu.wait_indirect_dma semaphore(%arg10 : memref<!tpu.dma_semaphore, #tpu.memory_space<semaphore_mem>>) src(%arg5 : memref<128x16xf32, #tpu.memory_space<vmem>>) dst(%dma_wait3A_139 : memref<10240x16xf32, #tpu.memory_space<vmem_shared>>)
      } else {
      }
      %lt3A = arith.constant 78 : i32
      %lt3A_86 = arith.cmpi slt, %add3A_81, %lt3A : i32
      %convert_element_type3A_87 = arith.extui %lt3A_86 : i1 to i32
      %cond3A_88 = arith.constant 0 : i32
      %cond3A_89 = arith.cmpi ne, %convert_element_type3A_87, %cond3A_88 : i32
      scf.if %cond3A_89 {
        %mul3A_133 = arith.constant 128 : i32
        %mul3A_134 = arith.muli %add3A_81, %mul3A_133 : i32
        %dma_start3A_135 = tpu.memref_slice %arg4[%mul3A_134] : memref<10000xi32, #tpu.memory_space<vmem>> -> memref<128xi32, #tpu.memory_space<vmem>>
        %dma_start3A_136 = arith.constant 0 : i32
        %dma_start3A_137 = arith.constant 0 : i32
        %dma_start3A_138 = tpu.memref_slice %arg7[%dma_start3A_136, %dma_start3A_137] : memref<10240x16xf32, #tpu.memory_space<vmem_shared>> -> memref<10240x16xf32, #tpu.memory_space<vmem_shared>>
        tpu.enqueue_indirect_dma source(%arg5 : memref<128x16xf32, #tpu.memory_space<vmem>>) target(%dma_start3A_138 : memref<10240x16xf32, #tpu.memory_space<vmem_shared>>) offsets(%dma_start3A_135 : memref<128xi32, #tpu.memory_space<vmem>>) semaphore(%arg10 : memref<!tpu.dma_semaphore, #tpu.memory_space<semaphore_mem>>) {add = true}
      } else {
      }
      %mul3A_90 = arith.constant 4 : i32
      %mul3A_91 = arith.muli %mul3A_90, %scan3A_76 : i32
      %add3A_92 = arith.constant 1 : i32
      %add3A_93 = arith.addi %mul3A_91, %add3A_92 : i32
      %ge3A_94 = arith.constant 4 : i32
      %ge3A_95 = arith.cmpi sge, %add3A_93, %ge3A_94 : i32
      %convert_element_type3A_96 = arith.extui %ge3A_95 : i1 to i32
      %cond3A_97 = arith.constant 0 : i32
      %cond3A_98 = arith.cmpi ne, %convert_element_type3A_96, %cond3A_97 : i32
      scf.if %cond3A_98 {
        %sub3A = arith.constant 4 : i32
        %sub3A_133 = arith.subi %add3A_93, %sub3A : i32
        %mul3A_134 = arith.constant 128 : i32
        %mul3A_135 = arith.muli %sub3A_133, %mul3A_134 : i32
        %dma_wait3A_136 = tpu.memref_slice %arg4[%mul3A_135] : memref<10000xi32, #tpu.memory_space<vmem>> -> memref<128xi32, #tpu.memory_space<vmem>>
        %dma_wait3A_137 = arith.constant 0 : i32
        %dma_wait3A_138 = arith.constant 0 : i32
        %dma_wait3A_139 = tpu.memref_slice %arg7[%dma_wait3A_137, %dma_wait3A_138] : memref<10240x16xf32, #tpu.memory_space<vmem_shared>> -> memref<10240x16xf32, #tpu.memory_space<vmem_shared>>
        tpu.wait_indirect_dma semaphore(%arg11 : memref<!tpu.dma_semaphore, #tpu.memory_space<semaphore_mem>>) src(%arg5 : memref<128x16xf32, #tpu.memory_space<vmem>>) dst(%dma_wait3A_139 : memref<10240x16xf32, #tpu.memory_space<vmem_shared>>)
      } else {
      }
      %lt3A_99 = arith.constant 78 : i32
      %lt3A_100 = arith.cmpi slt, %add3A_93, %lt3A_99 : i32
      %convert_element_type3A_101 = arith.extui %lt3A_100 : i1 to i32
      %cond3A_102 = arith.constant 0 : i32
      %cond3A_103 = arith.cmpi ne, %convert_element_type3A_101, %cond3A_102 : i32
      scf.if %cond3A_103 {
        %mul3A_133 = arith.constant 128 : i32
        %mul3A_134 = arith.muli %add3A_93, %mul3A_133 : i32
        %dma_start3A_135 = tpu.memref_slice %arg4[%mul3A_134] : memref<10000xi32, #tpu.memory_space<vmem>> -> memref<128xi32, #tpu.memory_space<vmem>>
        %dma_start3A_136 = arith.constant 0 : i32
        %dma_start3A_137 = arith.constant 0 : i32
        %dma_start3A_138 = tpu.memref_slice %arg7[%dma_start3A_136, %dma_start3A_137] : memref<10240x16xf32, #tpu.memory_space<vmem_shared>> -> memref<10240x16xf32, #tpu.memory_space<vmem_shared>>
        tpu.enqueue_indirect_dma source(%arg5 : memref<128x16xf32, #tpu.memory_space<vmem>>) target(%dma_start3A_138 : memref<10240x16xf32, #tpu.memory_space<vmem_shared>>) offsets(%dma_start3A_135 : memref<128xi32, #tpu.memory_space<vmem>>) semaphore(%arg11 : memref<!tpu.dma_semaphore, #tpu.memory_space<semaphore_mem>>) {add = true}
      } else {
      }
      %mul3A_104 = arith.constant 4 : i32
      %mul3A_105 = arith.muli %mul3A_104, %scan3A_76 : i32
      %add3A_106 = arith.constant 2 : i32
      %add3A_107 = arith.addi %mul3A_105, %add3A_106 : i32
      %ge3A_108 = arith.constant 4 : i32
      %ge3A_109 = arith.cmpi sge, %add3A_107, %ge3A_108 : i32
      %convert_element_type3A_110 = arith.extui %ge3A_109 : i1 to i32
      %cond3A_111 = arith.constant 0 : i32
      %cond3A_112 = arith.cmpi ne, %convert_element_type3A_110, %cond3A_111 : i32
      scf.if %cond3A_112 {
        %sub3A = arith.constant 4 : i32
        %sub3A_133 = arith.subi %add3A_107, %sub3A : i32
        %mul3A_134 = arith.constant 128 : i32
        %mul3A_135 = arith.muli %sub3A_133, %mul3A_134 : i32
        %dma_wait3A_136 = tpu.memref_slice %arg4[%mul3A_135] : memref<10000xi32, #tpu.memory_space<vmem>> -> memref<128xi32, #tpu.memory_space<vmem>>
        %dma_wait3A_137 = arith.constant 0 : i32
        %dma_wait3A_138 = arith.constant 0 : i32
        %dma_wait3A_139 = tpu.memref_slice %arg7[%dma_wait3A_137, %dma_wait3A_138] : memref<10240x16xf32, #tpu.memory_space<vmem_shared>> -> memref<10240x16xf32, #tpu.memory_space<vmem_shared>>
        tpu.wait_indirect_dma semaphore(%arg12 : memref<!tpu.dma_semaphore, #tpu.memory_space<semaphore_mem>>) src(%arg5 : memref<128x16xf32, #tpu.memory_space<vmem>>) dst(%dma_wait3A_139 : memref<10240x16xf32, #tpu.memory_space<vmem_shared>>)
      } else {
      }
      %lt3A_113 = arith.constant 78 : i32
      %lt3A_114 = arith.cmpi slt, %add3A_107, %lt3A_113 : i32
      %convert_element_type3A_115 = arith.extui %lt3A_114 : i1 to i32
      %cond3A_116 = arith.constant 0 : i32
      %cond3A_117 = arith.cmpi ne, %convert_element_type3A_115, %cond3A_116 : i32
      scf.if %cond3A_117 {
        %mul3A_133 = arith.constant 128 : i32
        %mul3A_134 = arith.muli %add3A_107, %mul3A_133 : i32
        %dma_start3A_135 = tpu.memref_slice %arg4[%mul3A_134] : memref<10000xi32, #tpu.memory_space<vmem>> -> memref<128xi32, #tpu.memory_space<vmem>>
        %dma_start3A_136 = arith.constant 0 : i32
        %dma_start3A_137 = arith.constant 0 : i32
        %dma_start3A_138 = tpu.memref_slice %arg7[%dma_start3A_136, %dma_start3A_137] : memref<10240x16xf32, #tpu.memory_space<vmem_shared>> -> memref<10240x16xf32, #tpu.memory_space<vmem_shared>>
        tpu.enqueue_indirect_dma source(%arg5 : memref<128x16xf32, #tpu.memory_space<vmem>>) target(%dma_start3A_138 : memref<10240x16xf32, #tpu.memory_space<vmem_shared>>) offsets(%dma_start3A_135 : memref<128xi32, #tpu.memory_space<vmem>>) semaphore(%arg12 : memref<!tpu.dma_semaphore, #tpu.memory_space<semaphore_mem>>) {add = true}
      } else {
      }
      %mul3A_118 = arith.constant 4 : i32
      %mul3A_119 = arith.muli %mul3A_118, %scan3A_76 : i32
      %add3A_120 = arith.constant 3 : i32
      %add3A_121 = arith.addi %mul3A_119, %add3A_120 : i32
      %ge3A_122 = arith.constant 4 : i32
      %ge3A_123 = arith.cmpi sge, %add3A_121, %ge3A_122 : i32
      %convert_element_type3A_124 = arith.extui %ge3A_123 : i1 to i32
      %cond3A_125 = arith.constant 0 : i32
      %cond3A_126 = arith.cmpi ne, %convert_element_type3A_124, %cond3A_125 : i32
      scf.if %cond3A_126 {
        %sub3A = arith.constant 4 : i32
        %sub3A_133 = arith.subi %add3A_121, %sub3A : i32
        %mul3A_134 = arith.constant 128 : i32
        %mul3A_135 = arith.muli %sub3A_133, %mul3A_134 : i32
        %dma_wait3A_136 = tpu.memref_slice %arg4[%mul3A_135] : memref<10000xi32, #tpu.memory_space<vmem>> -> memref<128xi32, #tpu.memory_space<vmem>>
        %dma_wait3A_137 = arith.constant 0 : i32
        %dma_wait3A_138 = arith.constant 0 : i32
        %dma_wait3A_139 = tpu.memref_slice %arg7[%dma_wait3A_137, %dma_wait3A_138] : memref<10240x16xf32, #tpu.memory_space<vmem_shared>> -> memref<10240x16xf32, #tpu.memory_space<vmem_shared>>
        tpu.wait_indirect_dma semaphore(%arg13 : memref<!tpu.dma_semaphore, #tpu.memory_space<semaphore_mem>>) src(%arg5 : memref<128x16xf32, #tpu.memory_space<vmem>>) dst(%dma_wait3A_139 : memref<10240x16xf32, #tpu.memory_space<vmem_shared>>)
      } else {
      }
      %lt3A_127 = arith.constant 78 : i32
      %lt3A_128 = arith.cmpi slt, %add3A_121, %lt3A_127 : i32
      %convert_element_type3A_129 = arith.extui %lt3A_128 : i1 to i32
      %cond3A_130 = arith.constant 0 : i32
      %cond3A_131 = arith.cmpi ne, %convert_element_type3A_129, %cond3A_130 : i32
      scf.if %cond3A_131 {
        %mul3A_133 = arith.constant 128 : i32
        %mul3A_134 = arith.muli %add3A_121, %mul3A_133 : i32
        %dma_start3A_135 = tpu.memref_slice %arg4[%mul3A_134] : memref<10000xi32, #tpu.memory_space<vmem>> -> memref<128xi32, #tpu.memory_space<vmem>>
        %dma_start3A_136 = arith.constant 0 : i32
        %dma_start3A_137 = arith.constant 0 : i32
        %dma_start3A_138 = tpu.memref_slice %arg7[%dma_start3A_136, %dma_start3A_137] : memref<10240x16xf32, #tpu.memory_space<vmem_shared>> -> memref<10240x16xf32, #tpu.memory_space<vmem_shared>>
        tpu.enqueue_indirect_dma source(%arg5 : memref<128x16xf32, #tpu.memory_space<vmem>>) target(%dma_start3A_138 : memref<10240x16xf32, #tpu.memory_space<vmem_shared>>) offsets(%dma_start3A_135 : memref<128xi32, #tpu.memory_space<vmem>>) semaphore(%arg13 : memref<!tpu.dma_semaphore, #tpu.memory_space<semaphore_mem>>) {add = true}
      } else {
      }
      %scan3A_132 = arith.constant 0 : i32
      scf.yield %scan3A_132 : i32
    }
    %scan3A_49 = arith.constant 20 : i32
    %dma_wait3A_50 = arith.constant 9728 : i32
    %dma_wait3A_51 = tpu.memref_slice %arg4[%dma_wait3A_50] : memref<10000xi32, #tpu.memory_space<vmem>> -> memref<128xi32, #tpu.memory_space<vmem>>
    %dma_wait3A_52 = arith.constant 0 : i32
    %dma_wait3A_53 = arith.constant 0 : i32
    %dma_wait3A_54 = tpu.memref_slice %arg7[%dma_wait3A_52, %dma_wait3A_53] : memref<10240x16xf32, #tpu.memory_space<vmem_shared>> -> memref<10240x16xf32, #tpu.memory_space<vmem_shared>>
    tpu.wait_indirect_dma semaphore(%arg10 : memref<!tpu.dma_semaphore, #tpu.memory_space<semaphore_mem>>) src(%arg5 : memref<128x16xf32, #tpu.memory_space<vmem>>) dst(%dma_wait3A_54 : memref<10240x16xf32, #tpu.memory_space<vmem_shared>>)
    %dma_wait3A_55 = arith.constant 9856 : i32
    %dma_wait3A_56 = tpu.memref_slice %arg4[%dma_wait3A_55] : memref<10000xi32, #tpu.memory_space<vmem>> -> memref<128xi32, #tpu.memory_space<vmem>>
    %dma_wait3A_57 = arith.constant 0 : i32
    %dma_wait3A_58 = arith.constant 0 : i32
    %dma_wait3A_59 = tpu.memref_slice %arg7[%dma_wait3A_57, %dma_wait3A_58] : memref<10240x16xf32, #tpu.memory_space<vmem_shared>> -> memref<10240x16xf32, #tpu.memory_space<vmem_shared>>
    tpu.wait_indirect_dma semaphore(%arg11 : memref<!tpu.dma_semaphore, #tpu.memory_space<semaphore_mem>>) src(%arg5 : memref<128x16xf32, #tpu.memory_space<vmem>>) dst(%dma_wait3A_59 : memref<10240x16xf32, #tpu.memory_space<vmem_shared>>)
    %dma_wait3A_60 = arith.constant 0 : i32
    %dma_wait3A_61 = arith.constant 0 : i32
    %dma_wait3A_62 = tpu.memref_slice %arg5[%dma_wait3A_60, %dma_wait3A_61] : memref<128x16xf32, #tpu.memory_space<vmem>> -> memref<16x16xf32, #tpu.memory_space<vmem>>
    %dma_wait3A_63 = arith.constant 9984 : i32
    %dma_wait3A_64 = tpu.memref_slice %arg4[%dma_wait3A_63] : memref<10000xi32, #tpu.memory_space<vmem>> -> memref<16xi32, #tpu.memory_space<vmem>>
    %dma_wait3A_65 = arith.constant 0 : i32
    %dma_wait3A_66 = arith.constant 0 : i32
    %dma_wait3A_67 = tpu.memref_slice %arg7[%dma_wait3A_65, %dma_wait3A_66] : memref<10240x16xf32, #tpu.memory_space<vmem_shared>> -> memref<10240x16xf32, #tpu.memory_space<vmem_shared>>
    tpu.wait_indirect_dma semaphore(%arg9 : memref<!tpu.dma_semaphore, #tpu.memory_space<semaphore_mem>>) src(%dma_wait3A_62 : memref<16x16xf32, #tpu.memory_space<vmem>>) dst(%dma_wait3A_67 : memref<10240x16xf32, #tpu.memory_space<vmem_shared>>)
    %barrier3A_68 = arith.constant 0 : index
    tpu.barrier barrier_id(%barrier3A_68)
    %eq3A = arith.constant 0 : i32
    %eq3A_69 = arith.cmpi eq, %arg0, %eq3A : i32
    %convert_element_type3A = arith.extui %eq3A_69 : i1 to i32
    %cond3A = arith.constant 0 : i32
    %cond3A_70 = arith.cmpi ne, %convert_element_type3A, %cond3A : i32
    scf.if %cond3A_70 {
      "tpu.region"() ({
        %run_scoped3A = tpu.sem_alloc : memref<!tpu.dma_semaphore, #tpu.memory_space<semaphore_mem>>
        %dma_start3A_76 = arith.constant 0 : i32
        %dma_start3A_77 = tpu.memref_slice %arg3[%mul3A_21, %dma_start3A_76] : memref<10240x128xf32, #tpu.memory_space<hbm>> -> memref<640x16xf32, #tpu.memory_space<hbm>>
        %dma_start3A_78 = arith.constant 0 : i32
        %dma_start3A_79 = tpu.memref_slice %arg7[%mul3A_21, %dma_start3A_78] : memref<10240x16xf32, #tpu.memory_space<vmem_shared>> -> memref<640x16xf32, #tpu.memory_space<vmem_shared>>
        tpu.enqueue_dma source(%dma_start3A_79 : memref<640x16xf32, #tpu.memory_space<vmem_shared>>) target(%dma_start3A_77 : memref<640x16xf32, #tpu.memory_space<hbm>>) target_semaphore(%run_scoped3A : memref<!tpu.dma_semaphore, #tpu.memory_space<semaphore_mem>>)
        %dma_wait3A_80 = arith.constant 0 : i32
        %dma_wait3A_81 = tpu.memref_slice %arg3[%mul3A_21, %dma_wait3A_80] : memref<10240x128xf32, #tpu.memory_space<hbm>> -> memref<640x16xf32, #tpu.memory_space<hbm>>
        %dma_wait3A_82 = arith.constant 0 : i32
        %dma_wait3A_83 = tpu.memref_slice %arg7[%mul3A_21, %dma_wait3A_82] : memref<10240x16xf32, #tpu.memory_space<vmem_shared>> -> memref<640x16xf32, #tpu.memory_space<vmem_shared>>
        tpu.wait_dma2 semaphore(%run_scoped3A : memref<!tpu.dma_semaphore, #tpu.memory_space<semaphore_mem>>) src(%dma_wait3A_83 : memref<640x16xf32, #tpu.memory_space<vmem_shared>>) dst(%dma_wait3A_81 : memref<640x16xf32, #tpu.memory_space<hbm>>)
        tpu.yield
      }) : () -> ()
    } else {
    }
    %eq3A_71 = arith.constant 1 : i32
    %eq3A_72 = arith.cmpi eq, %arg0, %eq3A_71 : i32
    %convert_element_type3A_73 = arith.extui %eq3A_72 : i1 to i32
    %cond3A_74 = arith.constant 0 : i32
    %cond3A_75 = arith.cmpi ne, %convert_element_type3A_73, %cond3A_74 : i32
    scf.if %cond3A_75 {
      "tpu.region"() ({
        %run_scoped3A = tpu.sem_alloc : memref<!tpu.dma_semaphore, #tpu.memory_space<semaphore_mem>>
        %dma_start3A_76 = arith.constant 16 : i32
        %dma_start3A_77 = tpu.memref_slice %arg3[%mul3A_21, %dma_start3A_76] : memref<10240x128xf32, #tpu.memory_space<hbm>> -> memref<640x16xf32, #tpu.memory_space<hbm>>
        %dma_start3A_78 = arith.constant 0 : i32
        %dma_start3A_79 = tpu.memref_slice %arg7[%mul3A_21, %dma_start3A_78] : memref<10240x16xf32, #tpu.memory_space<vmem_shared>> -> memref<640x16xf32, #tpu.memory_space<vmem_shared>>
        tpu.enqueue_dma source(%dma_start3A_79 : memref<640x16xf32, #tpu.memory_space<vmem_shared>>) target(%dma_start3A_77 : memref<640x16xf32, #tpu.memory_space<hbm>>) target_semaphore(%run_scoped3A : memref<!tpu.dma_semaphore, #tpu.memory_space<semaphore_mem>>)
        %dma_wait3A_80 = arith.constant 16 : i32
        %dma_wait3A_81 = tpu.memref_slice %arg3[%mul3A_21, %dma_wait3A_80] : memref<10240x128xf32, #tpu.memory_space<hbm>> -> memref<640x16xf32, #tpu.memory_space<hbm>>
        %dma_wait3A_82 = arith.constant 0 : i32
        %dma_wait3A_83 = tpu.memref_slice %arg7[%mul3A_21, %dma_wait3A_82] : memref<10240x16xf32, #tpu.memory_space<vmem_shared>> -> memref<640x16xf32, #tpu.memory_space<vmem_shared>>
        tpu.wait_dma2 semaphore(%run_scoped3A : memref<!tpu.dma_semaphore, #tpu.memory_space<semaphore_mem>>) src(%dma_wait3A_83 : memref<640x16xf32, #tpu.memory_space<vmem_shared>>) dst(%dma_wait3A_81 : memref<640x16xf32, #tpu.memory_space<hbm>>)
        tpu.yield
      }) : () -> ()
    } else {
    }
    return
  }
}

#map = affine_map<(d0, d1) -> (0, 0)>
module attributes {stable_mosaic.version = 14 : i64} {
  func.func @_prop_kernel(%arg0: i32, %arg1: i32, %arg2: memref<10000x64xf32, #tpu.memory_space<hbm>>, %arg3: memref<2x320000xi32, #tpu.memory_space<hbm>>, %arg4: memref<10240x128xf32, #tpu.memory_space<hbm>>, %arg5: memref<10000xi32, #tpu.memory_space<vmem>>, %arg6: memref<10000xi32, #tpu.memory_space<vmem>>, %arg7: memref<128x64xf32, #tpu.memory_space<vmem>>, %arg8: memref<128x64xf32, #tpu.memory_space<vmem>>, %arg9: memref<128x64xf32, #tpu.memory_space<vmem>>, %arg10: memref<128x64xf32, #tpu.memory_space<vmem>>, %arg11: memref<128x64xf32, #tpu.memory_space<vmem>>, %arg12: memref<128x64xf32, #tpu.memory_space<vmem>>, %arg13: memref<16x64xf32, #tpu.memory_space<vmem>>, %arg14: memref<64x64xf32, #tpu.memory_space<vmem>>, %arg15: memref<10240x64xf32, #tpu.memory_space<vmem_shared>>, %arg16: memref<!tpu.dma_semaphore, #tpu.memory_space<semaphore_mem>>, %arg17: memref<!tpu.dma_semaphore, #tpu.memory_space<semaphore_mem>>, %arg18: memref<!tpu.dma_semaphore, #tpu.memory_space<semaphore_mem>>, %arg19: memref<!tpu.dma_semaphore, #tpu.memory_space<semaphore_mem>>, %arg20: memref<!tpu.dma_semaphore, #tpu.memory_space<semaphore_mem>>, %arg21: memref<!tpu.dma_semaphore, #tpu.memory_space<semaphore_mem>>, %arg22: memref<!tpu.dma_semaphore, #tpu.memory_space<semaphore_mem>>, %arg23: memref<!tpu.dma_semaphore, #tpu.memory_space<semaphore_mem>>, %arg24: memref<!tpu.dma_semaphore, #tpu.memory_space<semaphore_mem>>, %arg25: memref<!tpu.dma_semaphore, #tpu.memory_space<semaphore_mem>>, %arg26: memref<!tpu.dma_semaphore, #tpu.memory_space<semaphore_mem>>, %arg27: memref<!tpu.dma_semaphore, #tpu.memory_space<semaphore_mem>>, %arg28: memref<!tpu.dma_semaphore, #tpu.memory_space<semaphore_mem>>, %arg29: memref<!tpu.dma_semaphore, #tpu.memory_space<semaphore_mem>>, %arg30: memref<!tpu.dma_semaphore, #tpu.memory_space<semaphore_mem>>) attributes {dimension_semantics = [#tpu.dimension_semantics<core_parallel>, #tpu.dimension_semantics<subcore_parallel>], iteration_bounds = array<i64: 2, 16>, scalar_prefetch = 0 : i64, scratch_operands = 26 : i64, tpu.core_type = #tpu.core_type<sc_vector_subcore>, window_params = [{transform_indices = #map}, {transform_indices = #map}, {transform_indices = #map}]} {
    %mul3A = arith.constant 16 : i32
    %mul3A_0 = arith.muli %arg0, %mul3A : i32
    %add3A = arith.addi %mul3A_0, %arg1 : i32
    %mul3A_1 = arith.constant 640 : i32
    %mul3A_2 = arith.muli %arg1, %mul3A_1 : i32
    %mul3A_3 = arith.constant 10000 : i32
    %mul3A_4 = arith.muli %add3A, %mul3A_3 : i32
    %dma_start3A = arith.constant 0 : i32
    %dma_start3A_5 = tpu.memref_slice %arg3[%dma_start3A, %mul3A_4] : memref<2x320000xi32, #tpu.memory_space<hbm>> -> memref<1x10000xi32, #tpu.memory_space<hbm>>
    %dma_start3A_6 = tpu.memref_squeeze %dma_start3A_5 : memref<1x10000xi32, #tpu.memory_space<hbm>> -> memref<10000xi32, #tpu.memory_space<hbm>>
    %dma_start3A_7 = tpu.memref_slice %arg3[%dma_start3A, %mul3A_4] : memref<2x320000xi32, #tpu.memory_space<hbm>> -> memref<1x10000xi32, #tpu.memory_space<hbm>>
    %dma_start3A_8 = tpu.memref_squeeze %dma_start3A_7 : memref<1x10000xi32, #tpu.memory_space<hbm>> -> memref<10000xi32, #tpu.memory_space<hbm>>
    tpu.enqueue_dma source(%dma_start3A_8 : memref<10000xi32, #tpu.memory_space<hbm>>) target(%arg5 : memref<10000xi32, #tpu.memory_space<vmem>>) target_semaphore(%arg30 : memref<!tpu.dma_semaphore, #tpu.memory_space<semaphore_mem>>)
    %dma_start3A_9 = arith.constant 1 : i32
    %dma_start3A_10 = tpu.memref_slice %arg3[%dma_start3A_9, %mul3A_4] : memref<2x320000xi32, #tpu.memory_space<hbm>> -> memref<1x10000xi32, #tpu.memory_space<hbm>>
    %dma_start3A_11 = tpu.memref_squeeze %dma_start3A_10 : memref<1x10000xi32, #tpu.memory_space<hbm>> -> memref<10000xi32, #tpu.memory_space<hbm>>
    %dma_start3A_12 = tpu.memref_slice %arg3[%dma_start3A_9, %mul3A_4] : memref<2x320000xi32, #tpu.memory_space<hbm>> -> memref<1x10000xi32, #tpu.memory_space<hbm>>
    %dma_start3A_13 = tpu.memref_squeeze %dma_start3A_12 : memref<1x10000xi32, #tpu.memory_space<hbm>> -> memref<10000xi32, #tpu.memory_space<hbm>>
    tpu.enqueue_dma source(%dma_start3A_13 : memref<10000xi32, #tpu.memory_space<hbm>>) target(%arg6 : memref<10000xi32, #tpu.memory_space<vmem>>) target_semaphore(%arg30 : memref<!tpu.dma_semaphore, #tpu.memory_space<semaphore_mem>>)
    %scan3A = arith.constant 0 : i32
    %scan3A_14 = arith.constant 0 : i32
    %scan3A_15 = arith.constant 64 : i32
    %scan3A_16 = arith.addi %scan3A_14, %scan3A_15 : i32
    %scan3A_17 = arith.constant 1 : i32
    %scan3A_18 = scf.for %scan3A_108 = %scan3A_14 to %scan3A_16 step %scan3A_17 iter_args(%scan3A_109 = %scan3A) -> (i32)  : i32 {
      %broadcast_in_dim3A = arith.constant 0.000000e+00 : f32
      %broadcast_in_dim3A_110 = vector.broadcast %broadcast_in_dim3A : f32 to vector<16xf32>
      %swap3A = arith.index_cast %scan3A_108 : i32 to index
      %swap3A_111 = arith.constant 0 : index
      %swap3A_112 = tpu.vector_load %arg14[%swap3A, %swap3A_111] {strides = array<i32>} : memref<64x64xf32, #tpu.memory_space<vmem>>, vector<1x16xf32>,
      %swap3A_113 = vector.shape_cast %swap3A_112 : vector<1x16xf32> to vector<16xf32>
      %swap3A_114 = vector.shape_cast %broadcast_in_dim3A_110 : vector<16xf32> to vector<1x16xf32>
      tpu.vector_store %arg14[%swap3A, %swap3A_111], %swap3A_114 {strides = array<i32>} : memref<64x64xf32, #tpu.memory_space<vmem>>, vector<1x16xf32>,
      %broadcast_in_dim3A_115 = arith.constant 0.000000e+00 : f32
      %broadcast_in_dim3A_116 = vector.broadcast %broadcast_in_dim3A_115 : f32 to vector<16xf32>
      %swap3A_117 = arith.index_cast %scan3A_108 : i32 to index
      %swap3A_118 = arith.constant 16 : index
      %swap3A_119 = tpu.vector_load %arg14[%swap3A_117, %swap3A_118] {strides = array<i32>} : memref<64x64xf32, #tpu.memory_space<vmem>>, vector<1x16xf32>,
      %swap3A_120 = vector.shape_cast %swap3A_119 : vector<1x16xf32> to vector<16xf32>
      %swap3A_121 = vector.shape_cast %broadcast_in_dim3A_116 : vector<16xf32> to vector<1x16xf32>
      tpu.vector_store %arg14[%swap3A_117, %swap3A_118], %swap3A_121 {strides = array<i32>} : memref<64x64xf32, #tpu.memory_space<vmem>>, vector<1x16xf32>,
      %broadcast_in_dim3A_122 = arith.constant 0.000000e+00 : f32
      %broadcast_in_dim3A_123 = vector.broadcast %broadcast_in_dim3A_122 : f32 to vector<16xf32>
      %swap3A_124 = arith.index_cast %scan3A_108 : i32 to index
      %swap3A_125 = arith.constant 32 : index
      %swap3A_126 = tpu.vector_load %arg14[%swap3A_124, %swap3A_125] {strides = array<i32>} : memref<64x64xf32, #tpu.memory_space<vmem>>, vector<1x16xf32>,
      %swap3A_127 = vector.shape_cast %swap3A_126 : vector<1x16xf32> to vector<16xf32>
      %swap3A_128 = vector.shape_cast %broadcast_in_dim3A_123 : vector<16xf32> to vector<1x16xf32>
      tpu.vector_store %arg14[%swap3A_124, %swap3A_125], %swap3A_128 {strides = array<i32>} : memref<64x64xf32, #tpu.memory_space<vmem>>, vector<1x16xf32>,
      %broadcast_in_dim3A_129 = arith.constant 0.000000e+00 : f32
      %broadcast_in_dim3A_130 = vector.broadcast %broadcast_in_dim3A_129 : f32 to vector<16xf32>
      %swap3A_131 = arith.index_cast %scan3A_108 : i32 to index
      %swap3A_132 = arith.constant 48 : index
      %swap3A_133 = tpu.vector_load %arg14[%swap3A_131, %swap3A_132] {strides = array<i32>} : memref<64x64xf32, #tpu.memory_space<vmem>>, vector<1x16xf32>,
      %swap3A_134 = vector.shape_cast %swap3A_133 : vector<1x16xf32> to vector<16xf32>
      %swap3A_135 = vector.shape_cast %broadcast_in_dim3A_130 : vector<16xf32> to vector<1x16xf32>
      tpu.vector_store %arg14[%swap3A_131, %swap3A_132], %swap3A_135 {strides = array<i32>} : memref<64x64xf32, #tpu.memory_space<vmem>>, vector<1x16xf32>,
      %scan3A_136 = arith.constant 0 : i32
      scf.yield %scan3A_136 : i32
    }
    %scan3A_19 = arith.constant 64 : i32
    %scan3A_20 = arith.constant 0 : i32
    %scan3A_21 = arith.constant 0 : i32
    %scan3A_22 = arith.constant 2 : i32
    %scan3A_23 = arith.addi %scan3A_21, %scan3A_22 : i32
    %scan3A_24 = arith.constant 1 : i32
    %scan3A_25 = scf.for %scan3A_108 = %scan3A_21 to %scan3A_23 step %scan3A_24 iter_args(%scan3A_109 = %scan3A_20) -> (i32)  : i32 {
      %mul3A_110 = arith.constant 5 : i32
      %mul3A_111 = arith.muli %mul3A_110, %scan3A_108 : i32
      %add3A_112 = arith.constant 0 : i32
      %add3A_113 = arith.addi %mul3A_111, %add3A_112 : i32
      %mul3A_114 = arith.constant 64 : i32
      %mul3A_115 = arith.muli %mul3A_114, %add3A_113 : i32
      %add3A_116 = arith.addi %mul3A_2, %mul3A_115 : i32
      %dma_start3A_117 = arith.constant 0 : i32
      %dma_start3A_118 = tpu.memref_slice %arg15[%add3A_116, %dma_start3A_117] : memref<10240x64xf32, #tpu.memory_space<vmem_shared>> -> memref<64x64xf32, #tpu.memory_space<vmem_shared>>
      %dma_start3A_119 = arith.constant 0 : i32
      %dma_start3A_120 = tpu.memref_slice %arg15[%add3A_116, %dma_start3A_119] : memref<10240x64xf32, #tpu.memory_space<vmem_shared>> -> memref<64x64xf32, #tpu.memory_space<vmem_shared>>
      tpu.enqueue_dma source(%arg14 : memref<64x64xf32, #tpu.memory_space<vmem>>) target(%dma_start3A_120 : memref<64x64xf32, #tpu.memory_space<vmem_shared>>) target_semaphore(%arg22 : memref<!tpu.dma_semaphore, #tpu.memory_space<semaphore_mem>>)
      %mul3A_121 = arith.constant 5 : i32
      %mul3A_122 = arith.muli %mul3A_121, %scan3A_108 : i32
      %add3A_123 = arith.constant 1 : i32
      %add3A_124 = arith.addi %mul3A_122, %add3A_123 : i32
      %mul3A_125 = arith.constant 64 : i32
      %mul3A_126 = arith.muli %mul3A_125, %add3A_124 : i32
      %add3A_127 = arith.addi %mul3A_2, %mul3A_126 : i32
      %dma_start3A_128 = arith.constant 0 : i32
      %dma_start3A_129 = tpu.memref_slice %arg15[%add3A_127, %dma_start3A_128] : memref<10240x64xf32, #tpu.memory_space<vmem_shared>> -> memref<64x64xf32, #tpu.memory_space<vmem_shared>>
      %dma_start3A_130 = arith.constant 0 : i32
      %dma_start3A_131 = tpu.memref_slice %arg15[%add3A_127, %dma_start3A_130] : memref<10240x64xf32, #tpu.memory_space<vmem_shared>> -> memref<64x64xf32, #tpu.memory_space<vmem_shared>>
      tpu.enqueue_dma source(%arg14 : memref<64x64xf32, #tpu.memory_space<vmem>>) target(%dma_start3A_131 : memref<64x64xf32, #tpu.memory_space<vmem_shared>>) target_semaphore(%arg23 : memref<!tpu.dma_semaphore, #tpu.memory_space<semaphore_mem>>)
      %mul3A_132 = arith.constant 5 : i32
      %mul3A_133 = arith.muli %mul3A_132, %scan3A_108 : i32
      %add3A_134 = arith.constant 2 : i32
      %add3A_135 = arith.addi %mul3A_133, %add3A_134 : i32
      %mul3A_136 = arith.constant 64 : i32
      %mul3A_137 = arith.muli %mul3A_136, %add3A_135 : i32
      %add3A_138 = arith.addi %mul3A_2, %mul3A_137 : i32
      %dma_start3A_139 = arith.constant 0 : i32
      %dma_start3A_140 = tpu.memref_slice %arg15[%add3A_138, %dma_start3A_139] : memref<10240x64xf32, #tpu.memory_space<vmem_shared>> -> memref<64x64xf32, #tpu.memory_space<vmem_shared>>
      %dma_start3A_141 = arith.constant 0 : i32
      %dma_start3A_142 = tpu.memref_slice %arg15[%add3A_138, %dma_start3A_141] : memref<10240x64xf32, #tpu.memory_space<vmem_shared>> -> memref<64x64xf32, #tpu.memory_space<vmem_shared>>
      tpu.enqueue_dma source(%arg14 : memref<64x64xf32, #tpu.memory_space<vmem>>) target(%dma_start3A_142 : memref<64x64xf32, #tpu.memory_space<vmem_shared>>) target_semaphore(%arg24 : memref<!tpu.dma_semaphore, #tpu.memory_space<semaphore_mem>>)
      %mul3A_143 = arith.constant 5 : i32
      %mul3A_144 = arith.muli %mul3A_143, %scan3A_108 : i32
      %add3A_145 = arith.constant 3 : i32
      %add3A_146 = arith.addi %mul3A_144, %add3A_145 : i32
      %mul3A_147 = arith.constant 64 : i32
      %mul3A_148 = arith.muli %mul3A_147, %add3A_146 : i32
      %add3A_149 = arith.addi %mul3A_2, %mul3A_148 : i32
      %dma_start3A_150 = arith.constant 0 : i32
      %dma_start3A_151 = tpu.memref_slice %arg15[%add3A_149, %dma_start3A_150] : memref<10240x64xf32, #tpu.memory_space<vmem_shared>> -> memref<64x64xf32, #tpu.memory_space<vmem_shared>>
      %dma_start3A_152 = arith.constant 0 : i32
      %dma_start3A_153 = tpu.memref_slice %arg15[%add3A_149, %dma_start3A_152] : memref<10240x64xf32, #tpu.memory_space<vmem_shared>> -> memref<64x64xf32, #tpu.memory_space<vmem_shared>>
      tpu.enqueue_dma source(%arg14 : memref<64x64xf32, #tpu.memory_space<vmem>>) target(%dma_start3A_153 : memref<64x64xf32, #tpu.memory_space<vmem_shared>>) target_semaphore(%arg25 : memref<!tpu.dma_semaphore, #tpu.memory_space<semaphore_mem>>)
      %mul3A_154 = arith.constant 5 : i32
      %mul3A_155 = arith.muli %mul3A_154, %scan3A_108 : i32
      %add3A_156 = arith.constant 4 : i32
      %add3A_157 = arith.addi %mul3A_155, %add3A_156 : i32
      %mul3A_158 = arith.constant 64 : i32
      %mul3A_159 = arith.muli %mul3A_158, %add3A_157 : i32
      %add3A_160 = arith.addi %mul3A_2, %mul3A_159 : i32
      %dma_start3A_161 = arith.constant 0 : i32
      %dma_start3A_162 = tpu.memref_slice %arg15[%add3A_160, %dma_start3A_161] : memref<10240x64xf32, #tpu.memory_space<vmem_shared>> -> memref<64x64xf32, #tpu.memory_space<vmem_shared>>
      %dma_start3A_163 = arith.constant 0 : i32
      %dma_start3A_164 = tpu.memref_slice %arg15[%add3A_160, %dma_start3A_163] : memref<10240x64xf32, #tpu.memory_space<vmem_shared>> -> memref<64x64xf32, #tpu.memory_space<vmem_shared>>
      tpu.enqueue_dma source(%arg14 : memref<64x64xf32, #tpu.memory_space<vmem>>) target(%dma_start3A_164 : memref<64x64xf32, #tpu.memory_space<vmem_shared>>) target_semaphore(%arg26 : memref<!tpu.dma_semaphore, #tpu.memory_space<semaphore_mem>>)
      %scan3A_165 = arith.constant 0 : i32
      scf.yield %scan3A_165 : i32
    }
    %scan3A_26 = arith.constant 2 : i32
    %scan3A_27 = arith.constant 0 : i32
    %scan3A_28 = arith.constant 0 : i32
    %scan3A_29 = arith.constant 2 : i32
    %scan3A_30 = arith.addi %scan3A_28, %scan3A_29 : i32
    %scan3A_31 = arith.constant 1 : i32
    %scan3A_32 = scf.for %scan3A_108 = %scan3A_28 to %scan3A_30 step %scan3A_31 iter_args(%scan3A_109 = %scan3A_27) -> (i32)  : i32 {
      %mul3A_110 = arith.constant 5 : i32
      %mul3A_111 = arith.muli %mul3A_110, %scan3A_108 : i32
      %add3A_112 = arith.constant 0 : i32
      %add3A_113 = arith.addi %mul3A_111, %add3A_112 : i32
      %mul3A_114 = arith.constant 64 : i32
      %mul3A_115 = arith.muli %mul3A_114, %add3A_113 : i32
      %add3A_116 = arith.addi %mul3A_2, %mul3A_115 : i32
      %dma_wait3A_117 = arith.constant 0 : i32
      %dma_wait3A_118 = tpu.memref_slice %arg15[%add3A_116, %dma_wait3A_117] : memref<10240x64xf32, #tpu.memory_space<vmem_shared>> -> memref<64x64xf32, #tpu.memory_space<vmem_shared>>
      %dma_wait3A_119 = arith.constant 0 : i32
      %dma_wait3A_120 = tpu.memref_slice %arg15[%add3A_116, %dma_wait3A_119] : memref<10240x64xf32, #tpu.memory_space<vmem_shared>> -> memref<64x64xf32, #tpu.memory_space<vmem_shared>>
      tpu.wait_dma2 semaphore(%arg22 : memref<!tpu.dma_semaphore, #tpu.memory_space<semaphore_mem>>) src(%arg14 : memref<64x64xf32, #tpu.memory_space<vmem>>) dst(%dma_wait3A_120 : memref<64x64xf32, #tpu.memory_space<vmem_shared>>)
      %mul3A_121 = arith.constant 5 : i32
      %mul3A_122 = arith.muli %mul3A_121, %scan3A_108 : i32
      %add3A_123 = arith.constant 1 : i32
      %add3A_124 = arith.addi %mul3A_122, %add3A_123 : i32
      %mul3A_125 = arith.constant 64 : i32
      %mul3A_126 = arith.muli %mul3A_125, %add3A_124 : i32
      %add3A_127 = arith.addi %mul3A_2, %mul3A_126 : i32
      %dma_wait3A_128 = arith.constant 0 : i32
      %dma_wait3A_129 = tpu.memref_slice %arg15[%add3A_127, %dma_wait3A_128] : memref<10240x64xf32, #tpu.memory_space<vmem_shared>> -> memref<64x64xf32, #tpu.memory_space<vmem_shared>>
      %dma_wait3A_130 = arith.constant 0 : i32
      %dma_wait3A_131 = tpu.memref_slice %arg15[%add3A_127, %dma_wait3A_130] : memref<10240x64xf32, #tpu.memory_space<vmem_shared>> -> memref<64x64xf32, #tpu.memory_space<vmem_shared>>
      tpu.wait_dma2 semaphore(%arg23 : memref<!tpu.dma_semaphore, #tpu.memory_space<semaphore_mem>>) src(%arg14 : memref<64x64xf32, #tpu.memory_space<vmem>>) dst(%dma_wait3A_131 : memref<64x64xf32, #tpu.memory_space<vmem_shared>>)
      %mul3A_132 = arith.constant 5 : i32
      %mul3A_133 = arith.muli %mul3A_132, %scan3A_108 : i32
      %add3A_134 = arith.constant 2 : i32
      %add3A_135 = arith.addi %mul3A_133, %add3A_134 : i32
      %mul3A_136 = arith.constant 64 : i32
      %mul3A_137 = arith.muli %mul3A_136, %add3A_135 : i32
      %add3A_138 = arith.addi %mul3A_2, %mul3A_137 : i32
      %dma_wait3A_139 = arith.constant 0 : i32
      %dma_wait3A_140 = tpu.memref_slice %arg15[%add3A_138, %dma_wait3A_139] : memref<10240x64xf32, #tpu.memory_space<vmem_shared>> -> memref<64x64xf32, #tpu.memory_space<vmem_shared>>
      %dma_wait3A_141 = arith.constant 0 : i32
      %dma_wait3A_142 = tpu.memref_slice %arg15[%add3A_138, %dma_wait3A_141] : memref<10240x64xf32, #tpu.memory_space<vmem_shared>> -> memref<64x64xf32, #tpu.memory_space<vmem_shared>>
      tpu.wait_dma2 semaphore(%arg24 : memref<!tpu.dma_semaphore, #tpu.memory_space<semaphore_mem>>) src(%arg14 : memref<64x64xf32, #tpu.memory_space<vmem>>) dst(%dma_wait3A_142 : memref<64x64xf32, #tpu.memory_space<vmem_shared>>)
      %mul3A_143 = arith.constant 5 : i32
      %mul3A_144 = arith.muli %mul3A_143, %scan3A_108 : i32
      %add3A_145 = arith.constant 3 : i32
      %add3A_146 = arith.addi %mul3A_144, %add3A_145 : i32
      %mul3A_147 = arith.constant 64 : i32
      %mul3A_148 = arith.muli %mul3A_147, %add3A_146 : i32
      %add3A_149 = arith.addi %mul3A_2, %mul3A_148 : i32
      %dma_wait3A_150 = arith.constant 0 : i32
      %dma_wait3A_151 = tpu.memref_slice %arg15[%add3A_149, %dma_wait3A_150] : memref<10240x64xf32, #tpu.memory_space<vmem_shared>> -> memref<64x64xf32, #tpu.memory_space<vmem_shared>>
      %dma_wait3A_152 = arith.constant 0 : i32
      %dma_wait3A_153 = tpu.memref_slice %arg15[%add3A_149, %dma_wait3A_152] : memref<10240x64xf32, #tpu.memory_space<vmem_shared>> -> memref<64x64xf32, #tpu.memory_space<vmem_shared>>
      tpu.wait_dma2 semaphore(%arg25 : memref<!tpu.dma_semaphore, #tpu.memory_space<semaphore_mem>>) src(%arg14 : memref<64x64xf32, #tpu.memory_space<vmem>>) dst(%dma_wait3A_153 : memref<64x64xf32, #tpu.memory_space<vmem_shared>>)
      %mul3A_154 = arith.constant 5 : i32
      %mul3A_155 = arith.muli %mul3A_154, %scan3A_108 : i32
      %add3A_156 = arith.constant 4 : i32
      %add3A_157 = arith.addi %mul3A_155, %add3A_156 : i32
      %mul3A_158 = arith.constant 64 : i32
      %mul3A_159 = arith.muli %mul3A_158, %add3A_157 : i32
      %add3A_160 = arith.addi %mul3A_2, %mul3A_159 : i32
      %dma_wait3A_161 = arith.constant 0 : i32
      %dma_wait3A_162 = tpu.memref_slice %arg15[%add3A_160, %dma_wait3A_161] : memref<10240x64xf32, #tpu.memory_space<vmem_shared>> -> memref<64x64xf32, #tpu.memory_space<vmem_shared>>
      %dma_wait3A_163 = arith.constant 0 : i32
      %dma_wait3A_164 = tpu.memref_slice %arg15[%add3A_160, %dma_wait3A_163] : memref<10240x64xf32, #tpu.memory_space<vmem_shared>> -> memref<64x64xf32, #tpu.memory_space<vmem_shared>>
      tpu.wait_dma2 semaphore(%arg26 : memref<!tpu.dma_semaphore, #tpu.memory_space<semaphore_mem>>) src(%arg14 : memref<64x64xf32, #tpu.memory_space<vmem>>) dst(%dma_wait3A_164 : memref<64x64xf32, #tpu.memory_space<vmem_shared>>)
      %scan3A_165 = arith.constant 0 : i32
      scf.yield %scan3A_165 : i32
    }
    %scan3A_33 = arith.constant 2 : i32
    %dma_wait3A = arith.constant 0 : i32
    %dma_wait3A_34 = tpu.memref_slice %arg3[%dma_wait3A, %mul3A_4] : memref<2x320000xi32, #tpu.memory_space<hbm>> -> memref<1x10000xi32, #tpu.memory_space<hbm>>
    %dma_wait3A_35 = tpu.memref_squeeze %dma_wait3A_34 : memref<1x10000xi32, #tpu.memory_space<hbm>> -> memref<10000xi32, #tpu.memory_space<hbm>>
    %dma_wait3A_36 = tpu.memref_slice %arg3[%dma_wait3A, %mul3A_4] : memref<2x320000xi32, #tpu.memory_space<hbm>> -> memref<1x10000xi32, #tpu.memory_space<hbm>>
    %dma_wait3A_37 = tpu.memref_squeeze %dma_wait3A_36 : memref<1x10000xi32, #tpu.memory_space<hbm>> -> memref<10000xi32, #tpu.memory_space<hbm>>
    tpu.wait_dma2 semaphore(%arg30 : memref<!tpu.dma_semaphore, #tpu.memory_space<semaphore_mem>>) src(%dma_wait3A_37 : memref<10000xi32, #tpu.memory_space<hbm>>) dst(%arg5 : memref<10000xi32, #tpu.memory_space<vmem>>)
    %dma_wait3A_38 = arith.constant 1 : i32
    %dma_wait3A_39 = tpu.memref_slice %arg3[%dma_wait3A_38, %mul3A_4] : memref<2x320000xi32, #tpu.memory_space<hbm>> -> memref<1x10000xi32, #tpu.memory_space<hbm>>
    %dma_wait3A_40 = tpu.memref_squeeze %dma_wait3A_39 : memref<1x10000xi32, #tpu.memory_space<hbm>> -> memref<10000xi32, #tpu.memory_space<hbm>>
    %dma_wait3A_41 = tpu.memref_slice %arg3[%dma_wait3A_38, %mul3A_4] : memref<2x320000xi32, #tpu.memory_space<hbm>> -> memref<1x10000xi32, #tpu.memory_space<hbm>>
    %dma_wait3A_42 = tpu.memref_squeeze %dma_wait3A_41 : memref<1x10000xi32, #tpu.memory_space<hbm>> -> memref<10000xi32, #tpu.memory_space<hbm>>
    tpu.wait_dma2 semaphore(%arg30 : memref<!tpu.dma_semaphore, #tpu.memory_space<semaphore_mem>>) src(%dma_wait3A_42 : memref<10000xi32, #tpu.memory_space<hbm>>) dst(%arg6 : memref<10000xi32, #tpu.memory_space<vmem>>)
    %barrier3A = arith.constant 0 : index
    tpu.barrier barrier_id(%barrier3A)
    %dma_start3A_43 = arith.constant 9984 : i32
    %dma_start3A_44 = tpu.memref_slice %arg5[%dma_start3A_43] : memref<10000xi32, #tpu.memory_space<vmem>> -> memref<16xi32, #tpu.memory_space<vmem>>
    %dma_start3A_45 = arith.constant 0 : i32
    %dma_start3A_46 = arith.constant 0 : i32
    %dma_start3A_47 = tpu.memref_slice %arg2[%dma_start3A_45, %dma_start3A_46] : memref<10000x64xf32, #tpu.memory_space<hbm>> -> memref<10000x64xf32, #tpu.memory_space<hbm>>
    tpu.enqueue_indirect_dma source(%dma_start3A_47 : memref<10000x64xf32, #tpu.memory_space<hbm>>) target(%arg13 : memref<16x64xf32, #tpu.memory_space<vmem>>) offsets(%dma_start3A_44 : memref<16xi32, #tpu.memory_space<vmem>>) semaphore(%arg28 : memref<!tpu.dma_semaphore, #tpu.memory_space<semaphore_mem>>)
    %dma_start3A_48 = arith.constant 0 : i32
    %dma_start3A_49 = tpu.memref_slice %arg5[%dma_start3A_48] : memref<10000xi32, #tpu.memory_space<vmem>> -> memref<128xi32, #tpu.memory_space<vmem>>
    %dma_start3A_50 = arith.constant 0 : i32
    %dma_start3A_51 = arith.constant 0 : i32
    %dma_start3A_52 = tpu.memref_slice %arg2[%dma_start3A_50, %dma_start3A_51] : memref<10000x64xf32, #tpu.memory_space<hbm>> -> memref<10000x64xf32, #tpu.memory_space<hbm>>
    tpu.enqueue_indirect_dma source(%dma_start3A_52 : memref<10000x64xf32, #tpu.memory_space<hbm>>) target(%arg7 : memref<128x64xf32, #tpu.memory_space<vmem>>) offsets(%dma_start3A_49 : memref<128xi32, #tpu.memory_space<vmem>>) semaphore(%arg16 : memref<!tpu.dma_semaphore, #tpu.memory_space<semaphore_mem>>)
    %dma_start3A_53 = arith.constant 128 : i32
    %dma_start3A_54 = tpu.memref_slice %arg5[%dma_start3A_53] : memref<10000xi32, #tpu.memory_space<vmem>> -> memref<128xi32, #tpu.memory_space<vmem>>
    %dma_start3A_55 = arith.constant 0 : i32
    %dma_start3A_56 = arith.constant 0 : i32
    %dma_start3A_57 = tpu.memref_slice %arg2[%dma_start3A_55, %dma_start3A_56] : memref<10000x64xf32, #tpu.memory_space<hbm>> -> memref<10000x64xf32, #tpu.memory_space<hbm>>
    tpu.enqueue_indirect_dma source(%dma_start3A_57 : memref<10000x64xf32, #tpu.memory_space<hbm>>) target(%arg8 : memref<128x64xf32, #tpu.memory_space<vmem>>) offsets(%dma_start3A_54 : memref<128xi32, #tpu.memory_space<vmem>>) semaphore(%arg17 : memref<!tpu.dma_semaphore, #tpu.memory_space<semaphore_mem>>)
    %dma_start3A_58 = arith.constant 256 : i32
    %dma_start3A_59 = tpu.memref_slice %arg5[%dma_start3A_58] : memref<10000xi32, #tpu.memory_space<vmem>> -> memref<128xi32, #tpu.memory_space<vmem>>
    %dma_start3A_60 = arith.constant 0 : i32
    %dma_start3A_61 = arith.constant 0 : i32
    %dma_start3A_62 = tpu.memref_slice %arg2[%dma_start3A_60, %dma_start3A_61] : memref<10000x64xf32, #tpu.memory_space<hbm>> -> memref<10000x64xf32, #tpu.memory_space<hbm>>
    tpu.enqueue_indirect_dma source(%dma_start3A_62 : memref<10000x64xf32, #tpu.memory_space<hbm>>) target(%arg9 : memref<128x64xf32, #tpu.memory_space<vmem>>) offsets(%dma_start3A_59 : memref<128xi32, #tpu.memory_space<vmem>>) semaphore(%arg18 : memref<!tpu.dma_semaphore, #tpu.memory_space<semaphore_mem>>)
    %scan3A_63 = arith.constant 0 : i32
    %scan3A_64 = arith.constant 0 : i32
    %scan3A_65 = arith.constant 13 : i32
    %scan3A_66 = arith.addi %scan3A_64, %scan3A_65 : i32
    %scan3A_67 = arith.constant 1 : i32
    %scan3A_68 = scf.for %scan3A_108 = %scan3A_64 to %scan3A_66 step %scan3A_67 iter_args(%scan3A_109 = %scan3A_63) -> (i32)  : i32 {
      %mul3A_110 = arith.constant 6 : i32
      %mul3A_111 = arith.muli %mul3A_110, %scan3A_108 : i32
      %add3A_112 = arith.constant 0 : i32
      %add3A_113 = arith.addi %mul3A_111, %add3A_112 : i32
      %ge3A = arith.constant 3 : i32
      %ge3A_114 = arith.cmpi sge, %add3A_113, %ge3A : i32
      %convert_element_type3A_115 = arith.extui %ge3A_114 : i1 to i32
      %cond3A_116 = arith.constant 0 : i32
      %cond3A_117 = arith.cmpi ne, %convert_element_type3A_115, %cond3A_116 : i32
      scf.if %cond3A_117 {
        %sub3A = arith.constant 3 : i32
        %sub3A_277 = arith.subi %add3A_113, %sub3A : i32
        %mul3A_278 = arith.constant 128 : i32
        %mul3A_279 = arith.muli %sub3A_277, %mul3A_278 : i32
        %dma_wait3A_280 = tpu.memref_slice %arg6[%mul3A_279] : memref<10000xi32, #tpu.memory_space<vmem>> -> memref<128xi32, #tpu.memory_space<vmem>>
        %dma_wait3A_281 = arith.constant 0 : i32
        %dma_wait3A_282 = arith.constant 0 : i32
        %dma_wait3A_283 = tpu.memref_slice %arg15[%dma_wait3A_281, %dma_wait3A_282] : memref<10240x64xf32, #tpu.memory_space<vmem_shared>> -> memref<10240x64xf32, #tpu.memory_space<vmem_shared>>
        tpu.wait_indirect_dma semaphore(%arg25 : memref<!tpu.dma_semaphore, #tpu.memory_space<semaphore_mem>>) src(%arg10 : memref<128x64xf32, #tpu.memory_space<vmem>>) dst(%dma_wait3A_283 : memref<10240x64xf32, #tpu.memory_space<vmem_shared>>)
      } else {
      }
      %add3A_118 = arith.constant 3 : i32
      %add3A_119 = arith.addi %add3A_113, %add3A_118 : i32
      %lt3A = arith.constant 78 : i32
      %lt3A_120 = arith.cmpi slt, %add3A_119, %lt3A : i32
      %convert_element_type3A_121 = arith.extui %lt3A_120 : i1 to i32
      %cond3A_122 = arith.constant 0 : i32
      %cond3A_123 = arith.cmpi ne, %convert_element_type3A_121, %cond3A_122 : i32
      scf.if %cond3A_123 {
        %add3A_277 = arith.constant 3 : i32
        %add3A_278 = arith.addi %add3A_113, %add3A_277 : i32
        %mul3A_279 = arith.constant 128 : i32
        %mul3A_280 = arith.muli %add3A_278, %mul3A_279 : i32
        %dma_start3A_281 = tpu.memref_slice %arg5[%mul3A_280] : memref<10000xi32, #tpu.memory_space<vmem>> -> memref<128xi32, #tpu.memory_space<vmem>>
        %dma_start3A_282 = arith.constant 0 : i32
        %dma_start3A_283 = arith.constant 0 : i32
        %dma_start3A_284 = tpu.memref_slice %arg2[%dma_start3A_282, %dma_start3A_283] : memref<10000x64xf32, #tpu.memory_space<hbm>> -> memref<10000x64xf32, #tpu.memory_space<hbm>>
        tpu.enqueue_indirect_dma source(%dma_start3A_284 : memref<10000x64xf32, #tpu.memory_space<hbm>>) target(%arg10 : memref<128x64xf32, #tpu.memory_space<vmem>>) offsets(%dma_start3A_281 : memref<128xi32, #tpu.memory_space<vmem>>) semaphore(%arg19 : memref<!tpu.dma_semaphore, #tpu.memory_space<semaphore_mem>>)
      } else {
      }
      %mul3A_124 = arith.constant 128 : i32
      %mul3A_125 = arith.muli %add3A_113, %mul3A_124 : i32
      %dma_wait3A_126 = tpu.memref_slice %arg5[%mul3A_125] : memref<10000xi32, #tpu.memory_space<vmem>> -> memref<128xi32, #tpu.memory_space<vmem>>
      %dma_wait3A_127 = arith.constant 0 : i32
      %dma_wait3A_128 = arith.constant 0 : i32
      %dma_wait3A_129 = tpu.memref_slice %arg2[%dma_wait3A_127, %dma_wait3A_128] : memref<10000x64xf32, #tpu.memory_space<hbm>> -> memref<10000x64xf32, #tpu.memory_space<hbm>>
      tpu.wait_indirect_dma semaphore(%arg16 : memref<!tpu.dma_semaphore, #tpu.memory_space<semaphore_mem>>) src(%dma_wait3A_129 : memref<10000x64xf32, #tpu.memory_space<hbm>>) dst(%arg7 : memref<128x64xf32, #tpu.memory_space<vmem>>)
      %mul3A_130 = arith.constant 128 : i32
      %mul3A_131 = arith.muli %add3A_113, %mul3A_130 : i32
      %dma_start3A_132 = tpu.memref_slice %arg6[%mul3A_131] : memref<10000xi32, #tpu.memory_space<vmem>> -> memref<128xi32, #tpu.memory_space<vmem>>
      %dma_start3A_133 = arith.constant 0 : i32
      %dma_start3A_134 = arith.constant 0 : i32
      %dma_start3A_135 = tpu.memref_slice %arg15[%dma_start3A_133, %dma_start3A_134] : memref<10240x64xf32, #tpu.memory_space<vmem_shared>> -> memref<10240x64xf32, #tpu.memory_space<vmem_shared>>
      tpu.enqueue_indirect_dma source(%arg7 : memref<128x64xf32, #tpu.memory_space<vmem>>) target(%dma_start3A_135 : memref<10240x64xf32, #tpu.memory_space<vmem_shared>>) offsets(%dma_start3A_132 : memref<128xi32, #tpu.memory_space<vmem>>) semaphore(%arg22 : memref<!tpu.dma_semaphore, #tpu.memory_space<semaphore_mem>>) {add = true}
      %mul3A_136 = arith.constant 6 : i32
      %mul3A_137 = arith.muli %mul3A_136, %scan3A_108 : i32
      %add3A_138 = arith.constant 1 : i32
      %add3A_139 = arith.addi %mul3A_137, %add3A_138 : i32
      %ge3A_140 = arith.constant 3 : i32
      %ge3A_141 = arith.cmpi sge, %add3A_139, %ge3A_140 : i32
      %convert_element_type3A_142 = arith.extui %ge3A_141 : i1 to i32
      %cond3A_143 = arith.constant 0 : i32
      %cond3A_144 = arith.cmpi ne, %convert_element_type3A_142, %cond3A_143 : i32
      scf.if %cond3A_144 {
        %sub3A = arith.constant 3 : i32
        %sub3A_277 = arith.subi %add3A_139, %sub3A : i32
        %mul3A_278 = arith.constant 128 : i32
        %mul3A_279 = arith.muli %sub3A_277, %mul3A_278 : i32
        %dma_wait3A_280 = tpu.memref_slice %arg6[%mul3A_279] : memref<10000xi32, #tpu.memory_space<vmem>> -> memref<128xi32, #tpu.memory_space<vmem>>
        %dma_wait3A_281 = arith.constant 0 : i32
        %dma_wait3A_282 = arith.constant 0 : i32
        %dma_wait3A_283 = tpu.memref_slice %arg15[%dma_wait3A_281, %dma_wait3A_282] : memref<10240x64xf32, #tpu.memory_space<vmem_shared>> -> memref<10240x64xf32, #tpu.memory_space<vmem_shared>>
        tpu.wait_indirect_dma semaphore(%arg26 : memref<!tpu.dma_semaphore, #tpu.memory_space<semaphore_mem>>) src(%arg11 : memref<128x64xf32, #tpu.memory_space<vmem>>) dst(%dma_wait3A_283 : memref<10240x64xf32, #tpu.memory_space<vmem_shared>>)
      } else {
      }
      %add3A_145 = arith.constant 3 : i32
      %add3A_146 = arith.addi %add3A_139, %add3A_145 : i32
      %lt3A_147 = arith.constant 78 : i32
      %lt3A_148 = arith.cmpi slt, %add3A_146, %lt3A_147 : i32
      %convert_element_type3A_149 = arith.extui %lt3A_148 : i1 to i32
      %cond3A_150 = arith.constant 0 : i32
      %cond3A_151 = arith.cmpi ne, %convert_element_type3A_149, %cond3A_150 : i32
      scf.if %cond3A_151 {
        %add3A_277 = arith.constant 3 : i32
        %add3A_278 = arith.addi %add3A_139, %add3A_277 : i32
        %mul3A_279 = arith.constant 128 : i32
        %mul3A_280 = arith.muli %add3A_278, %mul3A_279 : i32
        %dma_start3A_281 = tpu.memref_slice %arg5[%mul3A_280] : memref<10000xi32, #tpu.memory_space<vmem>> -> memref<128xi32, #tpu.memory_space<vmem>>
        %dma_start3A_282 = arith.constant 0 : i32
        %dma_start3A_283 = arith.constant 0 : i32
        %dma_start3A_284 = tpu.memref_slice %arg2[%dma_start3A_282, %dma_start3A_283] : memref<10000x64xf32, #tpu.memory_space<hbm>> -> memref<10000x64xf32, #tpu.memory_space<hbm>>
        tpu.enqueue_indirect_dma source(%dma_start3A_284 : memref<10000x64xf32, #tpu.memory_space<hbm>>) target(%arg11 : memref<128x64xf32, #tpu.memory_space<vmem>>) offsets(%dma_start3A_281 : memref<128xi32, #tpu.memory_space<vmem>>) semaphore(%arg20 : memref<!tpu.dma_semaphore, #tpu.memory_space<semaphore_mem>>)
      } else {
      }
      %mul3A_152 = arith.constant 128 : i32
      %mul3A_153 = arith.muli %add3A_139, %mul3A_152 : i32
      %dma_wait3A_154 = tpu.memref_slice %arg5[%mul3A_153] : memref<10000xi32, #tpu.memory_space<vmem>> -> memref<128xi32, #tpu.memory_space<vmem>>
      %dma_wait3A_155 = arith.constant 0 : i32
      %dma_wait3A_156 = arith.constant 0 : i32
      %dma_wait3A_157 = tpu.memref_slice %arg2[%dma_wait3A_155, %dma_wait3A_156] : memref<10000x64xf32, #tpu.memory_space<hbm>> -> memref<10000x64xf32, #tpu.memory_space<hbm>>
      tpu.wait_indirect_dma semaphore(%arg17 : memref<!tpu.dma_semaphore, #tpu.memory_space<semaphore_mem>>) src(%dma_wait3A_157 : memref<10000x64xf32, #tpu.memory_space<hbm>>) dst(%arg8 : memref<128x64xf32, #tpu.memory_space<vmem>>)
      %mul3A_158 = arith.constant 128 : i32
      %mul3A_159 = arith.muli %add3A_139, %mul3A_158 : i32
      %dma_start3A_160 = tpu.memref_slice %arg6[%mul3A_159] : memref<10000xi32, #tpu.memory_space<vmem>> -> memref<128xi32, #tpu.memory_space<vmem>>
      %dma_start3A_161 = arith.constant 0 : i32
      %dma_start3A_162 = arith.constant 0 : i32
      %dma_start3A_163 = tpu.memref_slice %arg15[%dma_start3A_161, %dma_start3A_162] : memref<10240x64xf32, #tpu.memory_space<vmem_shared>> -> memref<10240x64xf32, #tpu.memory_space<vmem_shared>>
      tpu.enqueue_indirect_dma source(%arg8 : memref<128x64xf32, #tpu.memory_space<vmem>>) target(%dma_start3A_163 : memref<10240x64xf32, #tpu.memory_space<vmem_shared>>) offsets(%dma_start3A_160 : memref<128xi32, #tpu.memory_space<vmem>>) semaphore(%arg23 : memref<!tpu.dma_semaphore, #tpu.memory_space<semaphore_mem>>) {add = true}
      %mul3A_164 = arith.constant 6 : i32
      %mul3A_165 = arith.muli %mul3A_164, %scan3A_108 : i32
      %add3A_166 = arith.constant 2 : i32
      %add3A_167 = arith.addi %mul3A_165, %add3A_166 : i32
      %ge3A_168 = arith.constant 3 : i32
      %ge3A_169 = arith.cmpi sge, %add3A_167, %ge3A_168 : i32
      %convert_element_type3A_170 = arith.extui %ge3A_169 : i1 to i32
      %cond3A_171 = arith.constant 0 : i32
      %cond3A_172 = arith.cmpi ne, %convert_element_type3A_170, %cond3A_171 : i32
      scf.if %cond3A_172 {
        %sub3A = arith.constant 3 : i32
        %sub3A_277 = arith.subi %add3A_167, %sub3A : i32
        %mul3A_278 = arith.constant 128 : i32
        %mul3A_279 = arith.muli %sub3A_277, %mul3A_278 : i32
        %dma_wait3A_280 = tpu.memref_slice %arg6[%mul3A_279] : memref<10000xi32, #tpu.memory_space<vmem>> -> memref<128xi32, #tpu.memory_space<vmem>>
        %dma_wait3A_281 = arith.constant 0 : i32
        %dma_wait3A_282 = arith.constant 0 : i32
        %dma_wait3A_283 = tpu.memref_slice %arg15[%dma_wait3A_281, %dma_wait3A_282] : memref<10240x64xf32, #tpu.memory_space<vmem_shared>> -> memref<10240x64xf32, #tpu.memory_space<vmem_shared>>
        tpu.wait_indirect_dma semaphore(%arg27 : memref<!tpu.dma_semaphore, #tpu.memory_space<semaphore_mem>>) src(%arg12 : memref<128x64xf32, #tpu.memory_space<vmem>>) dst(%dma_wait3A_283 : memref<10240x64xf32, #tpu.memory_space<vmem_shared>>)
      } else {
      }
      %add3A_173 = arith.constant 3 : i32
      %add3A_174 = arith.addi %add3A_167, %add3A_173 : i32
      %lt3A_175 = arith.constant 78 : i32
      %lt3A_176 = arith.cmpi slt, %add3A_174, %lt3A_175 : i32
      %convert_element_type3A_177 = arith.extui %lt3A_176 : i1 to i32
      %cond3A_178 = arith.constant 0 : i32
      %cond3A_179 = arith.cmpi ne, %convert_element_type3A_177, %cond3A_178 : i32
      scf.if %cond3A_179 {
        %add3A_277 = arith.constant 3 : i32
        %add3A_278 = arith.addi %add3A_167, %add3A_277 : i32
        %mul3A_279 = arith.constant 128 : i32
        %mul3A_280 = arith.muli %add3A_278, %mul3A_279 : i32
        %dma_start3A_281 = tpu.memref_slice %arg5[%mul3A_280] : memref<10000xi32, #tpu.memory_space<vmem>> -> memref<128xi32, #tpu.memory_space<vmem>>
        %dma_start3A_282 = arith.constant 0 : i32
        %dma_start3A_283 = arith.constant 0 : i32
        %dma_start3A_284 = tpu.memref_slice %arg2[%dma_start3A_282, %dma_start3A_283] : memref<10000x64xf32, #tpu.memory_space<hbm>> -> memref<10000x64xf32, #tpu.memory_space<hbm>>
        tpu.enqueue_indirect_dma source(%dma_start3A_284 : memref<10000x64xf32, #tpu.memory_space<hbm>>) target(%arg12 : memref<128x64xf32, #tpu.memory_space<vmem>>) offsets(%dma_start3A_281 : memref<128xi32, #tpu.memory_space<vmem>>) semaphore(%arg21 : memref<!tpu.dma_semaphore, #tpu.memory_space<semaphore_mem>>)
      } else {
      }
      %mul3A_180 = arith.constant 128 : i32
      %mul3A_181 = arith.muli %add3A_167, %mul3A_180 : i32
      %dma_wait3A_182 = tpu.memref_slice %arg5[%mul3A_181] : memref<10000xi32, #tpu.memory_space<vmem>> -> memref<128xi32, #tpu.memory_space<vmem>>
      %dma_wait3A_183 = arith.constant 0 : i32
      %dma_wait3A_184 = arith.constant 0 : i32
      %dma_wait3A_185 = tpu.memref_slice %arg2[%dma_wait3A_183, %dma_wait3A_184] : memref<10000x64xf32, #tpu.memory_space<hbm>> -> memref<10000x64xf32, #tpu.memory_space<hbm>>
      tpu.wait_indirect_dma semaphore(%arg18 : memref<!tpu.dma_semaphore, #tpu.memory_space<semaphore_mem>>) src(%dma_wait3A_185 : memref<10000x64xf32, #tpu.memory_space<hbm>>) dst(%arg9 : memref<128x64xf32, #tpu.memory_space<vmem>>)
      %mul3A_186 = arith.constant 128 : i32
      %mul3A_187 = arith.muli %add3A_167, %mul3A_186 : i32
      %dma_start3A_188 = tpu.memref_slice %arg6[%mul3A_187] : memref<10000xi32, #tpu.memory_space<vmem>> -> memref<128xi32, #tpu.memory_space<vmem>>
      %dma_start3A_189 = arith.constant 0 : i32
      %dma_start3A_190 = arith.constant 0 : i32
      %dma_start3A_191 = tpu.memref_slice %arg15[%dma_start3A_189, %dma_start3A_190] : memref<10240x64xf32, #tpu.memory_space<vmem_shared>> -> memref<10240x64xf32, #tpu.memory_space<vmem_shared>>
      tpu.enqueue_indirect_dma source(%arg9 : memref<128x64xf32, #tpu.memory_space<vmem>>) target(%dma_start3A_191 : memref<10240x64xf32, #tpu.memory_space<vmem_shared>>) offsets(%dma_start3A_188 : memref<128xi32, #tpu.memory_space<vmem>>) semaphore(%arg24 : memref<!tpu.dma_semaphore, #tpu.memory_space<semaphore_mem>>) {add = true}
      %mul3A_192 = arith.constant 6 : i32
      %mul3A_193 = arith.muli %mul3A_192, %scan3A_108 : i32
      %add3A_194 = arith.constant 3 : i32
      %add3A_195 = arith.addi %mul3A_193, %add3A_194 : i32
      %ge3A_196 = arith.constant 3 : i32
      %ge3A_197 = arith.cmpi sge, %add3A_195, %ge3A_196 : i32
      %convert_element_type3A_198 = arith.extui %ge3A_197 : i1 to i32
      %cond3A_199 = arith.constant 0 : i32
      %cond3A_200 = arith.cmpi ne, %convert_element_type3A_198, %cond3A_199 : i32
      scf.if %cond3A_200 {
        %sub3A = arith.constant 3 : i32
        %sub3A_277 = arith.subi %add3A_195, %sub3A : i32
        %mul3A_278 = arith.constant 128 : i32
        %mul3A_279 = arith.muli %sub3A_277, %mul3A_278 : i32
        %dma_wait3A_280 = tpu.memref_slice %arg6[%mul3A_279] : memref<10000xi32, #tpu.memory_space<vmem>> -> memref<128xi32, #tpu.memory_space<vmem>>
        %dma_wait3A_281 = arith.constant 0 : i32
        %dma_wait3A_282 = arith.constant 0 : i32
        %dma_wait3A_283 = tpu.memref_slice %arg15[%dma_wait3A_281, %dma_wait3A_282] : memref<10240x64xf32, #tpu.memory_space<vmem_shared>> -> memref<10240x64xf32, #tpu.memory_space<vmem_shared>>
        tpu.wait_indirect_dma semaphore(%arg22 : memref<!tpu.dma_semaphore, #tpu.memory_space<semaphore_mem>>) src(%arg7 : memref<128x64xf32, #tpu.memory_space<vmem>>) dst(%dma_wait3A_283 : memref<10240x64xf32, #tpu.memory_space<vmem_shared>>)
      } else {
      }
      %add3A_201 = arith.constant 3 : i32
      %add3A_202 = arith.addi %add3A_195, %add3A_201 : i32
      %lt3A_203 = arith.constant 78 : i32
      %lt3A_204 = arith.cmpi slt, %add3A_202, %lt3A_203 : i32
      %convert_element_type3A_205 = arith.extui %lt3A_204 : i1 to i32
      %cond3A_206 = arith.constant 0 : i32
      %cond3A_207 = arith.cmpi ne, %convert_element_type3A_205, %cond3A_206 : i32
      scf.if %cond3A_207 {
        %add3A_277 = arith.constant 3 : i32
        %add3A_278 = arith.addi %add3A_195, %add3A_277 : i32
        %mul3A_279 = arith.constant 128 : i32
        %mul3A_280 = arith.muli %add3A_278, %mul3A_279 : i32
        %dma_start3A_281 = tpu.memref_slice %arg5[%mul3A_280] : memref<10000xi32, #tpu.memory_space<vmem>> -> memref<128xi32, #tpu.memory_space<vmem>>
        %dma_start3A_282 = arith.constant 0 : i32
        %dma_start3A_283 = arith.constant 0 : i32
        %dma_start3A_284 = tpu.memref_slice %arg2[%dma_start3A_282, %dma_start3A_283] : memref<10000x64xf32, #tpu.memory_space<hbm>> -> memref<10000x64xf32, #tpu.memory_space<hbm>>
        tpu.enqueue_indirect_dma source(%dma_start3A_284 : memref<10000x64xf32, #tpu.memory_space<hbm>>) target(%arg7 : memref<128x64xf32, #tpu.memory_space<vmem>>) offsets(%dma_start3A_281 : memref<128xi32, #tpu.memory_space<vmem>>) semaphore(%arg16 : memref<!tpu.dma_semaphore, #tpu.memory_space<semaphore_mem>>)
      } else {
      }
      %mul3A_208 = arith.constant 128 : i32
      %mul3A_209 = arith.muli %add3A_195, %mul3A_208 : i32
      %dma_wait3A_210 = tpu.memref_slice %arg5[%mul3A_209] : memref<10000xi32, #tpu.memory_space<vmem>> -> memref<128xi32, #tpu.memory_space<vmem>>
      %dma_wait3A_211 = arith.constant 0 : i32
      %dma_wait3A_212 = arith.constant 0 : i32
      %dma_wait3A_213 = tpu.memref_slice %arg2[%dma_wait3A_211, %dma_wait3A_212] : memref<10000x64xf32, #tpu.memory_space<hbm>> -> memref<10000x64xf32, #tpu.memory_space<hbm>>
      tpu.wait_indirect_dma semaphore(%arg19 : memref<!tpu.dma_semaphore, #tpu.memory_space<semaphore_mem>>) src(%dma_wait3A_213 : memref<10000x64xf32, #tpu.memory_space<hbm>>) dst(%arg10 : memref<128x64xf32, #tpu.memory_space<vmem>>)
      %mul3A_214 = arith.constant 128 : i32
      %mul3A_215 = arith.muli %add3A_195, %mul3A_214 : i32
      %dma_start3A_216 = tpu.memref_slice %arg6[%mul3A_215] : memref<10000xi32, #tpu.memory_space<vmem>> -> memref<128xi32, #tpu.memory_space<vmem>>
      %dma_start3A_217 = arith.constant 0 : i32
      %dma_start3A_218 = arith.constant 0 : i32
      %dma_start3A_219 = tpu.memref_slice %arg15[%dma_start3A_217, %dma_start3A_218] : memref<10240x64xf32, #tpu.memory_space<vmem_shared>> -> memref<10240x64xf32, #tpu.memory_space<vmem_shared>>
      tpu.enqueue_indirect_dma source(%arg10 : memref<128x64xf32, #tpu.memory_space<vmem>>) target(%dma_start3A_219 : memref<10240x64xf32, #tpu.memory_space<vmem_shared>>) offsets(%dma_start3A_216 : memref<128xi32, #tpu.memory_space<vmem>>) semaphore(%arg25 : memref<!tpu.dma_semaphore, #tpu.memory_space<semaphore_mem>>) {add = true}
      %mul3A_220 = arith.constant 6 : i32
      %mul3A_221 = arith.muli %mul3A_220, %scan3A_108 : i32
      %add3A_222 = arith.constant 4 : i32
      %add3A_223 = arith.addi %mul3A_221, %add3A_222 : i32
      %ge3A_224 = arith.constant 3 : i32
      %ge3A_225 = arith.cmpi sge, %add3A_223, %ge3A_224 : i32
      %convert_element_type3A_226 = arith.extui %ge3A_225 : i1 to i32
      %cond3A_227 = arith.constant 0 : i32
      %cond3A_228 = arith.cmpi ne, %convert_element_type3A_226, %cond3A_227 : i32
      scf.if %cond3A_228 {
        %sub3A = arith.constant 3 : i32
        %sub3A_277 = arith.subi %add3A_223, %sub3A : i32
        %mul3A_278 = arith.constant 128 : i32
        %mul3A_279 = arith.muli %sub3A_277, %mul3A_278 : i32
        %dma_wait3A_280 = tpu.memref_slice %arg6[%mul3A_279] : memref<10000xi32, #tpu.memory_space<vmem>> -> memref<128xi32, #tpu.memory_space<vmem>>
        %dma_wait3A_281 = arith.constant 0 : i32
        %dma_wait3A_282 = arith.constant 0 : i32
        %dma_wait3A_283 = tpu.memref_slice %arg15[%dma_wait3A_281, %dma_wait3A_282] : memref<10240x64xf32, #tpu.memory_space<vmem_shared>> -> memref<10240x64xf32, #tpu.memory_space<vmem_shared>>
        tpu.wait_indirect_dma semaphore(%arg23 : memref<!tpu.dma_semaphore, #tpu.memory_space<semaphore_mem>>) src(%arg8 : memref<128x64xf32, #tpu.memory_space<vmem>>) dst(%dma_wait3A_283 : memref<10240x64xf32, #tpu.memory_space<vmem_shared>>)
      } else {
      }
      %add3A_229 = arith.constant 3 : i32
      %add3A_230 = arith.addi %add3A_223, %add3A_229 : i32
      %lt3A_231 = arith.constant 78 : i32
      %lt3A_232 = arith.cmpi slt, %add3A_230, %lt3A_231 : i32
      %convert_element_type3A_233 = arith.extui %lt3A_232 : i1 to i32
      %cond3A_234 = arith.constant 0 : i32
      %cond3A_235 = arith.cmpi ne, %convert_element_type3A_233, %cond3A_234 : i32
      scf.if %cond3A_235 {
        %add3A_277 = arith.constant 3 : i32
        %add3A_278 = arith.addi %add3A_223, %add3A_277 : i32
        %mul3A_279 = arith.constant 128 : i32
        %mul3A_280 = arith.muli %add3A_278, %mul3A_279 : i32
        %dma_start3A_281 = tpu.memref_slice %arg5[%mul3A_280] : memref<10000xi32, #tpu.memory_space<vmem>> -> memref<128xi32, #tpu.memory_space<vmem>>
        %dma_start3A_282 = arith.constant 0 : i32
        %dma_start3A_283 = arith.constant 0 : i32
        %dma_start3A_284 = tpu.memref_slice %arg2[%dma_start3A_282, %dma_start3A_283] : memref<10000x64xf32, #tpu.memory_space<hbm>> -> memref<10000x64xf32, #tpu.memory_space<hbm>>
        tpu.enqueue_indirect_dma source(%dma_start3A_284 : memref<10000x64xf32, #tpu.memory_space<hbm>>) target(%arg8 : memref<128x64xf32, #tpu.memory_space<vmem>>) offsets(%dma_start3A_281 : memref<128xi32, #tpu.memory_space<vmem>>) semaphore(%arg17 : memref<!tpu.dma_semaphore, #tpu.memory_space<semaphore_mem>>)
      } else {
      }
      %mul3A_236 = arith.constant 128 : i32
      %mul3A_237 = arith.muli %add3A_223, %mul3A_236 : i32
      %dma_wait3A_238 = tpu.memref_slice %arg5[%mul3A_237] : memref<10000xi32, #tpu.memory_space<vmem>> -> memref<128xi32, #tpu.memory_space<vmem>>
      %dma_wait3A_239 = arith.constant 0 : i32
      %dma_wait3A_240 = arith.constant 0 : i32
      %dma_wait3A_241 = tpu.memref_slice %arg2[%dma_wait3A_239, %dma_wait3A_240] : memref<10000x64xf32, #tpu.memory_space<hbm>> -> memref<10000x64xf32, #tpu.memory_space<hbm>>
      tpu.wait_indirect_dma semaphore(%arg20 : memref<!tpu.dma_semaphore, #tpu.memory_space<semaphore_mem>>) src(%dma_wait3A_241 : memref<10000x64xf32, #tpu.memory_space<hbm>>) dst(%arg11 : memref<128x64xf32, #tpu.memory_space<vmem>>)
      %mul3A_242 = arith.constant 128 : i32
      %mul3A_243 = arith.muli %add3A_223, %mul3A_242 : i32
      %dma_start3A_244 = tpu.memref_slice %arg6[%mul3A_243] : memref<10000xi32, #tpu.memory_space<vmem>> -> memref<128xi32, #tpu.memory_space<vmem>>
      %dma_start3A_245 = arith.constant 0 : i32
      %dma_start3A_246 = arith.constant 0 : i32
      %dma_start3A_247 = tpu.memref_slice %arg15[%dma_start3A_245, %dma_start3A_246] : memref<10240x64xf32, #tpu.memory_space<vmem_shared>> -> memref<10240x64xf32, #tpu.memory_space<vmem_shared>>
      tpu.enqueue_indirect_dma source(%arg11 : memref<128x64xf32, #tpu.memory_space<vmem>>) target(%dma_start3A_247 : memref<10240x64xf32, #tpu.memory_space<vmem_shared>>) offsets(%dma_start3A_244 : memref<128xi32, #tpu.memory_space<vmem>>) semaphore(%arg26 : memref<!tpu.dma_semaphore, #tpu.memory_space<semaphore_mem>>) {add = true}
      %mul3A_248 = arith.constant 6 : i32
      %mul3A_249 = arith.muli %mul3A_248, %scan3A_108 : i32
      %add3A_250 = arith.constant 5 : i32
      %add3A_251 = arith.addi %mul3A_249, %add3A_250 : i32
      %ge3A_252 = arith.constant 3 : i32
      %ge3A_253 = arith.cmpi sge, %add3A_251, %ge3A_252 : i32
      %convert_element_type3A_254 = arith.extui %ge3A_253 : i1 to i32
      %cond3A_255 = arith.constant 0 : i32
      %cond3A_256 = arith.cmpi ne, %convert_element_type3A_254, %cond3A_255 : i32
      scf.if %cond3A_256 {
        %sub3A = arith.constant 3 : i32
        %sub3A_277 = arith.subi %add3A_251, %sub3A : i32
        %mul3A_278 = arith.constant 128 : i32
        %mul3A_279 = arith.muli %sub3A_277, %mul3A_278 : i32
        %dma_wait3A_280 = tpu.memref_slice %arg6[%mul3A_279] : memref<10000xi32, #tpu.memory_space<vmem>> -> memref<128xi32, #tpu.memory_space<vmem>>
        %dma_wait3A_281 = arith.constant 0 : i32
        %dma_wait3A_282 = arith.constant 0 : i32
        %dma_wait3A_283 = tpu.memref_slice %arg15[%dma_wait3A_281, %dma_wait3A_282] : memref<10240x64xf32, #tpu.memory_space<vmem_shared>> -> memref<10240x64xf32, #tpu.memory_space<vmem_shared>>
        tpu.wait_indirect_dma semaphore(%arg24 : memref<!tpu.dma_semaphore, #tpu.memory_space<semaphore_mem>>) src(%arg9 : memref<128x64xf32, #tpu.memory_space<vmem>>) dst(%dma_wait3A_283 : memref<10240x64xf32, #tpu.memory_space<vmem_shared>>)
      } else {
      }
      %add3A_257 = arith.constant 3 : i32
      %add3A_258 = arith.addi %add3A_251, %add3A_257 : i32
      %lt3A_259 = arith.constant 78 : i32
      %lt3A_260 = arith.cmpi slt, %add3A_258, %lt3A_259 : i32
      %convert_element_type3A_261 = arith.extui %lt3A_260 : i1 to i32
      %cond3A_262 = arith.constant 0 : i32
      %cond3A_263 = arith.cmpi ne, %convert_element_type3A_261, %cond3A_262 : i32
      scf.if %cond3A_263 {
        %add3A_277 = arith.constant 3 : i32
        %add3A_278 = arith.addi %add3A_251, %add3A_277 : i32
        %mul3A_279 = arith.constant 128 : i32
        %mul3A_280 = arith.muli %add3A_278, %mul3A_279 : i32
        %dma_start3A_281 = tpu.memref_slice %arg5[%mul3A_280] : memref<10000xi32, #tpu.memory_space<vmem>> -> memref<128xi32, #tpu.memory_space<vmem>>
        %dma_start3A_282 = arith.constant 0 : i32
        %dma_start3A_283 = arith.constant 0 : i32
        %dma_start3A_284 = tpu.memref_slice %arg2[%dma_start3A_282, %dma_start3A_283] : memref<10000x64xf32, #tpu.memory_space<hbm>> -> memref<10000x64xf32, #tpu.memory_space<hbm>>
        tpu.enqueue_indirect_dma source(%dma_start3A_284 : memref<10000x64xf32, #tpu.memory_space<hbm>>) target(%arg9 : memref<128x64xf32, #tpu.memory_space<vmem>>) offsets(%dma_start3A_281 : memref<128xi32, #tpu.memory_space<vmem>>) semaphore(%arg18 : memref<!tpu.dma_semaphore, #tpu.memory_space<semaphore_mem>>)
      } else {
      }
      %mul3A_264 = arith.constant 128 : i32
      %mul3A_265 = arith.muli %add3A_251, %mul3A_264 : i32
      %dma_wait3A_266 = tpu.memref_slice %arg5[%mul3A_265] : memref<10000xi32, #tpu.memory_space<vmem>> -> memref<128xi32, #tpu.memory_space<vmem>>
      %dma_wait3A_267 = arith.constant 0 : i32
      %dma_wait3A_268 = arith.constant 0 : i32
      %dma_wait3A_269 = tpu.memref_slice %arg2[%dma_wait3A_267, %dma_wait3A_268] : memref<10000x64xf32, #tpu.memory_space<hbm>> -> memref<10000x64xf32, #tpu.memory_space<hbm>>
      tpu.wait_indirect_dma semaphore(%arg21 : memref<!tpu.dma_semaphore, #tpu.memory_space<semaphore_mem>>) src(%dma_wait3A_269 : memref<10000x64xf32, #tpu.memory_space<hbm>>) dst(%arg12 : memref<128x64xf32, #tpu.memory_space<vmem>>)
      %mul3A_270 = arith.constant 128 : i32
      %mul3A_271 = arith.muli %add3A_251, %mul3A_270 : i32
      %dma_start3A_272 = tpu.memref_slice %arg6[%mul3A_271] : memref<10000xi32, #tpu.memory_space<vmem>> -> memref<128xi32, #tpu.memory_space<vmem>>
      %dma_start3A_273 = arith.constant 0 : i32
      %dma_start3A_274 = arith.constant 0 : i32
      %dma_start3A_275 = tpu.memref_slice %arg15[%dma_start3A_273, %dma_start3A_274] : memref<10240x64xf32, #tpu.memory_space<vmem_shared>> -> memref<10240x64xf32, #tpu.memory_space<vmem_shared>>
      tpu.enqueue_indirect_dma source(%arg12 : memref<128x64xf32, #tpu.memory_space<vmem>>) target(%dma_start3A_275 : memref<10240x64xf32, #tpu.memory_space<vmem_shared>>) offsets(%dma_start3A_272 : memref<128xi32, #tpu.memory_space<vmem>>) semaphore(%arg27 : memref<!tpu.dma_semaphore, #tpu.memory_space<semaphore_mem>>) {add = true}
      %scan3A_276 = arith.constant 0 : i32
      scf.yield %scan3A_276 : i32
    }
    %scan3A_69 = arith.constant 13 : i32
    %dma_wait3A_70 = arith.constant 9984 : i32
    %dma_wait3A_71 = tpu.memref_slice %arg5[%dma_wait3A_70] : memref<10000xi32, #tpu.memory_space<vmem>> -> memref<16xi32, #tpu.memory_space<vmem>>
    %dma_wait3A_72 = arith.constant 0 : i32
    %dma_wait3A_73 = arith.constant 0 : i32
    %dma_wait3A_74 = tpu.memref_slice %arg2[%dma_wait3A_72, %dma_wait3A_73] : memref<10000x64xf32, #tpu.memory_space<hbm>> -> memref<10000x64xf32, #tpu.memory_space<hbm>>
    tpu.wait_indirect_dma semaphore(%arg28 : memref<!tpu.dma_semaphore, #tpu.memory_space<semaphore_mem>>) src(%dma_wait3A_74 : memref<10000x64xf32, #tpu.memory_space<hbm>>) dst(%arg13 : memref<16x64xf32, #tpu.memory_space<vmem>>)
    %dma_start3A_75 = arith.constant 9984 : i32
    %dma_start3A_76 = tpu.memref_slice %arg6[%dma_start3A_75] : memref<10000xi32, #tpu.memory_space<vmem>> -> memref<16xi32, #tpu.memory_space<vmem>>
    %dma_start3A_77 = arith.constant 0 : i32
    %dma_start3A_78 = arith.constant 0 : i32
    %dma_start3A_79 = tpu.memref_slice %arg15[%dma_start3A_77, %dma_start3A_78] : memref<10240x64xf32, #tpu.memory_space<vmem_shared>> -> memref<10240x64xf32, #tpu.memory_space<vmem_shared>>
    tpu.enqueue_indirect_dma source(%arg13 : memref<16x64xf32, #tpu.memory_space<vmem>>) target(%dma_start3A_79 : memref<10240x64xf32, #tpu.memory_space<vmem_shared>>) offsets(%dma_start3A_76 : memref<16xi32, #tpu.memory_space<vmem>>) semaphore(%arg29 : memref<!tpu.dma_semaphore, #tpu.memory_space<semaphore_mem>>) {add = true}
    %dma_wait3A_80 = arith.constant 9600 : i32
    %dma_wait3A_81 = tpu.memref_slice %arg6[%dma_wait3A_80] : memref<10000xi32, #tpu.memory_space<vmem>> -> memref<128xi32, #tpu.memory_space<vmem>>
    %dma_wait3A_82 = arith.constant 0 : i32
    %dma_wait3A_83 = arith.constant 0 : i32
    %dma_wait3A_84 = tpu.memref_slice %arg15[%dma_wait3A_82, %dma_wait3A_83] : memref<10240x64xf32, #tpu.memory_space<vmem_shared>> -> memref<10240x64xf32, #tpu.memory_space<vmem_shared>>
    tpu.wait_indirect_dma semaphore(%arg25 : memref<!tpu.dma_semaphore, #tpu.memory_space<semaphore_mem>>) src(%arg10 : memref<128x64xf32, #tpu.memory_space<vmem>>) dst(%dma_wait3A_84 : memref<10240x64xf32, #tpu.memory_space<vmem_shared>>)
    %dma_wait3A_85 = arith.constant 9728 : i32
    %dma_wait3A_86 = tpu.memref_slice %arg6[%dma_wait3A_85] : memref<10000xi32, #tpu.memory_space<vmem>> -> memref<128xi32, #tpu.memory_space<vmem>>
    %dma_wait3A_87 = arith.constant 0 : i32
    %dma_wait3A_88 = arith.constant 0 : i32
    %dma_wait3A_89 = tpu.memref_slice %arg15[%dma_wait3A_87, %dma_wait3A_88] : memref<10240x64xf32, #tpu.memory_space<vmem_shared>> -> memref<10240x64xf32, #tpu.memory_space<vmem_shared>>
    tpu.wait_indirect_dma semaphore(%arg26 : memref<!tpu.dma_semaphore, #tpu.memory_space<semaphore_mem>>) src(%arg11 : memref<128x64xf32, #tpu.memory_space<vmem>>) dst(%dma_wait3A_89 : memref<10240x64xf32, #tpu.memory_space<vmem_shared>>)
    %dma_wait3A_90 = arith.constant 9856 : i32
    %dma_wait3A_91 = tpu.memref_slice %arg6[%dma_wait3A_90] : memref<10000xi32, #tpu.memory_space<vmem>> -> memref<128xi32, #tpu.memory_space<vmem>>
    %dma_wait3A_92 = arith.constant 0 : i32
    %dma_wait3A_93 = arith.constant 0 : i32
    %dma_wait3A_94 = tpu.memref_slice %arg15[%dma_wait3A_92, %dma_wait3A_93] : memref<10240x64xf32, #tpu.memory_space<vmem_shared>> -> memref<10240x64xf32, #tpu.memory_space<vmem_shared>>
    tpu.wait_indirect_dma semaphore(%arg27 : memref<!tpu.dma_semaphore, #tpu.memory_space<semaphore_mem>>) src(%arg12 : memref<128x64xf32, #tpu.memory_space<vmem>>) dst(%dma_wait3A_94 : memref<10240x64xf32, #tpu.memory_space<vmem_shared>>)
    %dma_wait3A_95 = arith.constant 9984 : i32
    %dma_wait3A_96 = tpu.memref_slice %arg6[%dma_wait3A_95] : memref<10000xi32, #tpu.memory_space<vmem>> -> memref<16xi32, #tpu.memory_space<vmem>>
    %dma_wait3A_97 = arith.constant 0 : i32
    %dma_wait3A_98 = arith.constant 0 : i32
    %dma_wait3A_99 = tpu.memref_slice %arg15[%dma_wait3A_97, %dma_wait3A_98] : memref<10240x64xf32, #tpu.memory_space<vmem_shared>> -> memref<10240x64xf32, #tpu.memory_space<vmem_shared>>
    tpu.wait_indirect_dma semaphore(%arg29 : memref<!tpu.dma_semaphore, #tpu.memory_space<semaphore_mem>>) src(%arg13 : memref<16x64xf32, #tpu.memory_space<vmem>>) dst(%dma_wait3A_99 : memref<10240x64xf32, #tpu.memory_space<vmem_shared>>)
    %barrier3A_100 = arith.constant 0 : index
    tpu.barrier barrier_id(%barrier3A_100)
    %eq3A = arith.constant 0 : i32
    %eq3A_101 = arith.cmpi eq, %arg0, %eq3A : i32
    %convert_element_type3A = arith.extui %eq3A_101 : i1 to i32
    %cond3A = arith.constant 0 : i32
    %cond3A_102 = arith.cmpi ne, %convert_element_type3A, %cond3A : i32
    scf.if %cond3A_102 {
      "tpu.region"() ({
        %run_scoped3A = tpu.sem_alloc : memref<!tpu.dma_semaphore, #tpu.memory_space<semaphore_mem>>
        %dma_start3A_108 = arith.constant 0 : i32
        %dma_start3A_109 = tpu.memref_slice %arg4[%mul3A_2, %dma_start3A_108] : memref<10240x128xf32, #tpu.memory_space<hbm>> -> memref<640x64xf32, #tpu.memory_space<hbm>>
        %dma_start3A_110 = arith.constant 0 : i32
        %dma_start3A_111 = tpu.memref_slice %arg15[%mul3A_2, %dma_start3A_110] : memref<10240x64xf32, #tpu.memory_space<vmem_shared>> -> memref<640x64xf32, #tpu.memory_space<vmem_shared>>
        tpu.enqueue_dma source(%dma_start3A_111 : memref<640x64xf32, #tpu.memory_space<vmem_shared>>) target(%dma_start3A_109 : memref<640x64xf32, #tpu.memory_space<hbm>>) target_semaphore(%run_scoped3A : memref<!tpu.dma_semaphore, #tpu.memory_space<semaphore_mem>>)
        %dma_wait3A_112 = arith.constant 0 : i32
        %dma_wait3A_113 = tpu.memref_slice %arg4[%mul3A_2, %dma_wait3A_112] : memref<10240x128xf32, #tpu.memory_space<hbm>> -> memref<640x64xf32, #tpu.memory_space<hbm>>
        %dma_wait3A_114 = arith.constant 0 : i32
        %dma_wait3A_115 = tpu.memref_slice %arg15[%mul3A_2, %dma_wait3A_114] : memref<10240x64xf32, #tpu.memory_space<vmem_shared>> -> memref<640x64xf32, #tpu.memory_space<vmem_shared>>
        tpu.wait_dma2 semaphore(%run_scoped3A : memref<!tpu.dma_semaphore, #tpu.memory_space<semaphore_mem>>) src(%dma_wait3A_115 : memref<640x64xf32, #tpu.memory_space<vmem_shared>>) dst(%dma_wait3A_113 : memref<640x64xf32, #tpu.memory_space<hbm>>)
        tpu.yield
      }) : () -> ()
    } else {
    }
    %eq3A_103 = arith.constant 1 : i32
    %eq3A_104 = arith.cmpi eq, %arg0, %eq3A_103 : i32
    %convert_element_type3A_105 = arith.extui %eq3A_104 : i1 to i32
    %cond3A_106 = arith.constant 0 : i32
    %cond3A_107 = arith.cmpi ne, %convert_element_type3A_105, %cond3A_106 : i32
    scf.if %cond3A_107 {
      "tpu.region"() ({
        %run_scoped3A = tpu.sem_alloc : memref<!tpu.dma_semaphore, #tpu.memory_space<semaphore_mem>>
        %dma_start3A_108 = arith.constant 64 : i32
        %dma_start3A_109 = tpu.memref_slice %arg4[%mul3A_2, %dma_start3A_108] : memref<10240x128xf32, #tpu.memory_space<hbm>> -> memref<640x64xf32, #tpu.memory_space<hbm>>
        %dma_start3A_110 = arith.constant 0 : i32
        %dma_start3A_111 = tpu.memref_slice %arg15[%mul3A_2, %dma_start3A_110] : memref<10240x64xf32, #tpu.memory_space<vmem_shared>> -> memref<640x64xf32, #tpu.memory_space<vmem_shared>>
        tpu.enqueue_dma source(%dma_start3A_111 : memref<640x64xf32, #tpu.memory_space<vmem_shared>>) target(%dma_start3A_109 : memref<640x64xf32, #tpu.memory_space<hbm>>) target_semaphore(%run_scoped3A : memref<!tpu.dma_semaphore, #tpu.memory_space<semaphore_mem>>)
        %dma_wait3A_112 = arith.constant 64 : i32
        %dma_wait3A_113 = tpu.memref_slice %arg4[%mul3A_2, %dma_wait3A_112] : memref<10240x128xf32, #tpu.memory_space<hbm>> -> memref<640x64xf32, #tpu.memory_space<hbm>>
        %dma_wait3A_114 = arith.constant 0 : i32
        %dma_wait3A_115 = tpu.memref_slice %arg15[%mul3A_2, %dma_wait3A_114] : memref<10240x64xf32, #tpu.memory_space<vmem_shared>> -> memref<640x64xf32, #tpu.memory_space<vmem_shared>>
        tpu.wait_dma2 semaphore(%run_scoped3A : memref<!tpu.dma_semaphore, #tpu.memory_space<semaphore_mem>>) src(%dma_wait3A_115 : memref<640x64xf32, #tpu.memory_space<vmem_shared>>) dst(%dma_wait3A_113 : memref<640x64xf32, #tpu.memory_space<hbm>>)
        tpu.yield
      }) : () -> ()
    } else {
    }
    return
  }
}

#map = affine_map<(d0, d1) -> (0, 0)>
module attributes {stable_mosaic.version = 14 : i64} {
  func.func @_prop_kernel(%arg0: i32, %arg1: i32, %arg2: memref<10000x64xf32, #tpu.memory_space<hbm>>, %arg3: memref<2x320000xi32, #tpu.memory_space<hbm>>, %arg4: memref<10240x128xf32, #tpu.memory_space<hbm>>, %arg5: memref<10000xi32, #tpu.memory_space<vmem>>, %arg6: memref<10000xi32, #tpu.memory_space<vmem>>, %arg7: memref<128x64xf32, #tpu.memory_space<vmem>>, %arg8: memref<128x64xf32, #tpu.memory_space<vmem>>, %arg9: memref<128x64xf32, #tpu.memory_space<vmem>>, %arg10: memref<128x64xf32, #tpu.memory_space<vmem>>, %arg11: memref<128x64xf32, #tpu.memory_space<vmem>>, %arg12: memref<128x64xf32, #tpu.memory_space<vmem>>, %arg13: memref<16x64xf32, #tpu.memory_space<vmem>>, %arg14: memref<64x64xf32, #tpu.memory_space<vmem>>, %arg15: memref<10240x64xf32, #tpu.memory_space<vmem_shared>>, %arg16: memref<!tpu.dma_semaphore, #tpu.memory_space<semaphore_mem>>, %arg17: memref<!tpu.dma_semaphore, #tpu.memory_space<semaphore_mem>>, %arg18: memref<!tpu.dma_semaphore, #tpu.memory_space<semaphore_mem>>, %arg19: memref<!tpu.dma_semaphore, #tpu.memory_space<semaphore_mem>>, %arg20: memref<!tpu.dma_semaphore, #tpu.memory_space<semaphore_mem>>, %arg21: memref<!tpu.dma_semaphore, #tpu.memory_space<semaphore_mem>>, %arg22: memref<!tpu.dma_semaphore, #tpu.memory_space<semaphore_mem>>, %arg23: memref<!tpu.dma_semaphore, #tpu.memory_space<semaphore_mem>>, %arg24: memref<!tpu.dma_semaphore, #tpu.memory_space<semaphore_mem>>, %arg25: memref<!tpu.dma_semaphore, #tpu.memory_space<semaphore_mem>>, %arg26: memref<!tpu.dma_semaphore, #tpu.memory_space<semaphore_mem>>, %arg27: memref<!tpu.dma_semaphore, #tpu.memory_space<semaphore_mem>>, %arg28: memref<!tpu.dma_semaphore, #tpu.memory_space<semaphore_mem>>, %arg29: memref<!tpu.dma_semaphore, #tpu.memory_space<semaphore_mem>>, %arg30: memref<!tpu.dma_semaphore, #tpu.memory_space<semaphore_mem>>) attributes {dimension_semantics = [#tpu.dimension_semantics<core_parallel>, #tpu.dimension_semantics<subcore_parallel>], iteration_bounds = array<i64: 2, 16>, scalar_prefetch = 0 : i64, scratch_operands = 26 : i64, tpu.core_type = #tpu.core_type<sc_vector_subcore>, window_params = [{transform_indices = #map}, {transform_indices = #map}, {transform_indices = #map}]} {
    %mul3A = arith.constant 16 : i32
    %mul3A_0 = arith.muli %arg0, %mul3A : i32
    %add3A = arith.addi %mul3A_0, %arg1 : i32
    %mul3A_1 = arith.constant 640 : i32
    %mul3A_2 = arith.muli %arg1, %mul3A_1 : i32
    %mul3A_3 = arith.constant 10000 : i32
    %mul3A_4 = arith.muli %add3A, %mul3A_3 : i32
    %dma_start3A = arith.constant 0 : i32
    %dma_start3A_5 = tpu.memref_slice %arg3[%dma_start3A, %mul3A_4] : memref<2x320000xi32, #tpu.memory_space<hbm>> -> memref<1x10000xi32, #tpu.memory_space<hbm>>
    %dma_start3A_6 = tpu.memref_squeeze %dma_start3A_5 : memref<1x10000xi32, #tpu.memory_space<hbm>> -> memref<10000xi32, #tpu.memory_space<hbm>>
    %dma_start3A_7 = tpu.memref_slice %arg3[%dma_start3A, %mul3A_4] : memref<2x320000xi32, #tpu.memory_space<hbm>> -> memref<1x10000xi32, #tpu.memory_space<hbm>>
    %dma_start3A_8 = tpu.memref_squeeze %dma_start3A_7 : memref<1x10000xi32, #tpu.memory_space<hbm>> -> memref<10000xi32, #tpu.memory_space<hbm>>
    tpu.enqueue_dma source(%dma_start3A_8 : memref<10000xi32, #tpu.memory_space<hbm>>) target(%arg5 : memref<10000xi32, #tpu.memory_space<vmem>>) target_semaphore(%arg30 : memref<!tpu.dma_semaphore, #tpu.memory_space<semaphore_mem>>)
    %dma_start3A_9 = arith.constant 1 : i32
    %dma_start3A_10 = tpu.memref_slice %arg3[%dma_start3A_9, %mul3A_4] : memref<2x320000xi32, #tpu.memory_space<hbm>> -> memref<1x10000xi32, #tpu.memory_space<hbm>>
    %dma_start3A_11 = tpu.memref_squeeze %dma_start3A_10 : memref<1x10000xi32, #tpu.memory_space<hbm>> -> memref<10000xi32, #tpu.memory_space<hbm>>
    %dma_start3A_12 = tpu.memref_slice %arg3[%dma_start3A_9, %mul3A_4] : memref<2x320000xi32, #tpu.memory_space<hbm>> -> memref<1x10000xi32, #tpu.memory_space<hbm>>
    %dma_start3A_13 = tpu.memref_squeeze %dma_start3A_12 : memref<1x10000xi32, #tpu.memory_space<hbm>> -> memref<10000xi32, #tpu.memory_space<hbm>>
    tpu.enqueue_dma source(%dma_start3A_13 : memref<10000xi32, #tpu.memory_space<hbm>>) target(%arg6 : memref<10000xi32, #tpu.memory_space<vmem>>) target_semaphore(%arg30 : memref<!tpu.dma_semaphore, #tpu.memory_space<semaphore_mem>>)
    %scan3A = arith.constant 0 : i32
    %scan3A_14 = arith.constant 0 : i32
    %scan3A_15 = arith.constant 64 : i32
    %scan3A_16 = arith.addi %scan3A_14, %scan3A_15 : i32
    %scan3A_17 = arith.constant 1 : i32
    %scan3A_18 = scf.for %scan3A_108 = %scan3A_14 to %scan3A_16 step %scan3A_17 iter_args(%scan3A_109 = %scan3A) -> (i32)  : i32 {
      %broadcast_in_dim3A = arith.constant 0.000000e+00 : f32
      %broadcast_in_dim3A_110 = vector.broadcast %broadcast_in_dim3A : f32 to vector<16xf32>
      %swap3A = arith.index_cast %scan3A_108 : i32 to index
      %swap3A_111 = arith.constant 0 : index
      %swap3A_112 = tpu.vector_load %arg14[%swap3A, %swap3A_111] {strides = array<i32>} : memref<64x64xf32, #tpu.memory_space<vmem>>, vector<1x16xf32>,
      %swap3A_113 = vector.shape_cast %swap3A_112 : vector<1x16xf32> to vector<16xf32>
      %swap3A_114 = vector.shape_cast %broadcast_in_dim3A_110 : vector<16xf32> to vector<1x16xf32>
      tpu.vector_store %arg14[%swap3A, %swap3A_111], %swap3A_114 {strides = array<i32>} : memref<64x64xf32, #tpu.memory_space<vmem>>, vector<1x16xf32>,
      %broadcast_in_dim3A_115 = arith.constant 0.000000e+00 : f32
      %broadcast_in_dim3A_116 = vector.broadcast %broadcast_in_dim3A_115 : f32 to vector<16xf32>
      %swap3A_117 = arith.index_cast %scan3A_108 : i32 to index
      %swap3A_118 = arith.constant 16 : index
      %swap3A_119 = tpu.vector_load %arg14[%swap3A_117, %swap3A_118] {strides = array<i32>} : memref<64x64xf32, #tpu.memory_space<vmem>>, vector<1x16xf32>,
      %swap3A_120 = vector.shape_cast %swap3A_119 : vector<1x16xf32> to vector<16xf32>
      %swap3A_121 = vector.shape_cast %broadcast_in_dim3A_116 : vector<16xf32> to vector<1x16xf32>
      tpu.vector_store %arg14[%swap3A_117, %swap3A_118], %swap3A_121 {strides = array<i32>} : memref<64x64xf32, #tpu.memory_space<vmem>>, vector<1x16xf32>,
      %broadcast_in_dim3A_122 = arith.constant 0.000000e+00 : f32
      %broadcast_in_dim3A_123 = vector.broadcast %broadcast_in_dim3A_122 : f32 to vector<16xf32>
      %swap3A_124 = arith.index_cast %scan3A_108 : i32 to index
      %swap3A_125 = arith.constant 32 : index
      %swap3A_126 = tpu.vector_load %arg14[%swap3A_124, %swap3A_125] {strides = array<i32>} : memref<64x64xf32, #tpu.memory_space<vmem>>, vector<1x16xf32>,
      %swap3A_127 = vector.shape_cast %swap3A_126 : vector<1x16xf32> to vector<16xf32>
      %swap3A_128 = vector.shape_cast %broadcast_in_dim3A_123 : vector<16xf32> to vector<1x16xf32>
      tpu.vector_store %arg14[%swap3A_124, %swap3A_125], %swap3A_128 {strides = array<i32>} : memref<64x64xf32, #tpu.memory_space<vmem>>, vector<1x16xf32>,
      %broadcast_in_dim3A_129 = arith.constant 0.000000e+00 : f32
      %broadcast_in_dim3A_130 = vector.broadcast %broadcast_in_dim3A_129 : f32 to vector<16xf32>
      %swap3A_131 = arith.index_cast %scan3A_108 : i32 to index
      %swap3A_132 = arith.constant 48 : index
      %swap3A_133 = tpu.vector_load %arg14[%swap3A_131, %swap3A_132] {strides = array<i32>} : memref<64x64xf32, #tpu.memory_space<vmem>>, vector<1x16xf32>,
      %swap3A_134 = vector.shape_cast %swap3A_133 : vector<1x16xf32> to vector<16xf32>
      %swap3A_135 = vector.shape_cast %broadcast_in_dim3A_130 : vector<16xf32> to vector<1x16xf32>
      tpu.vector_store %arg14[%swap3A_131, %swap3A_132], %swap3A_135 {strides = array<i32>} : memref<64x64xf32, #tpu.memory_space<vmem>>, vector<1x16xf32>,
      %scan3A_136 = arith.constant 0 : i32
      scf.yield %scan3A_136 : i32
    }
    %scan3A_19 = arith.constant 64 : i32
    %scan3A_20 = arith.constant 0 : i32
    %scan3A_21 = arith.constant 0 : i32
    %scan3A_22 = arith.constant 2 : i32
    %scan3A_23 = arith.addi %scan3A_21, %scan3A_22 : i32
    %scan3A_24 = arith.constant 1 : i32
    %scan3A_25 = scf.for %scan3A_108 = %scan3A_21 to %scan3A_23 step %scan3A_24 iter_args(%scan3A_109 = %scan3A_20) -> (i32)  : i32 {
      %mul3A_110 = arith.constant 5 : i32
      %mul3A_111 = arith.muli %mul3A_110, %scan3A_108 : i32
      %add3A_112 = arith.constant 0 : i32
      %add3A_113 = arith.addi %mul3A_111, %add3A_112 : i32
      %mul3A_114 = arith.constant 64 : i32
      %mul3A_115 = arith.muli %mul3A_114, %add3A_113 : i32
      %add3A_116 = arith.addi %mul3A_2, %mul3A_115 : i32
      %dma_start3A_117 = arith.constant 0 : i32
      %dma_start3A_118 = tpu.memref_slice %arg15[%add3A_116, %dma_start3A_117] : memref<10240x64xf32, #tpu.memory_space<vmem_shared>> -> memref<64x64xf32, #tpu.memory_space<vmem_shared>>
      %dma_start3A_119 = arith.constant 0 : i32
      %dma_start3A_120 = tpu.memref_slice %arg15[%add3A_116, %dma_start3A_119] : memref<10240x64xf32, #tpu.memory_space<vmem_shared>> -> memref<64x64xf32, #tpu.memory_space<vmem_shared>>
      tpu.enqueue_dma source(%arg14 : memref<64x64xf32, #tpu.memory_space<vmem>>) target(%dma_start3A_120 : memref<64x64xf32, #tpu.memory_space<vmem_shared>>) target_semaphore(%arg22 : memref<!tpu.dma_semaphore, #tpu.memory_space<semaphore_mem>>)
      %mul3A_121 = arith.constant 5 : i32
      %mul3A_122 = arith.muli %mul3A_121, %scan3A_108 : i32
      %add3A_123 = arith.constant 1 : i32
      %add3A_124 = arith.addi %mul3A_122, %add3A_123 : i32
      %mul3A_125 = arith.constant 64 : i32
      %mul3A_126 = arith.muli %mul3A_125, %add3A_124 : i32
      %add3A_127 = arith.addi %mul3A_2, %mul3A_126 : i32
      %dma_start3A_128 = arith.constant 0 : i32
      %dma_start3A_129 = tpu.memref_slice %arg15[%add3A_127, %dma_start3A_128] : memref<10240x64xf32, #tpu.memory_space<vmem_shared>> -> memref<64x64xf32, #tpu.memory_space<vmem_shared>>
      %dma_start3A_130 = arith.constant 0 : i32
      %dma_start3A_131 = tpu.memref_slice %arg15[%add3A_127, %dma_start3A_130] : memref<10240x64xf32, #tpu.memory_space<vmem_shared>> -> memref<64x64xf32, #tpu.memory_space<vmem_shared>>
      tpu.enqueue_dma source(%arg14 : memref<64x64xf32, #tpu.memory_space<vmem>>) target(%dma_start3A_131 : memref<64x64xf32, #tpu.memory_space<vmem_shared>>) target_semaphore(%arg23 : memref<!tpu.dma_semaphore, #tpu.memory_space<semaphore_mem>>)
      %mul3A_132 = arith.constant 5 : i32
      %mul3A_133 = arith.muli %mul3A_132, %scan3A_108 : i32
      %add3A_134 = arith.constant 2 : i32
      %add3A_135 = arith.addi %mul3A_133, %add3A_134 : i32
      %mul3A_136 = arith.constant 64 : i32
      %mul3A_137 = arith.muli %mul3A_136, %add3A_135 : i32
      %add3A_138 = arith.addi %mul3A_2, %mul3A_137 : i32
      %dma_start3A_139 = arith.constant 0 : i32
      %dma_start3A_140 = tpu.memref_slice %arg15[%add3A_138, %dma_start3A_139] : memref<10240x64xf32, #tpu.memory_space<vmem_shared>> -> memref<64x64xf32, #tpu.memory_space<vmem_shared>>
      %dma_start3A_141 = arith.constant 0 : i32
      %dma_start3A_142 = tpu.memref_slice %arg15[%add3A_138, %dma_start3A_141] : memref<10240x64xf32, #tpu.memory_space<vmem_shared>> -> memref<64x64xf32, #tpu.memory_space<vmem_shared>>
      tpu.enqueue_dma source(%arg14 : memref<64x64xf32, #tpu.memory_space<vmem>>) target(%dma_start3A_142 : memref<64x64xf32, #tpu.memory_space<vmem_shared>>) target_semaphore(%arg24 : memref<!tpu.dma_semaphore, #tpu.memory_space<semaphore_mem>>)
      %mul3A_143 = arith.constant 5 : i32
      %mul3A_144 = arith.muli %mul3A_143, %scan3A_108 : i32
      %add3A_145 = arith.constant 3 : i32
      %add3A_146 = arith.addi %mul3A_144, %add3A_145 : i32
      %mul3A_147 = arith.constant 64 : i32
      %mul3A_148 = arith.muli %mul3A_147, %add3A_146 : i32
      %add3A_149 = arith.addi %mul3A_2, %mul3A_148 : i32
      %dma_start3A_150 = arith.constant 0 : i32
      %dma_start3A_151 = tpu.memref_slice %arg15[%add3A_149, %dma_start3A_150] : memref<10240x64xf32, #tpu.memory_space<vmem_shared>> -> memref<64x64xf32, #tpu.memory_space<vmem_shared>>
      %dma_start3A_152 = arith.constant 0 : i32
      %dma_start3A_153 = tpu.memref_slice %arg15[%add3A_149, %dma_start3A_152] : memref<10240x64xf32, #tpu.memory_space<vmem_shared>> -> memref<64x64xf32, #tpu.memory_space<vmem_shared>>
      tpu.enqueue_dma source(%arg14 : memref<64x64xf32, #tpu.memory_space<vmem>>) target(%dma_start3A_153 : memref<64x64xf32, #tpu.memory_space<vmem_shared>>) target_semaphore(%arg25 : memref<!tpu.dma_semaphore, #tpu.memory_space<semaphore_mem>>)
      %mul3A_154 = arith.constant 5 : i32
      %mul3A_155 = arith.muli %mul3A_154, %scan3A_108 : i32
      %add3A_156 = arith.constant 4 : i32
      %add3A_157 = arith.addi %mul3A_155, %add3A_156 : i32
      %mul3A_158 = arith.constant 64 : i32
      %mul3A_159 = arith.muli %mul3A_158, %add3A_157 : i32
      %add3A_160 = arith.addi %mul3A_2, %mul3A_159 : i32
      %dma_start3A_161 = arith.constant 0 : i32
      %dma_start3A_162 = tpu.memref_slice %arg15[%add3A_160, %dma_start3A_161] : memref<10240x64xf32, #tpu.memory_space<vmem_shared>> -> memref<64x64xf32, #tpu.memory_space<vmem_shared>>
      %dma_start3A_163 = arith.constant 0 : i32
      %dma_start3A_164 = tpu.memref_slice %arg15[%add3A_160, %dma_start3A_163] : memref<10240x64xf32, #tpu.memory_space<vmem_shared>> -> memref<64x64xf32, #tpu.memory_space<vmem_shared>>
      tpu.enqueue_dma source(%arg14 : memref<64x64xf32, #tpu.memory_space<vmem>>) target(%dma_start3A_164 : memref<64x64xf32, #tpu.memory_space<vmem_shared>>) target_semaphore(%arg26 : memref<!tpu.dma_semaphore, #tpu.memory_space<semaphore_mem>>)
      %scan3A_165 = arith.constant 0 : i32
      scf.yield %scan3A_165 : i32
    }
    %scan3A_26 = arith.constant 2 : i32
    %scan3A_27 = arith.constant 0 : i32
    %scan3A_28 = arith.constant 0 : i32
    %scan3A_29 = arith.constant 2 : i32
    %scan3A_30 = arith.addi %scan3A_28, %scan3A_29 : i32
    %scan3A_31 = arith.constant 1 : i32
    %scan3A_32 = scf.for %scan3A_108 = %scan3A_28 to %scan3A_30 step %scan3A_31 iter_args(%scan3A_109 = %scan3A_27) -> (i32)  : i32 {
      %mul3A_110 = arith.constant 5 : i32
      %mul3A_111 = arith.muli %mul3A_110, %scan3A_108 : i32
      %add3A_112 = arith.constant 0 : i32
      %add3A_113 = arith.addi %mul3A_111, %add3A_112 : i32
      %mul3A_114 = arith.constant 64 : i32
      %mul3A_115 = arith.muli %mul3A_114, %add3A_113 : i32
      %add3A_116 = arith.addi %mul3A_2, %mul3A_115 : i32
      %dma_wait3A_117 = arith.constant 0 : i32
      %dma_wait3A_118 = tpu.memref_slice %arg15[%add3A_116, %dma_wait3A_117] : memref<10240x64xf32, #tpu.memory_space<vmem_shared>> -> memref<64x64xf32, #tpu.memory_space<vmem_shared>>
      %dma_wait3A_119 = arith.constant 0 : i32
      %dma_wait3A_120 = tpu.memref_slice %arg15[%add3A_116, %dma_wait3A_119] : memref<10240x64xf32, #tpu.memory_space<vmem_shared>> -> memref<64x64xf32, #tpu.memory_space<vmem_shared>>
      tpu.wait_dma2 semaphore(%arg22 : memref<!tpu.dma_semaphore, #tpu.memory_space<semaphore_mem>>) src(%arg14 : memref<64x64xf32, #tpu.memory_space<vmem>>) dst(%dma_wait3A_120 : memref<64x64xf32, #tpu.memory_space<vmem_shared>>)
      %mul3A_121 = arith.constant 5 : i32
      %mul3A_122 = arith.muli %mul3A_121, %scan3A_108 : i32
      %add3A_123 = arith.constant 1 : i32
      %add3A_124 = arith.addi %mul3A_122, %add3A_123 : i32
      %mul3A_125 = arith.constant 64 : i32
      %mul3A_126 = arith.muli %mul3A_125, %add3A_124 : i32
      %add3A_127 = arith.addi %mul3A_2, %mul3A_126 : i32
      %dma_wait3A_128 = arith.constant 0 : i32
      %dma_wait3A_129 = tpu.memref_slice %arg15[%add3A_127, %dma_wait3A_128] : memref<10240x64xf32, #tpu.memory_space<vmem_shared>> -> memref<64x64xf32, #tpu.memory_space<vmem_shared>>
      %dma_wait3A_130 = arith.constant 0 : i32
      %dma_wait3A_131 = tpu.memref_slice %arg15[%add3A_127, %dma_wait3A_130] : memref<10240x64xf32, #tpu.memory_space<vmem_shared>> -> memref<64x64xf32, #tpu.memory_space<vmem_shared>>
      tpu.wait_dma2 semaphore(%arg23 : memref<!tpu.dma_semaphore, #tpu.memory_space<semaphore_mem>>) src(%arg14 : memref<64x64xf32, #tpu.memory_space<vmem>>) dst(%dma_wait3A_131 : memref<64x64xf32, #tpu.memory_space<vmem_shared>>)
      %mul3A_132 = arith.constant 5 : i32
      %mul3A_133 = arith.muli %mul3A_132, %scan3A_108 : i32
      %add3A_134 = arith.constant 2 : i32
      %add3A_135 = arith.addi %mul3A_133, %add3A_134 : i32
      %mul3A_136 = arith.constant 64 : i32
      %mul3A_137 = arith.muli %mul3A_136, %add3A_135 : i32
      %add3A_138 = arith.addi %mul3A_2, %mul3A_137 : i32
      %dma_wait3A_139 = arith.constant 0 : i32
      %dma_wait3A_140 = tpu.memref_slice %arg15[%add3A_138, %dma_wait3A_139] : memref<10240x64xf32, #tpu.memory_space<vmem_shared>> -> memref<64x64xf32, #tpu.memory_space<vmem_shared>>
      %dma_wait3A_141 = arith.constant 0 : i32
      %dma_wait3A_142 = tpu.memref_slice %arg15[%add3A_138, %dma_wait3A_141] : memref<10240x64xf32, #tpu.memory_space<vmem_shared>> -> memref<64x64xf32, #tpu.memory_space<vmem_shared>>
      tpu.wait_dma2 semaphore(%arg24 : memref<!tpu.dma_semaphore, #tpu.memory_space<semaphore_mem>>) src(%arg14 : memref<64x64xf32, #tpu.memory_space<vmem>>) dst(%dma_wait3A_142 : memref<64x64xf32, #tpu.memory_space<vmem_shared>>)
      %mul3A_143 = arith.constant 5 : i32
      %mul3A_144 = arith.muli %mul3A_143, %scan3A_108 : i32
      %add3A_145 = arith.constant 3 : i32
      %add3A_146 = arith.addi %mul3A_144, %add3A_145 : i32
      %mul3A_147 = arith.constant 64 : i32
      %mul3A_148 = arith.muli %mul3A_147, %add3A_146 : i32
      %add3A_149 = arith.addi %mul3A_2, %mul3A_148 : i32
      %dma_wait3A_150 = arith.constant 0 : i32
      %dma_wait3A_151 = tpu.memref_slice %arg15[%add3A_149, %dma_wait3A_150] : memref<10240x64xf32, #tpu.memory_space<vmem_shared>> -> memref<64x64xf32, #tpu.memory_space<vmem_shared>>
      %dma_wait3A_152 = arith.constant 0 : i32
      %dma_wait3A_153 = tpu.memref_slice %arg15[%add3A_149, %dma_wait3A_152] : memref<10240x64xf32, #tpu.memory_space<vmem_shared>> -> memref<64x64xf32, #tpu.memory_space<vmem_shared>>
      tpu.wait_dma2 semaphore(%arg25 : memref<!tpu.dma_semaphore, #tpu.memory_space<semaphore_mem>>) src(%arg14 : memref<64x64xf32, #tpu.memory_space<vmem>>) dst(%dma_wait3A_153 : memref<64x64xf32, #tpu.memory_space<vmem_shared>>)
      %mul3A_154 = arith.constant 5 : i32
      %mul3A_155 = arith.muli %mul3A_154, %scan3A_108 : i32
      %add3A_156 = arith.constant 4 : i32
      %add3A_157 = arith.addi %mul3A_155, %add3A_156 : i32
      %mul3A_158 = arith.constant 64 : i32
      %mul3A_159 = arith.muli %mul3A_158, %add3A_157 : i32
      %add3A_160 = arith.addi %mul3A_2, %mul3A_159 : i32
      %dma_wait3A_161 = arith.constant 0 : i32
      %dma_wait3A_162 = tpu.memref_slice %arg15[%add3A_160, %dma_wait3A_161] : memref<10240x64xf32, #tpu.memory_space<vmem_shared>> -> memref<64x64xf32, #tpu.memory_space<vmem_shared>>
      %dma_wait3A_163 = arith.constant 0 : i32
      %dma_wait3A_164 = tpu.memref_slice %arg15[%add3A_160, %dma_wait3A_163] : memref<10240x64xf32, #tpu.memory_space<vmem_shared>> -> memref<64x64xf32, #tpu.memory_space<vmem_shared>>
      tpu.wait_dma2 semaphore(%arg26 : memref<!tpu.dma_semaphore, #tpu.memory_space<semaphore_mem>>) src(%arg14 : memref<64x64xf32, #tpu.memory_space<vmem>>) dst(%dma_wait3A_164 : memref<64x64xf32, #tpu.memory_space<vmem_shared>>)
      %scan3A_165 = arith.constant 0 : i32
      scf.yield %scan3A_165 : i32
    }
    %scan3A_33 = arith.constant 2 : i32
    %dma_wait3A = arith.constant 0 : i32
    %dma_wait3A_34 = tpu.memref_slice %arg3[%dma_wait3A, %mul3A_4] : memref<2x320000xi32, #tpu.memory_space<hbm>> -> memref<1x10000xi32, #tpu.memory_space<hbm>>
    %dma_wait3A_35 = tpu.memref_squeeze %dma_wait3A_34 : memref<1x10000xi32, #tpu.memory_space<hbm>> -> memref<10000xi32, #tpu.memory_space<hbm>>
    %dma_wait3A_36 = tpu.memref_slice %arg3[%dma_wait3A, %mul3A_4] : memref<2x320000xi32, #tpu.memory_space<hbm>> -> memref<1x10000xi32, #tpu.memory_space<hbm>>
    %dma_wait3A_37 = tpu.memref_squeeze %dma_wait3A_36 : memref<1x10000xi32, #tpu.memory_space<hbm>> -> memref<10000xi32, #tpu.memory_space<hbm>>
    tpu.wait_dma2 semaphore(%arg30 : memref<!tpu.dma_semaphore, #tpu.memory_space<semaphore_mem>>) src(%dma_wait3A_37 : memref<10000xi32, #tpu.memory_space<hbm>>) dst(%arg5 : memref<10000xi32, #tpu.memory_space<vmem>>)
    %dma_wait3A_38 = arith.constant 1 : i32
    %dma_wait3A_39 = tpu.memref_slice %arg3[%dma_wait3A_38, %mul3A_4] : memref<2x320000xi32, #tpu.memory_space<hbm>> -> memref<1x10000xi32, #tpu.memory_space<hbm>>
    %dma_wait3A_40 = tpu.memref_squeeze %dma_wait3A_39 : memref<1x10000xi32, #tpu.memory_space<hbm>> -> memref<10000xi32, #tpu.memory_space<hbm>>
    %dma_wait3A_41 = tpu.memref_slice %arg3[%dma_wait3A_38, %mul3A_4] : memref<2x320000xi32, #tpu.memory_space<hbm>> -> memref<1x10000xi32, #tpu.memory_space<hbm>>
    %dma_wait3A_42 = tpu.memref_squeeze %dma_wait3A_41 : memref<1x10000xi32, #tpu.memory_space<hbm>> -> memref<10000xi32, #tpu.memory_space<hbm>>
    tpu.wait_dma2 semaphore(%arg30 : memref<!tpu.dma_semaphore, #tpu.memory_space<semaphore_mem>>) src(%dma_wait3A_42 : memref<10000xi32, #tpu.memory_space<hbm>>) dst(%arg6 : memref<10000xi32, #tpu.memory_space<vmem>>)
    %barrier3A = arith.constant 0 : index
    tpu.barrier barrier_id(%barrier3A)
    %dma_start3A_43 = arith.constant 9984 : i32
    %dma_start3A_44 = tpu.memref_slice %arg5[%dma_start3A_43] : memref<10000xi32, #tpu.memory_space<vmem>> -> memref<16xi32, #tpu.memory_space<vmem>>
    %dma_start3A_45 = arith.constant 0 : i32
    %dma_start3A_46 = arith.constant 0 : i32
    %dma_start3A_47 = tpu.memref_slice %arg2[%dma_start3A_45, %dma_start3A_46] : memref<10000x64xf32, #tpu.memory_space<hbm>> -> memref<10000x64xf32, #tpu.memory_space<hbm>>
    tpu.enqueue_indirect_dma source(%dma_start3A_47 : memref<10000x64xf32, #tpu.memory_space<hbm>>) target(%arg13 : memref<16x64xf32, #tpu.memory_space<vmem>>) offsets(%dma_start3A_44 : memref<16xi32, #tpu.memory_space<vmem>>) semaphore(%arg28 : memref<!tpu.dma_semaphore, #tpu.memory_space<semaphore_mem>>)
    %dma_start3A_48 = arith.constant 0 : i32
    %dma_start3A_49 = tpu.memref_slice %arg5[%dma_start3A_48] : memref<10000xi32, #tpu.memory_space<vmem>> -> memref<128xi32, #tpu.memory_space<vmem>>
    %dma_start3A_50 = arith.constant 0 : i32
    %dma_start3A_51 = arith.constant 0 : i32
    %dma_start3A_52 = tpu.memref_slice %arg2[%dma_start3A_50, %dma_start3A_51] : memref<10000x64xf32, #tpu.memory_space<hbm>> -> memref<10000x64xf32, #tpu.memory_space<hbm>>
    tpu.enqueue_indirect_dma source(%dma_start3A_52 : memref<10000x64xf32, #tpu.memory_space<hbm>>) target(%arg7 : memref<128x64xf32, #tpu.memory_space<vmem>>) offsets(%dma_start3A_49 : memref<128xi32, #tpu.memory_space<vmem>>) semaphore(%arg16 : memref<!tpu.dma_semaphore, #tpu.memory_space<semaphore_mem>>)
    %dma_start3A_53 = arith.constant 128 : i32
    %dma_start3A_54 = tpu.memref_slice %arg5[%dma_start3A_53] : memref<10000xi32, #tpu.memory_space<vmem>> -> memref<128xi32, #tpu.memory_space<vmem>>
    %dma_start3A_55 = arith.constant 0 : i32
    %dma_start3A_56 = arith.constant 0 : i32
    %dma_start3A_57 = tpu.memref_slice %arg2[%dma_start3A_55, %dma_start3A_56] : memref<10000x64xf32, #tpu.memory_space<hbm>> -> memref<10000x64xf32, #tpu.memory_space<hbm>>
    tpu.enqueue_indirect_dma source(%dma_start3A_57 : memref<10000x64xf32, #tpu.memory_space<hbm>>) target(%arg8 : memref<128x64xf32, #tpu.memory_space<vmem>>) offsets(%dma_start3A_54 : memref<128xi32, #tpu.memory_space<vmem>>) semaphore(%arg17 : memref<!tpu.dma_semaphore, #tpu.memory_space<semaphore_mem>>)
    %dma_start3A_58 = arith.constant 256 : i32
    %dma_start3A_59 = tpu.memref_slice %arg5[%dma_start3A_58] : memref<10000xi32, #tpu.memory_space<vmem>> -> memref<128xi32, #tpu.memory_space<vmem>>
    %dma_start3A_60 = arith.constant 0 : i32
    %dma_start3A_61 = arith.constant 0 : i32
    %dma_start3A_62 = tpu.memref_slice %arg2[%dma_start3A_60, %dma_start3A_61] : memref<10000x64xf32, #tpu.memory_space<hbm>> -> memref<10000x64xf32, #tpu.memory_space<hbm>>
    tpu.enqueue_indirect_dma source(%dma_start3A_62 : memref<10000x64xf32, #tpu.memory_space<hbm>>) target(%arg9 : memref<128x64xf32, #tpu.memory_space<vmem>>) offsets(%dma_start3A_59 : memref<128xi32, #tpu.memory_space<vmem>>) semaphore(%arg18 : memref<!tpu.dma_semaphore, #tpu.memory_space<semaphore_mem>>)
    %scan3A_63 = arith.constant 0 : i32
    %scan3A_64 = arith.constant 0 : i32
    %scan3A_65 = arith.constant 13 : i32
    %scan3A_66 = arith.addi %scan3A_64, %scan3A_65 : i32
    %scan3A_67 = arith.constant 1 : i32
    %scan3A_68 = scf.for %scan3A_108 = %scan3A_64 to %scan3A_66 step %scan3A_67 iter_args(%scan3A_109 = %scan3A_63) -> (i32)  : i32 {
      %mul3A_110 = arith.constant 6 : i32
      %mul3A_111 = arith.muli %mul3A_110, %scan3A_108 : i32
      %add3A_112 = arith.constant 0 : i32
      %add3A_113 = arith.addi %mul3A_111, %add3A_112 : i32
      %ge3A = arith.constant 3 : i32
      %ge3A_114 = arith.cmpi sge, %add3A_113, %ge3A : i32
      %convert_element_type3A_115 = arith.extui %ge3A_114 : i1 to i32
      %cond3A_116 = arith.constant 0 : i32
      %cond3A_117 = arith.cmpi ne, %convert_element_type3A_115, %cond3A_116 : i32
      scf.if %cond3A_117 {
        %sub3A = arith.constant 3 : i32
        %sub3A_277 = arith.subi %add3A_113, %sub3A : i32
        %mul3A_278 = arith.constant 128 : i32
        %mul3A_279 = arith.muli %sub3A_277, %mul3A_278 : i32
        %dma_wait3A_280 = tpu.memref_slice %arg6[%mul3A_279] : memref<10000xi32, #tpu.memory_space<vmem>> -> memref<128xi32, #tpu.memory_space<vmem>>
        %dma_wait3A_281 = arith.constant 0 : i32
        %dma_wait3A_282 = arith.constant 0 : i32
        %dma_wait3A_283 = tpu.memref_slice %arg15[%dma_wait3A_281, %dma_wait3A_282] : memref<10240x64xf32, #tpu.memory_space<vmem_shared>> -> memref<10240x64xf32, #tpu.memory_space<vmem_shared>>
        tpu.wait_indirect_dma semaphore(%arg25 : memref<!tpu.dma_semaphore, #tpu.memory_space<semaphore_mem>>) src(%arg10 : memref<128x64xf32, #tpu.memory_space<vmem>>) dst(%dma_wait3A_283 : memref<10240x64xf32, #tpu.memory_space<vmem_shared>>)
      } else {
      }
      %add3A_118 = arith.constant 3 : i32
      %add3A_119 = arith.addi %add3A_113, %add3A_118 : i32
      %lt3A = arith.constant 78 : i32
      %lt3A_120 = arith.cmpi slt, %add3A_119, %lt3A : i32
      %convert_element_type3A_121 = arith.extui %lt3A_120 : i1 to i32
      %cond3A_122 = arith.constant 0 : i32
      %cond3A_123 = arith.cmpi ne, %convert_element_type3A_121, %cond3A_122 : i32
      scf.if %cond3A_123 {
        %add3A_277 = arith.constant 3 : i32
        %add3A_278 = arith.addi %add3A_113, %add3A_277 : i32
        %mul3A_279 = arith.constant 128 : i32
        %mul3A_280 = arith.muli %add3A_278, %mul3A_279 : i32
        %dma_start3A_281 = tpu.memref_slice %arg5[%mul3A_280] : memref<10000xi32, #tpu.memory_space<vmem>> -> memref<128xi32, #tpu.memory_space<vmem>>
        %dma_start3A_282 = arith.constant 0 : i32
        %dma_start3A_283 = arith.constant 0 : i32
        %dma_start3A_284 = tpu.memref_slice %arg2[%dma_start3A_282, %dma_start3A_283] : memref<10000x64xf32, #tpu.memory_space<hbm>> -> memref<10000x64xf32, #tpu.memory_space<hbm>>
        tpu.enqueue_indirect_dma source(%dma_start3A_284 : memref<10000x64xf32, #tpu.memory_space<hbm>>) target(%arg10 : memref<128x64xf32, #tpu.memory_space<vmem>>) offsets(%dma_start3A_281 : memref<128xi32, #tpu.memory_space<vmem>>) semaphore(%arg19 : memref<!tpu.dma_semaphore, #tpu.memory_space<semaphore_mem>>)
      } else {
      }
      %mul3A_124 = arith.constant 128 : i32
      %mul3A_125 = arith.muli %add3A_113, %mul3A_124 : i32
      %dma_wait3A_126 = tpu.memref_slice %arg5[%mul3A_125] : memref<10000xi32, #tpu.memory_space<vmem>> -> memref<128xi32, #tpu.memory_space<vmem>>
      %dma_wait3A_127 = arith.constant 0 : i32
      %dma_wait3A_128 = arith.constant 0 : i32
      %dma_wait3A_129 = tpu.memref_slice %arg2[%dma_wait3A_127, %dma_wait3A_128] : memref<10000x64xf32, #tpu.memory_space<hbm>> -> memref<10000x64xf32, #tpu.memory_space<hbm>>
      tpu.wait_indirect_dma semaphore(%arg16 : memref<!tpu.dma_semaphore, #tpu.memory_space<semaphore_mem>>) src(%dma_wait3A_129 : memref<10000x64xf32, #tpu.memory_space<hbm>>) dst(%arg7 : memref<128x64xf32, #tpu.memory_space<vmem>>)
      %mul3A_130 = arith.constant 128 : i32
      %mul3A_131 = arith.muli %add3A_113, %mul3A_130 : i32
      %dma_start3A_132 = tpu.memref_slice %arg6[%mul3A_131] : memref<10000xi32, #tpu.memory_space<vmem>> -> memref<128xi32, #tpu.memory_space<vmem>>
      %dma_start3A_133 = arith.constant 0 : i32
      %dma_start3A_134 = arith.constant 0 : i32
      %dma_start3A_135 = tpu.memref_slice %arg15[%dma_start3A_133, %dma_start3A_134] : memref<10240x64xf32, #tpu.memory_space<vmem_shared>> -> memref<10240x64xf32, #tpu.memory_space<vmem_shared>>
      tpu.enqueue_indirect_dma source(%arg7 : memref<128x64xf32, #tpu.memory_space<vmem>>) target(%dma_start3A_135 : memref<10240x64xf32, #tpu.memory_space<vmem_shared>>) offsets(%dma_start3A_132 : memref<128xi32, #tpu.memory_space<vmem>>) semaphore(%arg22 : memref<!tpu.dma_semaphore, #tpu.memory_space<semaphore_mem>>) {add = true}
      %mul3A_136 = arith.constant 6 : i32
      %mul3A_137 = arith.muli %mul3A_136, %scan3A_108 : i32
      %add3A_138 = arith.constant 1 : i32
      %add3A_139 = arith.addi %mul3A_137, %add3A_138 : i32
      %ge3A_140 = arith.constant 3 : i32
      %ge3A_141 = arith.cmpi sge, %add3A_139, %ge3A_140 : i32
      %convert_element_type3A_142 = arith.extui %ge3A_141 : i1 to i32
      %cond3A_143 = arith.constant 0 : i32
      %cond3A_144 = arith.cmpi ne, %convert_element_type3A_142, %cond3A_143 : i32
      scf.if %cond3A_144 {
        %sub3A = arith.constant 3 : i32
        %sub3A_277 = arith.subi %add3A_139, %sub3A : i32
        %mul3A_278 = arith.constant 128 : i32
        %mul3A_279 = arith.muli %sub3A_277, %mul3A_278 : i32
        %dma_wait3A_280 = tpu.memref_slice %arg6[%mul3A_279] : memref<10000xi32, #tpu.memory_space<vmem>> -> memref<128xi32, #tpu.memory_space<vmem>>
        %dma_wait3A_281 = arith.constant 0 : i32
        %dma_wait3A_282 = arith.constant 0 : i32
        %dma_wait3A_283 = tpu.memref_slice %arg15[%dma_wait3A_281, %dma_wait3A_282] : memref<10240x64xf32, #tpu.memory_space<vmem_shared>> -> memref<10240x64xf32, #tpu.memory_space<vmem_shared>>
        tpu.wait_indirect_dma semaphore(%arg26 : memref<!tpu.dma_semaphore, #tpu.memory_space<semaphore_mem>>) src(%arg11 : memref<128x64xf32, #tpu.memory_space<vmem>>) dst(%dma_wait3A_283 : memref<10240x64xf32, #tpu.memory_space<vmem_shared>>)
      } else {
      }
      %add3A_145 = arith.constant 3 : i32
      %add3A_146 = arith.addi %add3A_139, %add3A_145 : i32
      %lt3A_147 = arith.constant 78 : i32
      %lt3A_148 = arith.cmpi slt, %add3A_146, %lt3A_147 : i32
      %convert_element_type3A_149 = arith.extui %lt3A_148 : i1 to i32
      %cond3A_150 = arith.constant 0 : i32
      %cond3A_151 = arith.cmpi ne, %convert_element_type3A_149, %cond3A_150 : i32
      scf.if %cond3A_151 {
        %add3A_277 = arith.constant 3 : i32
        %add3A_278 = arith.addi %add3A_139, %add3A_277 : i32
        %mul3A_279 = arith.constant 128 : i32
        %mul3A_280 = arith.muli %add3A_278, %mul3A_279 : i32
        %dma_start3A_281 = tpu.memref_slice %arg5[%mul3A_280] : memref<10000xi32, #tpu.memory_space<vmem>> -> memref<128xi32, #tpu.memory_space<vmem>>
        %dma_start3A_282 = arith.constant 0 : i32
        %dma_start3A_283 = arith.constant 0 : i32
        %dma_start3A_284 = tpu.memref_slice %arg2[%dma_start3A_282, %dma_start3A_283] : memref<10000x64xf32, #tpu.memory_space<hbm>> -> memref<10000x64xf32, #tpu.memory_space<hbm>>
        tpu.enqueue_indirect_dma source(%dma_start3A_284 : memref<10000x64xf32, #tpu.memory_space<hbm>>) target(%arg11 : memref<128x64xf32, #tpu.memory_space<vmem>>) offsets(%dma_start3A_281 : memref<128xi32, #tpu.memory_space<vmem>>) semaphore(%arg20 : memref<!tpu.dma_semaphore, #tpu.memory_space<semaphore_mem>>)
      } else {
      }
      %mul3A_152 = arith.constant 128 : i32
      %mul3A_153 = arith.muli %add3A_139, %mul3A_152 : i32
      %dma_wait3A_154 = tpu.memref_slice %arg5[%mul3A_153] : memref<10000xi32, #tpu.memory_space<vmem>> -> memref<128xi32, #tpu.memory_space<vmem>>
      %dma_wait3A_155 = arith.constant 0 : i32
      %dma_wait3A_156 = arith.constant 0 : i32
      %dma_wait3A_157 = tpu.memref_slice %arg2[%dma_wait3A_155, %dma_wait3A_156] : memref<10000x64xf32, #tpu.memory_space<hbm>> -> memref<10000x64xf32, #tpu.memory_space<hbm>>
      tpu.wait_indirect_dma semaphore(%arg17 : memref<!tpu.dma_semaphore, #tpu.memory_space<semaphore_mem>>) src(%dma_wait3A_157 : memref<10000x64xf32, #tpu.memory_space<hbm>>) dst(%arg8 : memref<128x64xf32, #tpu.memory_space<vmem>>)
      %mul3A_158 = arith.constant 128 : i32
      %mul3A_159 = arith.muli %add3A_139, %mul3A_158 : i32
      %dma_start3A_160 = tpu.memref_slice %arg6[%mul3A_159] : memref<10000xi32, #tpu.memory_space<vmem>> -> memref<128xi32, #tpu.memory_space<vmem>>
      %dma_start3A_161 = arith.constant 0 : i32
      %dma_start3A_162 = arith.constant 0 : i32
      %dma_start3A_163 = tpu.memref_slice %arg15[%dma_start3A_161, %dma_start3A_162] : memref<10240x64xf32, #tpu.memory_space<vmem_shared>> -> memref<10240x64xf32, #tpu.memory_space<vmem_shared>>
      tpu.enqueue_indirect_dma source(%arg8 : memref<128x64xf32, #tpu.memory_space<vmem>>) target(%dma_start3A_163 : memref<10240x64xf32, #tpu.memory_space<vmem_shared>>) offsets(%dma_start3A_160 : memref<128xi32, #tpu.memory_space<vmem>>) semaphore(%arg23 : memref<!tpu.dma_semaphore, #tpu.memory_space<semaphore_mem>>) {add = true}
      %mul3A_164 = arith.constant 6 : i32
      %mul3A_165 = arith.muli %mul3A_164, %scan3A_108 : i32
      %add3A_166 = arith.constant 2 : i32
      %add3A_167 = arith.addi %mul3A_165, %add3A_166 : i32
      %ge3A_168 = arith.constant 3 : i32
      %ge3A_169 = arith.cmpi sge, %add3A_167, %ge3A_168 : i32
      %convert_element_type3A_170 = arith.extui %ge3A_169 : i1 to i32
      %cond3A_171 = arith.constant 0 : i32
      %cond3A_172 = arith.cmpi ne, %convert_element_type3A_170, %cond3A_171 : i32
      scf.if %cond3A_172 {
        %sub3A = arith.constant 3 : i32
        %sub3A_277 = arith.subi %add3A_167, %sub3A : i32
        %mul3A_278 = arith.constant 128 : i32
        %mul3A_279 = arith.muli %sub3A_277, %mul3A_278 : i32
        %dma_wait3A_280 = tpu.memref_slice %arg6[%mul3A_279] : memref<10000xi32, #tpu.memory_space<vmem>> -> memref<128xi32, #tpu.memory_space<vmem>>
        %dma_wait3A_281 = arith.constant 0 : i32
        %dma_wait3A_282 = arith.constant 0 : i32
        %dma_wait3A_283 = tpu.memref_slice %arg15[%dma_wait3A_281, %dma_wait3A_282] : memref<10240x64xf32, #tpu.memory_space<vmem_shared>> -> memref<10240x64xf32, #tpu.memory_space<vmem_shared>>
        tpu.wait_indirect_dma semaphore(%arg27 : memref<!tpu.dma_semaphore, #tpu.memory_space<semaphore_mem>>) src(%arg12 : memref<128x64xf32, #tpu.memory_space<vmem>>) dst(%dma_wait3A_283 : memref<10240x64xf32, #tpu.memory_space<vmem_shared>>)
      } else {
      }
      %add3A_173 = arith.constant 3 : i32
      %add3A_174 = arith.addi %add3A_167, %add3A_173 : i32
      %lt3A_175 = arith.constant 78 : i32
      %lt3A_176 = arith.cmpi slt, %add3A_174, %lt3A_175 : i32
      %convert_element_type3A_177 = arith.extui %lt3A_176 : i1 to i32
      %cond3A_178 = arith.constant 0 : i32
      %cond3A_179 = arith.cmpi ne, %convert_element_type3A_177, %cond3A_178 : i32
      scf.if %cond3A_179 {
        %add3A_277 = arith.constant 3 : i32
        %add3A_278 = arith.addi %add3A_167, %add3A_277 : i32
        %mul3A_279 = arith.constant 128 : i32
        %mul3A_280 = arith.muli %add3A_278, %mul3A_279 : i32
        %dma_start3A_281 = tpu.memref_slice %arg5[%mul3A_280] : memref<10000xi32, #tpu.memory_space<vmem>> -> memref<128xi32, #tpu.memory_space<vmem>>
        %dma_start3A_282 = arith.constant 0 : i32
        %dma_start3A_283 = arith.constant 0 : i32
        %dma_start3A_284 = tpu.memref_slice %arg2[%dma_start3A_282, %dma_start3A_283] : memref<10000x64xf32, #tpu.memory_space<hbm>> -> memref<10000x64xf32, #tpu.memory_space<hbm>>
        tpu.enqueue_indirect_dma source(%dma_start3A_284 : memref<10000x64xf32, #tpu.memory_space<hbm>>) target(%arg12 : memref<128x64xf32, #tpu.memory_space<vmem>>) offsets(%dma_start3A_281 : memref<128xi32, #tpu.memory_space<vmem>>) semaphore(%arg21 : memref<!tpu.dma_semaphore, #tpu.memory_space<semaphore_mem>>)
      } else {
      }
      %mul3A_180 = arith.constant 128 : i32
      %mul3A_181 = arith.muli %add3A_167, %mul3A_180 : i32
      %dma_wait3A_182 = tpu.memref_slice %arg5[%mul3A_181] : memref<10000xi32, #tpu.memory_space<vmem>> -> memref<128xi32, #tpu.memory_space<vmem>>
      %dma_wait3A_183 = arith.constant 0 : i32
      %dma_wait3A_184 = arith.constant 0 : i32
      %dma_wait3A_185 = tpu.memref_slice %arg2[%dma_wait3A_183, %dma_wait3A_184] : memref<10000x64xf32, #tpu.memory_space<hbm>> -> memref<10000x64xf32, #tpu.memory_space<hbm>>
      tpu.wait_indirect_dma semaphore(%arg18 : memref<!tpu.dma_semaphore, #tpu.memory_space<semaphore_mem>>) src(%dma_wait3A_185 : memref<10000x64xf32, #tpu.memory_space<hbm>>) dst(%arg9 : memref<128x64xf32, #tpu.memory_space<vmem>>)
      %mul3A_186 = arith.constant 128 : i32
      %mul3A_187 = arith.muli %add3A_167, %mul3A_186 : i32
      %dma_start3A_188 = tpu.memref_slice %arg6[%mul3A_187] : memref<10000xi32, #tpu.memory_space<vmem>> -> memref<128xi32, #tpu.memory_space<vmem>>
      %dma_start3A_189 = arith.constant 0 : i32
      %dma_start3A_190 = arith.constant 0 : i32
      %dma_start3A_191 = tpu.memref_slice %arg15[%dma_start3A_189, %dma_start3A_190] : memref<10240x64xf32, #tpu.memory_space<vmem_shared>> -> memref<10240x64xf32, #tpu.memory_space<vmem_shared>>
      tpu.enqueue_indirect_dma source(%arg9 : memref<128x64xf32, #tpu.memory_space<vmem>>) target(%dma_start3A_191 : memref<10240x64xf32, #tpu.memory_space<vmem_shared>>) offsets(%dma_start3A_188 : memref<128xi32, #tpu.memory_space<vmem>>) semaphore(%arg24 : memref<!tpu.dma_semaphore, #tpu.memory_space<semaphore_mem>>) {add = true}
      %mul3A_192 = arith.constant 6 : i32
      %mul3A_193 = arith.muli %mul3A_192, %scan3A_108 : i32
      %add3A_194 = arith.constant 3 : i32
      %add3A_195 = arith.addi %mul3A_193, %add3A_194 : i32
      %ge3A_196 = arith.constant 3 : i32
      %ge3A_197 = arith.cmpi sge, %add3A_195, %ge3A_196 : i32
      %convert_element_type3A_198 = arith.extui %ge3A_197 : i1 to i32
      %cond3A_199 = arith.constant 0 : i32
      %cond3A_200 = arith.cmpi ne, %convert_element_type3A_198, %cond3A_199 : i32
      scf.if %cond3A_200 {
        %sub3A = arith.constant 3 : i32
        %sub3A_277 = arith.subi %add3A_195, %sub3A : i32
        %mul3A_278 = arith.constant 128 : i32
        %mul3A_279 = arith.muli %sub3A_277, %mul3A_278 : i32
        %dma_wait3A_280 = tpu.memref_slice %arg6[%mul3A_279] : memref<10000xi32, #tpu.memory_space<vmem>> -> memref<128xi32, #tpu.memory_space<vmem>>
        %dma_wait3A_281 = arith.constant 0 : i32
        %dma_wait3A_282 = arith.constant 0 : i32
        %dma_wait3A_283 = tpu.memref_slice %arg15[%dma_wait3A_281, %dma_wait3A_282] : memref<10240x64xf32, #tpu.memory_space<vmem_shared>> -> memref<10240x64xf32, #tpu.memory_space<vmem_shared>>
        tpu.wait_indirect_dma semaphore(%arg22 : memref<!tpu.dma_semaphore, #tpu.memory_space<semaphore_mem>>) src(%arg7 : memref<128x64xf32, #tpu.memory_space<vmem>>) dst(%dma_wait3A_283 : memref<10240x64xf32, #tpu.memory_space<vmem_shared>>)
      } else {
      }
      %add3A_201 = arith.constant 3 : i32
      %add3A_202 = arith.addi %add3A_195, %add3A_201 : i32
      %lt3A_203 = arith.constant 78 : i32
      %lt3A_204 = arith.cmpi slt, %add3A_202, %lt3A_203 : i32
      %convert_element_type3A_205 = arith.extui %lt3A_204 : i1 to i32
      %cond3A_206 = arith.constant 0 : i32
      %cond3A_207 = arith.cmpi ne, %convert_element_type3A_205, %cond3A_206 : i32
      scf.if %cond3A_207 {
        %add3A_277 = arith.constant 3 : i32
        %add3A_278 = arith.addi %add3A_195, %add3A_277 : i32
        %mul3A_279 = arith.constant 128 : i32
        %mul3A_280 = arith.muli %add3A_278, %mul3A_279 : i32
        %dma_start3A_281 = tpu.memref_slice %arg5[%mul3A_280] : memref<10000xi32, #tpu.memory_space<vmem>> -> memref<128xi32, #tpu.memory_space<vmem>>
        %dma_start3A_282 = arith.constant 0 : i32
        %dma_start3A_283 = arith.constant 0 : i32
        %dma_start3A_284 = tpu.memref_slice %arg2[%dma_start3A_282, %dma_start3A_283] : memref<10000x64xf32, #tpu.memory_space<hbm>> -> memref<10000x64xf32, #tpu.memory_space<hbm>>
        tpu.enqueue_indirect_dma source(%dma_start3A_284 : memref<10000x64xf32, #tpu.memory_space<hbm>>) target(%arg7 : memref<128x64xf32, #tpu.memory_space<vmem>>) offsets(%dma_start3A_281 : memref<128xi32, #tpu.memory_space<vmem>>) semaphore(%arg16 : memref<!tpu.dma_semaphore, #tpu.memory_space<semaphore_mem>>)
      } else {
      }
      %mul3A_208 = arith.constant 128 : i32
      %mul3A_209 = arith.muli %add3A_195, %mul3A_208 : i32
      %dma_wait3A_210 = tpu.memref_slice %arg5[%mul3A_209] : memref<10000xi32, #tpu.memory_space<vmem>> -> memref<128xi32, #tpu.memory_space<vmem>>
      %dma_wait3A_211 = arith.constant 0 : i32
      %dma_wait3A_212 = arith.constant 0 : i32
      %dma_wait3A_213 = tpu.memref_slice %arg2[%dma_wait3A_211, %dma_wait3A_212] : memref<10000x64xf32, #tpu.memory_space<hbm>> -> memref<10000x64xf32, #tpu.memory_space<hbm>>
      tpu.wait_indirect_dma semaphore(%arg19 : memref<!tpu.dma_semaphore, #tpu.memory_space<semaphore_mem>>) src(%dma_wait3A_213 : memref<10000x64xf32, #tpu.memory_space<hbm>>) dst(%arg10 : memref<128x64xf32, #tpu.memory_space<vmem>>)
      %mul3A_214 = arith.constant 128 : i32
      %mul3A_215 = arith.muli %add3A_195, %mul3A_214 : i32
      %dma_start3A_216 = tpu.memref_slice %arg6[%mul3A_215] : memref<10000xi32, #tpu.memory_space<vmem>> -> memref<128xi32, #tpu.memory_space<vmem>>
      %dma_start3A_217 = arith.constant 0 : i32
      %dma_start3A_218 = arith.constant 0 : i32
      %dma_start3A_219 = tpu.memref_slice %arg15[%dma_start3A_217, %dma_start3A_218] : memref<10240x64xf32, #tpu.memory_space<vmem_shared>> -> memref<10240x64xf32, #tpu.memory_space<vmem_shared>>
      tpu.enqueue_indirect_dma source(%arg10 : memref<128x64xf32, #tpu.memory_space<vmem>>) target(%dma_start3A_219 : memref<10240x64xf32, #tpu.memory_space<vmem_shared>>) offsets(%dma_start3A_216 : memref<128xi32, #tpu.memory_space<vmem>>) semaphore(%arg25 : memref<!tpu.dma_semaphore, #tpu.memory_space<semaphore_mem>>) {add = true}
      %mul3A_220 = arith.constant 6 : i32
      %mul3A_221 = arith.muli %mul3A_220, %scan3A_108 : i32
      %add3A_222 = arith.constant 4 : i32
      %add3A_223 = arith.addi %mul3A_221, %add3A_222 : i32
      %ge3A_224 = arith.constant 3 : i32
      %ge3A_225 = arith.cmpi sge, %add3A_223, %ge3A_224 : i32
      %convert_element_type3A_226 = arith.extui %ge3A_225 : i1 to i32
      %cond3A_227 = arith.constant 0 : i32
      %cond3A_228 = arith.cmpi ne, %convert_element_type3A_226, %cond3A_227 : i32
      scf.if %cond3A_228 {
        %sub3A = arith.constant 3 : i32
        %sub3A_277 = arith.subi %add3A_223, %sub3A : i32
        %mul3A_278 = arith.constant 128 : i32
        %mul3A_279 = arith.muli %sub3A_277, %mul3A_278 : i32
        %dma_wait3A_280 = tpu.memref_slice %arg6[%mul3A_279] : memref<10000xi32, #tpu.memory_space<vmem>> -> memref<128xi32, #tpu.memory_space<vmem>>
        %dma_wait3A_281 = arith.constant 0 : i32
        %dma_wait3A_282 = arith.constant 0 : i32
        %dma_wait3A_283 = tpu.memref_slice %arg15[%dma_wait3A_281, %dma_wait3A_282] : memref<10240x64xf32, #tpu.memory_space<vmem_shared>> -> memref<10240x64xf32, #tpu.memory_space<vmem_shared>>
        tpu.wait_indirect_dma semaphore(%arg23 : memref<!tpu.dma_semaphore, #tpu.memory_space<semaphore_mem>>) src(%arg8 : memref<128x64xf32, #tpu.memory_space<vmem>>) dst(%dma_wait3A_283 : memref<10240x64xf32, #tpu.memory_space<vmem_shared>>)
      } else {
      }
      %add3A_229 = arith.constant 3 : i32
      %add3A_230 = arith.addi %add3A_223, %add3A_229 : i32
      %lt3A_231 = arith.constant 78 : i32
      %lt3A_232 = arith.cmpi slt, %add3A_230, %lt3A_231 : i32
      %convert_element_type3A_233 = arith.extui %lt3A_232 : i1 to i32
      %cond3A_234 = arith.constant 0 : i32
      %cond3A_235 = arith.cmpi ne, %convert_element_type3A_233, %cond3A_234 : i32
      scf.if %cond3A_235 {
        %add3A_277 = arith.constant 3 : i32
        %add3A_278 = arith.addi %add3A_223, %add3A_277 : i32
        %mul3A_279 = arith.constant 128 : i32
        %mul3A_280 = arith.muli %add3A_278, %mul3A_279 : i32
        %dma_start3A_281 = tpu.memref_slice %arg5[%mul3A_280] : memref<10000xi32, #tpu.memory_space<vmem>> -> memref<128xi32, #tpu.memory_space<vmem>>
        %dma_start3A_282 = arith.constant 0 : i32
        %dma_start3A_283 = arith.constant 0 : i32
        %dma_start3A_284 = tpu.memref_slice %arg2[%dma_start3A_282, %dma_start3A_283] : memref<10000x64xf32, #tpu.memory_space<hbm>> -> memref<10000x64xf32, #tpu.memory_space<hbm>>
        tpu.enqueue_indirect_dma source(%dma_start3A_284 : memref<10000x64xf32, #tpu.memory_space<hbm>>) target(%arg8 : memref<128x64xf32, #tpu.memory_space<vmem>>) offsets(%dma_start3A_281 : memref<128xi32, #tpu.memory_space<vmem>>) semaphore(%arg17 : memref<!tpu.dma_semaphore, #tpu.memory_space<semaphore_mem>>)
      } else {
      }
      %mul3A_236 = arith.constant 128 : i32
      %mul3A_237 = arith.muli %add3A_223, %mul3A_236 : i32
      %dma_wait3A_238 = tpu.memref_slice %arg5[%mul3A_237] : memref<10000xi32, #tpu.memory_space<vmem>> -> memref<128xi32, #tpu.memory_space<vmem>>
      %dma_wait3A_239 = arith.constant 0 : i32
      %dma_wait3A_240 = arith.constant 0 : i32
      %dma_wait3A_241 = tpu.memref_slice %arg2[%dma_wait3A_239, %dma_wait3A_240] : memref<10000x64xf32, #tpu.memory_space<hbm>> -> memref<10000x64xf32, #tpu.memory_space<hbm>>
      tpu.wait_indirect_dma semaphore(%arg20 : memref<!tpu.dma_semaphore, #tpu.memory_space<semaphore_mem>>) src(%dma_wait3A_241 : memref<10000x64xf32, #tpu.memory_space<hbm>>) dst(%arg11 : memref<128x64xf32, #tpu.memory_space<vmem>>)
      %mul3A_242 = arith.constant 128 : i32
      %mul3A_243 = arith.muli %add3A_223, %mul3A_242 : i32
      %dma_start3A_244 = tpu.memref_slice %arg6[%mul3A_243] : memref<10000xi32, #tpu.memory_space<vmem>> -> memref<128xi32, #tpu.memory_space<vmem>>
      %dma_start3A_245 = arith.constant 0 : i32
      %dma_start3A_246 = arith.constant 0 : i32
      %dma_start3A_247 = tpu.memref_slice %arg15[%dma_start3A_245, %dma_start3A_246] : memref<10240x64xf32, #tpu.memory_space<vmem_shared>> -> memref<10240x64xf32, #tpu.memory_space<vmem_shared>>
      tpu.enqueue_indirect_dma source(%arg11 : memref<128x64xf32, #tpu.memory_space<vmem>>) target(%dma_start3A_247 : memref<10240x64xf32, #tpu.memory_space<vmem_shared>>) offsets(%dma_start3A_244 : memref<128xi32, #tpu.memory_space<vmem>>) semaphore(%arg26 : memref<!tpu.dma_semaphore, #tpu.memory_space<semaphore_mem>>) {add = true}
      %mul3A_248 = arith.constant 6 : i32
      %mul3A_249 = arith.muli %mul3A_248, %scan3A_108 : i32
      %add3A_250 = arith.constant 5 : i32
      %add3A_251 = arith.addi %mul3A_249, %add3A_250 : i32
      %ge3A_252 = arith.constant 3 : i32
      %ge3A_253 = arith.cmpi sge, %add3A_251, %ge3A_252 : i32
      %convert_element_type3A_254 = arith.extui %ge3A_253 : i1 to i32
      %cond3A_255 = arith.constant 0 : i32
      %cond3A_256 = arith.cmpi ne, %convert_element_type3A_254, %cond3A_255 : i32
      scf.if %cond3A_256 {
        %sub3A = arith.constant 3 : i32
        %sub3A_277 = arith.subi %add3A_251, %sub3A : i32
        %mul3A_278 = arith.constant 128 : i32
        %mul3A_279 = arith.muli %sub3A_277, %mul3A_278 : i32
        %dma_wait3A_280 = tpu.memref_slice %arg6[%mul3A_279] : memref<10000xi32, #tpu.memory_space<vmem>> -> memref<128xi32, #tpu.memory_space<vmem>>
        %dma_wait3A_281 = arith.constant 0 : i32
        %dma_wait3A_282 = arith.constant 0 : i32
        %dma_wait3A_283 = tpu.memref_slice %arg15[%dma_wait3A_281, %dma_wait3A_282] : memref<10240x64xf32, #tpu.memory_space<vmem_shared>> -> memref<10240x64xf32, #tpu.memory_space<vmem_shared>>
        tpu.wait_indirect_dma semaphore(%arg24 : memref<!tpu.dma_semaphore, #tpu.memory_space<semaphore_mem>>) src(%arg9 : memref<128x64xf32, #tpu.memory_space<vmem>>) dst(%dma_wait3A_283 : memref<10240x64xf32, #tpu.memory_space<vmem_shared>>)
      } else {
      }
      %add3A_257 = arith.constant 3 : i32
      %add3A_258 = arith.addi %add3A_251, %add3A_257 : i32
      %lt3A_259 = arith.constant 78 : i32
      %lt3A_260 = arith.cmpi slt, %add3A_258, %lt3A_259 : i32
      %convert_element_type3A_261 = arith.extui %lt3A_260 : i1 to i32
      %cond3A_262 = arith.constant 0 : i32
      %cond3A_263 = arith.cmpi ne, %convert_element_type3A_261, %cond3A_262 : i32
      scf.if %cond3A_263 {
        %add3A_277 = arith.constant 3 : i32
        %add3A_278 = arith.addi %add3A_251, %add3A_277 : i32
        %mul3A_279 = arith.constant 128 : i32
        %mul3A_280 = arith.muli %add3A_278, %mul3A_279 : i32
        %dma_start3A_281 = tpu.memref_slice %arg5[%mul3A_280] : memref<10000xi32, #tpu.memory_space<vmem>> -> memref<128xi32, #tpu.memory_space<vmem>>
        %dma_start3A_282 = arith.constant 0 : i32
        %dma_start3A_283 = arith.constant 0 : i32
        %dma_start3A_284 = tpu.memref_slice %arg2[%dma_start3A_282, %dma_start3A_283] : memref<10000x64xf32, #tpu.memory_space<hbm>> -> memref<10000x64xf32, #tpu.memory_space<hbm>>
        tpu.enqueue_indirect_dma source(%dma_start3A_284 : memref<10000x64xf32, #tpu.memory_space<hbm>>) target(%arg9 : memref<128x64xf32, #tpu.memory_space<vmem>>) offsets(%dma_start3A_281 : memref<128xi32, #tpu.memory_space<vmem>>) semaphore(%arg18 : memref<!tpu.dma_semaphore, #tpu.memory_space<semaphore_mem>>)
      } else {
      }
      %mul3A_264 = arith.constant 128 : i32
      %mul3A_265 = arith.muli %add3A_251, %mul3A_264 : i32
      %dma_wait3A_266 = tpu.memref_slice %arg5[%mul3A_265] : memref<10000xi32, #tpu.memory_space<vmem>> -> memref<128xi32, #tpu.memory_space<vmem>>
      %dma_wait3A_267 = arith.constant 0 : i32
      %dma_wait3A_268 = arith.constant 0 : i32
      %dma_wait3A_269 = tpu.memref_slice %arg2[%dma_wait3A_267, %dma_wait3A_268] : memref<10000x64xf32, #tpu.memory_space<hbm>> -> memref<10000x64xf32, #tpu.memory_space<hbm>>
      tpu.wait_indirect_dma semaphore(%arg21 : memref<!tpu.dma_semaphore, #tpu.memory_space<semaphore_mem>>) src(%dma_wait3A_269 : memref<10000x64xf32, #tpu.memory_space<hbm>>) dst(%arg12 : memref<128x64xf32, #tpu.memory_space<vmem>>)
      %mul3A_270 = arith.constant 128 : i32
      %mul3A_271 = arith.muli %add3A_251, %mul3A_270 : i32
      %dma_start3A_272 = tpu.memref_slice %arg6[%mul3A_271] : memref<10000xi32, #tpu.memory_space<vmem>> -> memref<128xi32, #tpu.memory_space<vmem>>
      %dma_start3A_273 = arith.constant 0 : i32
      %dma_start3A_274 = arith.constant 0 : i32
      %dma_start3A_275 = tpu.memref_slice %arg15[%dma_start3A_273, %dma_start3A_274] : memref<10240x64xf32, #tpu.memory_space<vmem_shared>> -> memref<10240x64xf32, #tpu.memory_space<vmem_shared>>
      tpu.enqueue_indirect_dma source(%arg12 : memref<128x64xf32, #tpu.memory_space<vmem>>) target(%dma_start3A_275 : memref<10240x64xf32, #tpu.memory_space<vmem_shared>>) offsets(%dma_start3A_272 : memref<128xi32, #tpu.memory_space<vmem>>) semaphore(%arg27 : memref<!tpu.dma_semaphore, #tpu.memory_space<semaphore_mem>>) {add = true}
      %scan3A_276 = arith.constant 0 : i32
      scf.yield %scan3A_276 : i32
    }
    %scan3A_69 = arith.constant 13 : i32
    %dma_wait3A_70 = arith.constant 9984 : i32
    %dma_wait3A_71 = tpu.memref_slice %arg5[%dma_wait3A_70] : memref<10000xi32, #tpu.memory_space<vmem>> -> memref<16xi32, #tpu.memory_space<vmem>>
    %dma_wait3A_72 = arith.constant 0 : i32
    %dma_wait3A_73 = arith.constant 0 : i32
    %dma_wait3A_74 = tpu.memref_slice %arg2[%dma_wait3A_72, %dma_wait3A_73] : memref<10000x64xf32, #tpu.memory_space<hbm>> -> memref<10000x64xf32, #tpu.memory_space<hbm>>
    tpu.wait_indirect_dma semaphore(%arg28 : memref<!tpu.dma_semaphore, #tpu.memory_space<semaphore_mem>>) src(%dma_wait3A_74 : memref<10000x64xf32, #tpu.memory_space<hbm>>) dst(%arg13 : memref<16x64xf32, #tpu.memory_space<vmem>>)
    %dma_start3A_75 = arith.constant 9984 : i32
    %dma_start3A_76 = tpu.memref_slice %arg6[%dma_start3A_75] : memref<10000xi32, #tpu.memory_space<vmem>> -> memref<16xi32, #tpu.memory_space<vmem>>
    %dma_start3A_77 = arith.constant 0 : i32
    %dma_start3A_78 = arith.constant 0 : i32
    %dma_start3A_79 = tpu.memref_slice %arg15[%dma_start3A_77, %dma_start3A_78] : memref<10240x64xf32, #tpu.memory_space<vmem_shared>> -> memref<10240x64xf32, #tpu.memory_space<vmem_shared>>
    tpu.enqueue_indirect_dma source(%arg13 : memref<16x64xf32, #tpu.memory_space<vmem>>) target(%dma_start3A_79 : memref<10240x64xf32, #tpu.memory_space<vmem_shared>>) offsets(%dma_start3A_76 : memref<16xi32, #tpu.memory_space<vmem>>) semaphore(%arg29 : memref<!tpu.dma_semaphore, #tpu.memory_space<semaphore_mem>>) {add = true}
    %dma_wait3A_80 = arith.constant 9600 : i32
    %dma_wait3A_81 = tpu.memref_slice %arg6[%dma_wait3A_80] : memref<10000xi32, #tpu.memory_space<vmem>> -> memref<128xi32, #tpu.memory_space<vmem>>
    %dma_wait3A_82 = arith.constant 0 : i32
    %dma_wait3A_83 = arith.constant 0 : i32
    %dma_wait3A_84 = tpu.memref_slice %arg15[%dma_wait3A_82, %dma_wait3A_83] : memref<10240x64xf32, #tpu.memory_space<vmem_shared>> -> memref<10240x64xf32, #tpu.memory_space<vmem_shared>>
    tpu.wait_indirect_dma semaphore(%arg25 : memref<!tpu.dma_semaphore, #tpu.memory_space<semaphore_mem>>) src(%arg10 : memref<128x64xf32, #tpu.memory_space<vmem>>) dst(%dma_wait3A_84 : memref<10240x64xf32, #tpu.memory_space<vmem_shared>>)
    %dma_wait3A_85 = arith.constant 9728 : i32
    %dma_wait3A_86 = tpu.memref_slice %arg6[%dma_wait3A_85] : memref<10000xi32, #tpu.memory_space<vmem>> -> memref<128xi32, #tpu.memory_space<vmem>>
    %dma_wait3A_87 = arith.constant 0 : i32
    %dma_wait3A_88 = arith.constant 0 : i32
    %dma_wait3A_89 = tpu.memref_slice %arg15[%dma_wait3A_87, %dma_wait3A_88] : memref<10240x64xf32, #tpu.memory_space<vmem_shared>> -> memref<10240x64xf32, #tpu.memory_space<vmem_shared>>
    tpu.wait_indirect_dma semaphore(%arg26 : memref<!tpu.dma_semaphore, #tpu.memory_space<semaphore_mem>>) src(%arg11 : memref<128x64xf32, #tpu.memory_space<vmem>>) dst(%dma_wait3A_89 : memref<10240x64xf32, #tpu.memory_space<vmem_shared>>)
    %dma_wait3A_90 = arith.constant 9856 : i32
    %dma_wait3A_91 = tpu.memref_slice %arg6[%dma_wait3A_90] : memref<10000xi32, #tpu.memory_space<vmem>> -> memref<128xi32, #tpu.memory_space<vmem>>
    %dma_wait3A_92 = arith.constant 0 : i32
    %dma_wait3A_93 = arith.constant 0 : i32
    %dma_wait3A_94 = tpu.memref_slice %arg15[%dma_wait3A_92, %dma_wait3A_93] : memref<10240x64xf32, #tpu.memory_space<vmem_shared>> -> memref<10240x64xf32, #tpu.memory_space<vmem_shared>>
    tpu.wait_indirect_dma semaphore(%arg27 : memref<!tpu.dma_semaphore, #tpu.memory_space<semaphore_mem>>) src(%arg12 : memref<128x64xf32, #tpu.memory_space<vmem>>) dst(%dma_wait3A_94 : memref<10240x64xf32, #tpu.memory_space<vmem_shared>>)
    %dma_wait3A_95 = arith.constant 9984 : i32
    %dma_wait3A_96 = tpu.memref_slice %arg6[%dma_wait3A_95] : memref<10000xi32, #tpu.memory_space<vmem>> -> memref<16xi32, #tpu.memory_space<vmem>>
    %dma_wait3A_97 = arith.constant 0 : i32
    %dma_wait3A_98 = arith.constant 0 : i32
    %dma_wait3A_99 = tpu.memref_slice %arg15[%dma_wait3A_97, %dma_wait3A_98] : memref<10240x64xf32, #tpu.memory_space<vmem_shared>> -> memref<10240x64xf32, #tpu.memory_space<vmem_shared>>
    tpu.wait_indirect_dma semaphore(%arg29 : memref<!tpu.dma_semaphore, #tpu.memory_space<semaphore_mem>>) src(%arg13 : memref<16x64xf32, #tpu.memory_space<vmem>>) dst(%dma_wait3A_99 : memref<10240x64xf32, #tpu.memory_space<vmem_shared>>)
    %barrier3A_100 = arith.constant 0 : index
    tpu.barrier barrier_id(%barrier3A_100)
    %eq3A = arith.constant 0 : i32
    %eq3A_101 = arith.cmpi eq, %arg0, %eq3A : i32
    %convert_element_type3A = arith.extui %eq3A_101 : i1 to i32
    %cond3A = arith.constant 0 : i32
    %cond3A_102 = arith.cmpi ne, %convert_element_type3A, %cond3A : i32
    scf.if %cond3A_102 {
      "tpu.region"() ({
        %run_scoped3A = tpu.sem_alloc : memref<!tpu.dma_semaphore, #tpu.memory_space<semaphore_mem>>
        %dma_start3A_108 = arith.constant 0 : i32
        %dma_start3A_109 = tpu.memref_slice %arg4[%mul3A_2, %dma_start3A_108] : memref<10240x128xf32, #tpu.memory_space<hbm>> -> memref<640x64xf32, #tpu.memory_space<hbm>>
        %dma_start3A_110 = arith.constant 0 : i32
        %dma_start3A_111 = tpu.memref_slice %arg15[%mul3A_2, %dma_start3A_110] : memref<10240x64xf32, #tpu.memory_space<vmem_shared>> -> memref<640x64xf32, #tpu.memory_space<vmem_shared>>
        tpu.enqueue_dma source(%dma_start3A_111 : memref<640x64xf32, #tpu.memory_space<vmem_shared>>) target(%dma_start3A_109 : memref<640x64xf32, #tpu.memory_space<hbm>>) target_semaphore(%run_scoped3A : memref<!tpu.dma_semaphore, #tpu.memory_space<semaphore_mem>>)
        %dma_wait3A_112 = arith.constant 0 : i32
        %dma_wait3A_113 = tpu.memref_slice %arg4[%mul3A_2, %dma_wait3A_112] : memref<10240x128xf32, #tpu.memory_space<hbm>> -> memref<640x64xf32, #tpu.memory_space<hbm>>
        %dma_wait3A_114 = arith.constant 0 : i32
        %dma_wait3A_115 = tpu.memref_slice %arg15[%mul3A_2, %dma_wait3A_114] : memref<10240x64xf32, #tpu.memory_space<vmem_shared>> -> memref<640x64xf32, #tpu.memory_space<vmem_shared>>
        tpu.wait_dma2 semaphore(%run_scoped3A : memref<!tpu.dma_semaphore, #tpu.memory_space<semaphore_mem>>) src(%dma_wait3A_115 : memref<640x64xf32, #tpu.memory_space<vmem_shared>>) dst(%dma_wait3A_113 : memref<640x64xf32, #tpu.memory_space<hbm>>)
        tpu.yield
      }) : () -> ()
    } else {
    }
    %eq3A_103 = arith.constant 1 : i32
    %eq3A_104 = arith.cmpi eq, %arg0, %eq3A_103 : i32
    %convert_element_type3A_105 = arith.extui %eq3A_104 : i1 to i32
    %cond3A_106 = arith.constant 0 : i32
    %cond3A_107 = arith.cmpi ne, %convert_element_type3A_105, %cond3A_106 : i32
    scf.if %cond3A_107 {
      "tpu.region"() ({
        %run_scoped3A = tpu.sem_alloc : memref<!tpu.dma_semaphore, #tpu.memory_space<semaphore_mem>>
        %dma_start3A_108 = arith.constant 64 : i32
        %dma_start3A_109 = tpu.memref_slice %arg4[%mul3A_2, %dma_start3A_108] : memref<10240x128xf32, #tpu.memory_space<hbm>> -> memref<640x64xf32, #tpu.memory_space<hbm>>
        %dma_start3A_110 = arith.constant 0 : i32
        %dma_start3A_111 = tpu.memref_slice %arg15[%mul3A_2, %dma_start3A_110] : memref<10240x64xf32, #tpu.memory_space<vmem_shared>> -> memref<640x64xf32, #tpu.memory_space<vmem_shared>>
        tpu.enqueue_dma source(%dma_start3A_111 : memref<640x64xf32, #tpu.memory_space<vmem_shared>>) target(%dma_start3A_109 : memref<640x64xf32, #tpu.memory_space<hbm>>) target_semaphore(%run_scoped3A : memref<!tpu.dma_semaphore, #tpu.memory_space<semaphore_mem>>)
        %dma_wait3A_112 = arith.constant 64 : i32
        %dma_wait3A_113 = tpu.memref_slice %arg4[%mul3A_2, %dma_wait3A_112] : memref<10240x128xf32, #tpu.memory_space<hbm>> -> memref<640x64xf32, #tpu.memory_space<hbm>>
        %dma_wait3A_114 = arith.constant 0 : i32
        %dma_wait3A_115 = tpu.memref_slice %arg15[%mul3A_2, %dma_wait3A_114] : memref<10240x64xf32, #tpu.memory_space<vmem_shared>> -> memref<640x64xf32, #tpu.memory_space<vmem_shared>>
        tpu.wait_dma2 semaphore(%run_scoped3A : memref<!tpu.dma_semaphore, #tpu.memory_space<semaphore_mem>>) src(%dma_wait3A_115 : memref<640x64xf32, #tpu.memory_space<vmem_shared>>) dst(%dma_wait3A_113 : memref<640x64xf32, #tpu.memory_space<hbm>>)
        tpu.yield
      }) : () -> ()
    } else {
    }
    return
  }
}

module attributes {stable_mosaic.version = 14 : i64} {
  func.func @_mm1s_body(%arg0: i32, %arg1: memref<1000x128xf32, #tpu.memory_space<vmem>>, %arg2: memref<128x64xf32, #tpu.memory_space<vmem>>, %arg3: memref<1000x128xf32, #tpu.memory_space<vmem>>, %arg4: memref<1000x64xf32, #tpu.memory_space<vmem>>, %arg5: memref<1000x1xf32, #tpu.memory_space<vmem>>) attributes {dimension_semantics = [#tpu.dimension_semantics<arbitrary>], iteration_bounds = array<i64: 10>, scalar_prefetch = 0 : i64, scratch_operands = 0 : i64, tpu.core_type = #tpu.core_type<tc>, window_params = [{transform_indices = @transform_0, window_bounds = array<i64: 1000, 128>}, {pipeline_mode = #tpu.pipeline_mode<synchronous>, transform_indices = @transform_1, window_bounds = array<i64: 128, 64>}, {transform_indices = @transform_2, window_bounds = array<i64: 1000, 128>}, {transform_indices = @transform_3, window_bounds = array<i64: 1000, 64>}, {transform_indices = @transform_4, window_bounds = array<i64: 1000, 1>}]} {
    %get3A = arith.constant 0 : index
    %get3A_0 = arith.constant 0 : index
    %get3A_1 = vector.load %arg3[%get3A, %get3A_0] : memref<1000x128xf32, #tpu.memory_space<vmem>>, vector<1000x1xf32>
    %get3A_2 = arith.constant 0 : index
    %get3A_3 = arith.constant 16 : index
    %get3A_4 = vector.load %arg3[%get3A_2, %get3A_3] : memref<1000x128xf32, #tpu.memory_space<vmem>>, vector<1000x1xf32>
    %add3A = arith.addf %get3A_1, %get3A_4 : vector<1000x1xf32>
    %add3A_5 = arith.constant 1.000000e+00 : f32
    %add3A_6 = vector.broadcast %add3A_5 : f32 to vector<1000x1xf32>
    %add3A_7 = arith.addf %add3A, %add3A_6 : vector<1000x1xf32>
    %rsqrt3A = math.rsqrt %add3A_7 : vector<1000x1xf32>
    %swap3A = arith.constant 0 : index
    %swap3A_8 = arith.constant 0 : index
    %swap3A_9 = vector.load %arg5[%swap3A, %swap3A_8] : memref<1000x1xf32, #tpu.memory_space<vmem>>, vector<1000x1xf32>
    tpu.vector_store %arg5[%swap3A, %swap3A_8], %rsqrt3A {strides = array<i32>} : memref<1000x1xf32, #tpu.memory_space<vmem>>, vector<1000x1xf32>,
    %get3A_10 = arith.constant 0 : index
    %get3A_11 = arith.constant 0 : index
    %get3A_12 = vector.load %arg1[%get3A_10, %get3A_11] : memref<1000x128xf32, #tpu.memory_space<vmem>>, vector<1000x128xf32>
    %get3A_13 = arith.constant 0 : index
    %get3A_14 = arith.constant 0 : index
    %get3A_15 = vector.load %arg2[%get3A_13, %get3A_14] : memref<128x64xf32, #tpu.memory_space<vmem>>, vector<128x64xf32>
    %dot_general3A = arith.constant dense<0.000000e+00> : vector<1000x64xf32>
    %dot_general3A_16 = tpu.matmul %get3A_12, %get3A_15, %dot_general3A {dimension_numbers = #tpu.dot_dimension_numbers<[1], [0], [0], [1], [0, 0, 1, 1], [], []>, transpose_lhs_hint = false} : vector<1000x128xf32>, vector<128x64xf32>, vector<1000x64xf32> -> vector<1000x64xf32>
    %mul3A = vector.broadcast %rsqrt3A : vector<1000x1xf32> to vector<1000x64xf32>
    %mul3A_17 = arith.mulf %dot_general3A_16, %mul3A : vector<1000x64xf32>
    %swap3A_18 = arith.constant 0 : index
    %swap3A_19 = arith.constant 0 : index
    %swap3A_20 = vector.load %arg4[%swap3A_18, %swap3A_19] : memref<1000x64xf32, #tpu.memory_space<vmem>>, vector<1000x64xf32>
    tpu.vector_store %arg4[%swap3A_18, %swap3A_19], %mul3A_17 {strides = array<i32>} : memref<1000x64xf32, #tpu.memory_space<vmem>>, vector<1000x64xf32>,
    return
  }
  func.func @transform_0(%arg0: i32) -> (i32, i32) {
    %c0_i32 = arith.constant 0 : i32
    %c0_i32_0 = arith.constant 0 : i32
    return %arg0, %c0_i32 : i32, i32
  }
  func.func @transform_1(%arg0: i32) -> (i32, i32) {
    %c0_i32 = arith.constant 0 : i32
    %c0_i32_0 = arith.constant 0 : i32
    %c0_i32_1 = arith.constant 0 : i32
    return %c0_i32, %c0_i32_0 : i32, i32
  }
  func.func @transform_2(%arg0: i32) -> (i32, i32) {
    %c0_i32 = arith.constant 0 : i32
    %c0_i32_0 = arith.constant 0 : i32
    return %arg0, %c0_i32 : i32, i32
  }
  func.func @transform_3(%arg0: i32) -> (i32, i32) {
    %c0_i32 = arith.constant 0 : i32
    %c0_i32_0 = arith.constant 0 : i32
    return %arg0, %c0_i32 : i32, i32
  }
  func.func @transform_4(%arg0: i32) -> (i32, i32) {
    %c0_i32 = arith.constant 0 : i32
    %c0_i32_0 = arith.constant 0 : i32
    return %arg0, %c0_i32 : i32, i32
  }
}

module attributes {stable_mosaic.version = 14 : i64} {
  func.func @_mid_body(%arg0: i32, %arg1: memref<1000x128xf32, #tpu.memory_space<vmem>>, %arg2: memref<1000x64xf32, #tpu.memory_space<vmem>>, %arg3: memref<1000x1xf32, #tpu.memory_space<vmem>>, %arg4: memref<1x64xf32, #tpu.memory_space<vmem>>, %arg5: memref<64x64xf32, #tpu.memory_space<vmem>>, %arg6: memref<1000x64xf32, #tpu.memory_space<vmem>>) attributes {dimension_semantics = [#tpu.dimension_semantics<arbitrary>], iteration_bounds = array<i64: 10>, scalar_prefetch = 0 : i64, scratch_operands = 0 : i64, tpu.core_type = #tpu.core_type<tc>, window_params = [{transform_indices = @transform_0, window_bounds = array<i64: 1000, 128>}, {transform_indices = @transform_1, window_bounds = array<i64: 1000, 64>}, {transform_indices = @transform_2, window_bounds = array<i64: 1000, 1>}, {pipeline_mode = #tpu.pipeline_mode<synchronous>, transform_indices = @transform_3, window_bounds = array<i64: 1, 64>}, {pipeline_mode = #tpu.pipeline_mode<synchronous>, transform_indices = @transform_4, window_bounds = array<i64: 64, 64>}, {transform_indices = @transform_5, window_bounds = array<i64: 1000, 64>}]} {
    %get3A = arith.constant 0 : index
    %get3A_0 = arith.constant 0 : index
    %get3A_1 = vector.load %arg3[%get3A, %get3A_0] : memref<1000x1xf32, #tpu.memory_space<vmem>>, vector<1000x1xf32>
    %get3A_2 = arith.constant 0 : index
    %get3A_3 = arith.constant 0 : index
    %get3A_4 = vector.load %arg1[%get3A_2, %get3A_3] : memref<1000x128xf32, #tpu.memory_space<vmem>>, vector<1000x64xf32>
    %get3A_5 = arith.constant 0 : index
    %get3A_6 = arith.constant 64 : index
    %get3A_7 = vector.load %arg1[%get3A_5, %get3A_6] : memref<1000x128xf32, #tpu.memory_space<vmem>>, vector<1000x64xf32>
    %add3A = arith.addf %get3A_4, %get3A_7 : vector<1000x64xf32>
    %get3A_8 = arith.constant 0 : index
    %get3A_9 = arith.constant 0 : index
    %get3A_10 = vector.load %arg2[%get3A_8, %get3A_9] : memref<1000x64xf32, #tpu.memory_space<vmem>>, vector<1000x64xf32>
    %add3A_11 = arith.addf %add3A, %get3A_10 : vector<1000x64xf32>
    %mul3A = vector.broadcast %get3A_1 : vector<1000x1xf32> to vector<1000x64xf32>
    %mul3A_12 = arith.mulf %mul3A, %add3A_11 : vector<1000x64xf32>
    %get3A_13 = arith.constant 0 : index
    %get3A_14 = arith.constant 0 : index
    %get3A_15 = vector.load %arg4[%get3A_13, %get3A_14] : memref<1x64xf32, #tpu.memory_space<vmem>>, vector<1x64xf32>
    %add3A_16 = vector.broadcast %get3A_15 : vector<1x64xf32> to vector<1000x64xf32>
    %add3A_17 = arith.addf %mul3A_12, %add3A_16 : vector<1000x64xf32>
    %max3A = arith.constant 0.000000e+00 : f32
    %max3A_18 = vector.broadcast %max3A : f32 to vector<1000x64xf32>
    %max3A_19 = arith.maximumf %add3A_17, %max3A_18 : vector<1000x64xf32>
    %get3A_20 = arith.constant 0 : index
    %get3A_21 = arith.constant 0 : index
    %get3A_22 = vector.load %arg5[%get3A_20, %get3A_21] : memref<64x64xf32, #tpu.memory_space<vmem>>, vector<64x64xf32>
    %dot_general3A = arith.constant dense<0.000000e+00> : vector<1000x64xf32>
    %dot_general3A_23 = tpu.matmul %max3A_19, %get3A_22, %dot_general3A {dimension_numbers = #tpu.dot_dimension_numbers<[1], [0], [0], [1], [0, 0, 1, 1], [], []>, transpose_lhs_hint = false} : vector<1000x64xf32>, vector<64x64xf32>, vector<1000x64xf32> -> vector<1000x64xf32>
    %mul3A_24 = vector.broadcast %get3A_1 : vector<1000x1xf32> to vector<1000x64xf32>
    %mul3A_25 = arith.mulf %dot_general3A_23, %mul3A_24 : vector<1000x64xf32>
    %swap3A = arith.constant 0 : index
    %swap3A_26 = arith.constant 0 : index
    %swap3A_27 = vector.load %arg6[%swap3A, %swap3A_26] : memref<1000x64xf32, #tpu.memory_space<vmem>>, vector<1000x64xf32>
    tpu.vector_store %arg6[%swap3A, %swap3A_26], %mul3A_25 {strides = array<i32>} : memref<1000x64xf32, #tpu.memory_space<vmem>>, vector<1000x64xf32>,
    return
  }
  func.func @transform_0(%arg0: i32) -> (i32, i32) {
    %c0_i32 = arith.constant 0 : i32
    %c0_i32_0 = arith.constant 0 : i32
    return %arg0, %c0_i32 : i32, i32
  }
  func.func @transform_1(%arg0: i32) -> (i32, i32) {
    %c0_i32 = arith.constant 0 : i32
    %c0_i32_0 = arith.constant 0 : i32
    return %arg0, %c0_i32 : i32, i32
  }
  func.func @transform_2(%arg0: i32) -> (i32, i32) {
    %c0_i32 = arith.constant 0 : i32
    %c0_i32_0 = arith.constant 0 : i32
    return %arg0, %c0_i32 : i32, i32
  }
  func.func @transform_3(%arg0: i32) -> (i32, i32) {
    %c0_i32 = arith.constant 0 : i32
    %c0_i32_0 = arith.constant 0 : i32
    %c0_i32_1 = arith.constant 0 : i32
    return %c0_i32, %c0_i32_0 : i32, i32
  }
  func.func @transform_4(%arg0: i32) -> (i32, i32) {
    %c0_i32 = arith.constant 0 : i32
    %c0_i32_0 = arith.constant 0 : i32
    %c0_i32_1 = arith.constant 0 : i32
    return %c0_i32, %c0_i32_0 : i32, i32
  }
  func.func @transform_5(%arg0: i32) -> (i32, i32) {
    %c0_i32 = arith.constant 0 : i32
    %c0_i32_0 = arith.constant 0 : i32
    return %arg0, %c0_i32 : i32, i32
  }
}

module attributes {stable_mosaic.version = 14 : i64} {
  func.func @_final_body(%arg0: i32, %arg1: memref<1000x128xf32, #tpu.memory_space<vmem>>, %arg2: memref<1000x64xf32, #tpu.memory_space<vmem>>, %arg3: memref<1000x1xf32, #tpu.memory_space<vmem>>, %arg4: memref<1x64xf32, #tpu.memory_space<vmem>>, %arg5: memref<1x64xf32, #tpu.memory_space<vmem>>) attributes {dimension_semantics = [#tpu.dimension_semantics<arbitrary>], iteration_bounds = array<i64: 10>, scalar_prefetch = 0 : i64, scratch_operands = 0 : i64, tpu.core_type = #tpu.core_type<tc>, window_params = [{transform_indices = @transform_0, window_bounds = array<i64: 1000, 128>}, {transform_indices = @transform_1, window_bounds = array<i64: 1000, 64>}, {transform_indices = @transform_2, window_bounds = array<i64: 1000, 1>}, {pipeline_mode = #tpu.pipeline_mode<synchronous>, transform_indices = @transform_3, window_bounds = array<i64: 1, 64>}, {pipeline_mode = #tpu.pipeline_mode<synchronous>, transform_indices = @transform_4, window_bounds = array<i64: 1, 64>}]} {
    %get3A = arith.constant 0 : index
    %get3A_0 = arith.constant 0 : index
    %get3A_1 = vector.load %arg3[%get3A, %get3A_0] : memref<1000x1xf32, #tpu.memory_space<vmem>>, vector<1000x1xf32>
    %get3A_2 = arith.constant 0 : index
    %get3A_3 = arith.constant 0 : index
    %get3A_4 = vector.load %arg1[%get3A_2, %get3A_3] : memref<1000x128xf32, #tpu.memory_space<vmem>>, vector<1000x64xf32>
    %get3A_5 = arith.constant 0 : index
    %get3A_6 = arith.constant 64 : index
    %get3A_7 = vector.load %arg1[%get3A_5, %get3A_6] : memref<1000x128xf32, #tpu.memory_space<vmem>>, vector<1000x64xf32>
    %add3A = arith.addf %get3A_4, %get3A_7 : vector<1000x64xf32>
    %get3A_8 = arith.constant 0 : index
    %get3A_9 = arith.constant 0 : index
    %get3A_10 = vector.load %arg2[%get3A_8, %get3A_9] : memref<1000x64xf32, #tpu.memory_space<vmem>>, vector<1000x64xf32>
    %add3A_11 = arith.addf %add3A, %get3A_10 : vector<1000x64xf32>
    %mul3A = vector.broadcast %get3A_1 : vector<1000x1xf32> to vector<1000x64xf32>
    %mul3A_12 = arith.mulf %mul3A, %add3A_11 : vector<1000x64xf32>
    %get3A_13 = arith.constant 0 : index
    %get3A_14 = arith.constant 0 : index
    %get3A_15 = vector.load %arg4[%get3A_13, %get3A_14] : memref<1x64xf32, #tpu.memory_space<vmem>>, vector<1x64xf32>
    %add3A_16 = vector.broadcast %get3A_15 : vector<1x64xf32> to vector<1000x64xf32>
    %add3A_17 = arith.addf %mul3A_12, %add3A_16 : vector<1000x64xf32>
    %max3A = arith.constant 0.000000e+00 : f32
    %max3A_18 = vector.broadcast %max3A : f32 to vector<1000x64xf32>
    %max3A_19 = arith.maximumf %add3A_17, %max3A_18 : vector<1000x64xf32>
    %reduce_sum3A = arith.constant dense<0.000000e+00> : vector<64xf32>
    %reduce_sum3A_20 = vector.multi_reduction <add>, %max3A_19, %reduce_sum3A [0] : vector<1000x64xf32> to vector<64xf32>
    %broadcast_in_dim3A = vector.shape_cast %reduce_sum3A_20 : vector<64xf32> to vector<1x64xf32>
    %mul3A_21 = arith.constant 9.99999974E-5 : f32
    %mul3A_22 = vector.broadcast %mul3A_21 : f32 to vector<1x64xf32>
    %mul3A_23 = arith.mulf %broadcast_in_dim3A, %mul3A_22 : vector<1x64xf32>
    %eq3A = arith.constant 0 : i32
    %eq3A_24 = arith.cmpi eq, %arg0, %eq3A : i32
    %convert_element_type3A = arith.extui %eq3A_24 : i1 to i32
    %cond3A = arith.constant 0 : i32
    %cond3A_25 = arith.cmpi ne, %convert_element_type3A, %cond3A : i32
    scf.if %cond3A_25 {
      %broadcast_in_dim3A_32 = arith.constant 0.000000e+00 : f32
      %broadcast_in_dim3A_33 = vector.broadcast %broadcast_in_dim3A_32 : f32 to vector<1x64xf32>
      %swap3A_34 = arith.constant 0 : index
      %swap3A_35 = arith.constant 0 : index
      %swap3A_36 = vector.load %arg5[%swap3A_34, %swap3A_35] : memref<1x64xf32, #tpu.memory_space<vmem>>, vector<1x64xf32>
      tpu.vector_store %arg5[%swap3A_34, %swap3A_35], %broadcast_in_dim3A_33 {strides = array<i32>} : memref<1x64xf32, #tpu.memory_space<vmem>>, vector<1x64xf32>,
    } else {
    }
    %get3A_26 = arith.constant 0 : index
    %get3A_27 = arith.constant 0 : index
    %get3A_28 = vector.load %arg5[%get3A_26, %get3A_27] : memref<1x64xf32, #tpu.memory_space<vmem>>, vector<1x64xf32>
    %add3A_29 = arith.addf %get3A_28, %mul3A_23 : vector<1x64xf32>
    %swap3A = arith.constant 0 : index
    %swap3A_30 = arith.constant 0 : index
    %swap3A_31 = vector.load %arg5[%swap3A, %swap3A_30] : memref<1x64xf32, #tpu.memory_space<vmem>>, vector<1x64xf32>
    tpu.vector_store %arg5[%swap3A, %swap3A_30], %add3A_29 {strides = array<i32>} : memref<1x64xf32, #tpu.memory_space<vmem>>, vector<1x64xf32>,
    return
  }
  func.func @transform_0(%arg0: i32) -> (i32, i32) {
    %c0_i32 = arith.constant 0 : i32
    %c0_i32_0 = arith.constant 0 : i32
    return %arg0, %c0_i32 : i32, i32
  }
  func.func @transform_1(%arg0: i32) -> (i32, i32) {
    %c0_i32 = arith.constant 0 : i32
    %c0_i32_0 = arith.constant 0 : i32
    return %arg0, %c0_i32 : i32, i32
  }
  func.func @transform_2(%arg0: i32) -> (i32, i32) {
    %c0_i32 = arith.constant 0 : i32
    %c0_i32_0 = arith.constant 0 : i32
    return %arg0, %c0_i32 : i32, i32
  }
  func.func @transform_3(%arg0: i32) -> (i32, i32) {
    %c0_i32 = arith.constant 0 : i32
    %c0_i32_0 = arith.constant 0 : i32
    %c0_i32_1 = arith.constant 0 : i32
    return %c0_i32, %c0_i32_0 : i32, i32
  }
  func.func @transform_4(%arg0: i32) -> (i32, i32) {
    %c0_i32 = arith.constant 0 : i32
    %c0_i32_0 = arith.constant 0 : i32
    %c0_i32_1 = arith.constant 0 : i32
    return %c0_i32, %c0_i32_0 : i32, i32
  }
}

</mosaic_0001>

<sc_bundles>
// kernel: kernel.11.cloned.1.call-start
scs
__scs_entry_jumppad:
0x0: {  	(pc) =	sbr.rel $0x88, $3  }
0x1: {  	(tag) =	ssettag $0x0;
	lr =	simm.s32 $0x1  }
0x2: {  	[smem:$0x3F9B] =	sst lr;
	_ =	strace $0xD0000000  }
0x3: {  	_ = 	snop  }
0x4: {  	_ = 	snop  }
0x5: {  	_ = 	snop  }
0x6: {  	_ = 	snop  }
0x7: {  	_ = 	snop  }
__scs_overlays_trampoline_lowered:
0x8: {  	[smem:$0x3FAA] =	sst s0  }
0x9: {  	[smem:$0x3FAB] =	sst s1  }
0xa: {  	[smem:$0x3FAC] =	sst s2  }
0xb: {  	[smem:$0x3FAD] =	sst s3  }
0xc: {  	[smem:$0x3FAE] =	sst s4  }
0xd: {  	[smem:$0x3FAF] =	sst s5  }
0xe: {  	[smem:$0x3FB0] =	sst s6  }
0xf: {  	[smem:$0x3FB1] =	sst s7  }
0x10: {  	[smem:$0x3FB2] =	sst s8  }
0x11: {  	[smem:$0x3FB3] =	sst s9;
	s0 =	simm.s32 @!p0 $0x0  }
0x12: {  	s1 =	sld [smem:$0x3F99];
	s0 =	simm.s32 @p0 $0x1  }
0x13: {  	[smem:$0x3FB4] =	sst s0;
	s0 =	simm.s32 @!p1 $0x0  }
0x14: {  	s2 =	sld [smem:$0x3F98];
	s0 =	simm.s32 @p1 $0x1  }
0x15: {  	[smem:$0x3FB5] =	sst s0;
	s0 =	simm.s32 @!p2 $0x0  }
0x16: {  	s3 =	sld [smem:$0x3FDB];
	s0 =	simm.s32 @p2 $0x1  }
0x17: {  	s4 =	simm.s32 $0x1BF5;
	[smem:$0x3FB7] =	sst s0  }
0x18: {  	s0 =	sld [smem:$0x3F9A];
	_ =	swait.ge [sflag:s4], $0x0  }
0x19: {  	s7 =	sld [smem:$0x3F9B]  }
0x1a: {  	s8 =	sadd.s32 $0xFFFFE003, lr  }
0x1b: {  	s9 =	sadd.s32 $0xFFFFFEF7, lr;
	s5 =	simm.s32 $0xFFFFFFFF;
	p2 =	slt.u32 s8, $0xFFFFF086  }
0x1c: {  	p1 =	slt.u32 s9, $0xF7A;
	s5 =	simm.s32 @!p2 $0x0  }
0x1d: {  	s5 =	simm.s32 @p1 $0x1;
	p0 =	seq.s32 s7, s2  }
0x1e: {  	s7 =	smul.u32 @!p0 $0xF7A, s2;
	p2 =	seq.s32 @!p0 s5, $0x0  }
0x1f: {  	s9 =	smul.u32 $0xF7A, s1;
	s8 =	simm.s32 @!p0 $0x1BF5;
	p2 =	por !p2, p0  }
0x20: {  	[sflag:s8] =	ssyncset.s32 @!p0 $0xFFFFF086;
	s6 =	sadd.s32 @!p0 s3, s7;
	s7 =	simm.s32 @!p0 $0x108  }
0x21: {  	s3 =	sadd.s32 s3, s9;
	s6 =	sadd.s32 @!p0 $0x88, s6;
	s7 =	simm.s32 @p2 $0x1082  }
0x22: {  	[simem:s7], [sflag:s8] =	dma.local @!p0 [hbm:s6], $0xF7A  }
0x23: {  	s9 =	sor.u32 $0xD0000000, s2;
	s6 =	simm.s32 $0x108;
	_ =	swait.ge @!p0 [sflag:s8], $0x0  }
0x24: {  	s3 =	sadd.s32 $0x88, s3;
	s6 =	simm.s32 @!p1 $0x1082;
	[sflag:s4] =	ssyncset.s32 $0xFFFFF086  }
0x25: {  	[simem:s6], [sflag:s4] =	dma.local [hbm:s3], $0xF7A  }
0x26: {  	[smem:$0x3F9B] =	sst s1;
	(tag) =	ssettag s2;
	_ =	strace s9  }
0x27: {  	s1 =	sld [smem:$0x3FAB]  }
0x28: {  	s2 =	sld [smem:$0x3FAC]  }
0x29: {  	s4 =	sld [smem:$0x3FAE]  }
0x2a: {  	p0 =	seq.s32 s5, $0x0;
	s5 =	sld [smem:$0x3FAF]  }
0x2b: {  	s6 =	sld [smem:$0x3FB0]  }
0x2c: {  	s7 =	sld [smem:$0x3FB1]  }
0x2d: {  	s3 =	simm.s32 $0x108;
	s8 =	sld [smem:$0x3FB2]  }
0x2e: {  	s3 =	simm.s32 @!p0 $0x1082;
	s9 =	sld [smem:$0x3FB3]  }
0x2f: {  	lr =	sadd.s32 s0, s3;
	s0 =	sld [smem:$0x3FAA]  }
0x30: {  	s3 =	sld [smem:$0x3FAD]  }
0x31: {  	[smem:$0x3FB6] =	sst s10  }
0x32: {  	s10 =	sld [smem:$0x3FB4];
	_ =	sdelay $0x3  }
0x33: {  	p0 =	seq.s32 s10, $0x1;
	s10 =	sld [smem:$0x3FB6];
	_ =	sdelay $0x3  }
0x34: {  	[smem:$0x3FB6] =	sst s10  }
0x35: {  	s10 =	sld [smem:$0x3FB5];
	_ =	sdelay $0x3  }
0x36: {  	p1 =	seq.s32 s10, $0x1;
	s10 =	sld [smem:$0x3FB6];
	_ =	sdelay $0x3  }
0x37: {  	[smem:$0x3FB6] =	sst s10  }
0x38: {  	s10 =	sld [smem:$0x3FB7]  }
0x39: {  	_ = 	snop;
	(pc) =	sbr.ind lr, $3  }
0x3a: {  	_ = 	snop  }
0x3b: {  	_ = 	snop  }
0x3c: {  	p2 =	seq.s32 s10, $0x1;
	s10 =	sld [smem:$0x3FB6]  }
0x3d: {  	_ =	shalt  }
0x3e: {  	_ =	shalt  }
0x3f: {  	_ =	shalt  }
0x40: {  	_ =	shalt  }
0x41: {  	_ =	shalt  }
0x42: {  	_ =	shalt  }
0x43: {  	_ =	shalt  }
0x44: {  	_ =	shalt  }
0x45: {  	_ =	shalt  }
0x46: {  	_ =	shalt  }
0x47: {  	_ =	shalt  }
0x48: {  	_ =	shalt  }
0x49: {  	_ =	shalt  }
0x4a: {  	_ =	shalt  }
0x4b: {  	_ =	shalt  }
0x4c: {  	_ =	shalt  }
0x4d: {  	_ =	shalt  }
0x4e: {  	_ =	shalt  }
0x4f: {  	_ =	shalt  }
0x50: {  	_ =	shalt  }
0x51: {  	_ =	shalt  }
0x52: {  	_ =	shalt  }
0x53: {  	_ =	shalt  }
0x54: {  	_ =	shalt  }
0x55: {  	_ =	shalt  }
0x56: {  	_ =	shalt  }
0x57: {  	_ =	shalt  }
0x58: {  	_ =	shalt  }
0x59: {  	_ =	shalt  }
0x5a: {  	_ =	shalt  }
0x5b: {  	_ =	shalt  }
0x5c: {  	_ =	shalt  }
0x5d: {  	_ =	shalt  }
0x5e: {  	_ =	shalt  }
0x5f: {  	_ =	shalt  }
0x60: {  	_ =	shalt  }
0x61: {  	_ =	shalt  }
0x62: {  	_ =	shalt  }
0x63: {  	_ =	shalt  }
0x64: {  	_ =	shalt  }
0x65: {  	_ =	shalt  }
0x66: {  	_ =	shalt  }
0x67: {  	_ =	shalt  }
0x68: {  	_ =	shalt  }
0x69: {  	_ =	shalt  }
0x6a: {  	_ =	shalt  }
0x6b: {  	_ =	shalt  }
0x6c: {  	_ =	shalt  }
0x6d: {  	_ =	shalt  }
0x6e: {  	_ =	shalt  }
0x6f: {  	_ =	shalt  }
0x70: {  	_ =	shalt  }
0x71: {  	_ =	shalt  }
0x72: {  	_ =	shalt  }
0x73: {  	_ =	shalt  }
0x74: {  	_ =	shalt  }
0x75: {  	_ =	shalt  }
0x76: {  	_ =	shalt  }
0x77: {  	_ =	shalt  }
0x78: {  	_ =	shalt  }
0x79: {  	_ =	shalt  }
0x7a: {  	_ =	shalt  }
0x7b: {  	_ =	shalt  }
0x7c: {  	_ =	shalt  }
0x7d: {  	_ =	shalt  }
0x7e: {  	_ =	shalt  }
0x7f: {  	_ =	shalt  }
0x80: {  	_ =	shalt  }
0x81: {  	_ =	shalt  }
0x82: {  	_ =	shalt  }
0x83: {  	_ =	shalt  }
0x84: {  	_ =	shalt  }
0x85: {  	_ =	shalt  }
0x86: {  	_ =	shalt  }
0x87: {  	_ =	shalt  }
.Lfunc_end0:
.L_simem_size_0:
called_computation.1_lowered:
.L_overlay_start_0:
0x88: {  	s2 =	sld [smem:$0x3FD9]  }
0x89: {  	s3 =	sld [smem:$0x3FFE];
	_ =	sdelay $0x1  }
0x8a: {  	s1 =	srdreg.scid  }
0x8b: {  	s0 =	sand.u32 $0x1, s1  }
0x8c: {  	s16 =	sshll.u32 s0, $0xA;
	s2 =	sadd.s32 s3, s2  }
0x8d: {  	s2 =	sadd.s32 s2, s16  }
0x8e: {  	[smem:$0x3FC2] =	sst s2  }
0x8f: {  	_ = 	snop  }
0x90: {  	(tm) =	ssettm $0x1  }
0x91: {  	s17 =	sld [smem:$0x3FFB];
	_ =	sdelay $0x3  }
0x92: {  	_ =	strace s17  }
0x93: {  	s2 =	sld [smem:$0x3FFC];
	_ =	sdelay $0x3  }
0x94: {  	_ =	strace s2  }
0x95: {  	s2 =	sld [smem:$0x3FFD];
	_ =	sdelay $0x3  }
0x96: {  	_ =	strace s2  }
0x97: {  	_ =	strace $0x8FFFFFFF  }
0x98: {  	s18 =	sld [smem:$0x3FDB];
	_ =	sdelay $0x1  }
0x99: {  	s19 =	simm.s32 $_scs_section_size  }
0x9a: {  	s4 =	simm.s32 $_size__tile_overlayer_lowered;
	s5 =	simm.s32 $_tile_overlayer_lowered  }
0x9b: {  	s22 =	simm.s32 $0x1BFF;
	s21 =	sshll.u32 s5, $0x1;
	s2 =	sadd.s32 s19, s18  }
0x9c: {  	s6 =	simm.s32 $0x0;
	s20 =	sshll.u32 s4, $0x1;
	s4 =	sadd.s32 s21, s2  }
0x9d: {  	[timem:s6], [sflag:s22] =	dma.local [hbm:s4], s20  }
0x9e: {  	_ =	swait.ge [sflag:s22], s20  }
0x9f: {  	s3 =	ssub.s32 $0x0, s20;
	[sflag:s22] =	ssyncset.done $0x0  }
0xa0: {  	[sflag:s22] =	ssyncadd.s32 s3;
	_ =	sdelay $0x1  }
0xa1: {  	s23 =	simm.s32 $0x1B8B  }
0xa2: {  	_ =	swait.ge [sflag:s23], $0x1  }
0xa3: {  	[sflag:s23] =	ssyncset.done $0x0  }
0xa4: {  	s25 =	simm.s32 $0x1B8E;
	s24 =	sld [smem:$0x3FFE];
	[sflag:s23] =	ssyncadd.s32 $0xFFFFFFFF  }
0xa5: {  	s26 =	simm.s32 $execute0_lowered;
	[smem:$0x3FD2] =	sst s25  }
0xa6: {  	s4 =	sshll.u32 s26, $0x1;
	_ =	strace $0x80000049;
	[dreg:$0x1] =	wrdreg $0xFFFFFFFF  }
0xa7: {  	s28 =	simm.s32 $_size_execute0_lowered;
	s2 =	sadd.s32 s2, s4;
	[dreg:$0x0] =	wrdreg $0x0  }
0xa8: {  	s4 =	sshll.u32 s28, $0x1;
	[dreg:$0x2] =	wrdreg s2  }
0xa9: {  	[dreg:$0x3] =	wrdreg s4  }
0xaa: {  	[dreg:$0x4] =	wrdreg $0xC0  }
0xab: {  	_ =	task [dreg:s6], $0x5FFFF  }
0xac: {  	[dreg:$0x1] =	wrdreg $0xFFFFFFFF  }
0xad: {  	[dreg:$0x0] =	wrdreg $0x60  }
0xae: {  	[dreg:$0x2] =	wrdreg s24  }
0xaf: {  	[dreg:$0x3] =	wrdreg $0x122200  }
0xb0: {  	[dreg:$0x4] =	wrdreg $0x9  }
0xb1: {  	_ =	task.clear_ibuf [dreg:s6], $0x5FFFF;
	_ =	strace $0x90000049  }
0xb2: {  	s29 =	simm.s32 $0x9;
	_ =	strace $0x8000004B  }
0xb3: {  	_ =	swait.ge [sflag:s29], $0x1  }
0xb4: {  	[sflag:s29] =	ssyncadd.s32 $0xFFFFFFFF  }
0xb5: {  	_ =	strace $0x9000004B  }
0xb6: {  	_ =	sfence  }
0xb7: {  	s30 =	sld [smem:$0x0];
	_ =	sdelay $0x2  }
0xb8: {  	s31 =	sshll.u32 s1, $0xD;
	s1 =	sshrl.u32 s1, $0x2  }
0xb9: {  	s3 =	sand.u32 $0x4000, s31;
	s1 =	sadd.s32 s1, s30  }
0xba: {  	s0 =	sor.u32 s3, s0;
	s1 =	sshll.u32 s1, $0x11  }
0xbb: {  	s0 =	sor.u32 s1, s0  }
0xbc: {  	s0 =	sadd.s32 $0x8F2B, s0  }
0xbd: {  	[sflag:s0] =	ssyncadd.remote.s32 $0x1  }
0xbe: {  	_ =	sfence.sel $0xFFFF  }
0xbf: {  	[dreg:$0x0] =	wrdreg $0xFFFFFFFF;
	(pc) =	sbr.abs _section_cstart, $3  }
0xc0: {  	[dreg:$0x1] =	wrdreg $0xFFFFFFFF  }
0xc1: {  	_ =	task.clear_ibuf [dreg:s6], $0x2FFFF;
	_ =	strace $0x9FFFFFFF  }
0xc2: {  	(tm) =	ssettm $0x7FFFFFFF  }
0xc3: {  	_ =	shalt  }
tec
execute0_lowered:
.L_overlay_start_1:
0x0: {  	(tag) =	ssettag $0x1  }
0x1: {  	s0 =	srdreg.scid  }
0x2: {  	s3 =	rddreg [dreg:$0x0];
	s8 =	stileid.u32  }
0x3: {  	s2 =	rddreg [dreg:$0x1];
	s6 =	simm.s32 $0x0;
	s28 =	simm.s32 $0x10E20  }
0x4: {  	s31 =	simm.s32 $0x80;
	s29 =	simm.s32 $0x6E20;
	s9 =	simm.s32 $0xEE20  }
0x5: {  	s10 =	simm.s32 $0x3;
	s12 =	simm.s32 $0x5;
	s13 =	simm.s32 $0x6  }
0x6: {  	s1 =	sand.u32 $0x1, s0;
	[smem:$0x7FF] =	sst s6;
	s15 =	smul.u32 $0x28000, s8  }
0x7: {  	s0 =	sshll.u32 s0, $0x3;
	s4 =	sshll.u32 s1, $0x4;
	s1 =	ssub.s32 $0x2, s1  }
0x8: {  	s18 =	smul.u32 $0x2800, s8;
	s7 =	sshrl.u32 s1, $0x1;
	s16 =	sshrl.u32 s15, $0x2  }
0x9: {  	s6 =	simm.s32 $0xCE20;
	s1 =	ssub.s32 s1, s7;
	s14 =	sadd.s32 s16, s2  }
0xa: {  	_ =	strace $0x8000004A;
	s1 =	smax.u32 s1, $0x1;
	[dreg:$0x5] =	wrdreg s14  }
0xb: {  	s0 =	sand.u32 $0x8, s0;
	s19 =	sadd.s32 $0x1000, s14;
	[dreg:$0x6] =	wrdreg s1  }
0xc: {  	s4 =	sor.u32 s8, s4;
	s20 =	sadd.s32 $0x2000, s14;
	[dreg:$0x7] =	wrdreg s19  }
0xd: {  	s0 =	sadd.s32 s0, s3;
	s21 =	sadd.s32 $0x3000, s14;
	[dreg:$0x8] =	wrdreg s20  }
0xe: {  	s15 =	simm.s32 $0x2710;
	s22 =	sadd.s32 $0x4000, s14;
	[dreg:$0x9] =	wrdreg s21  }
0xf: {  	s8 =	simm.s32 $0x2;
	s23 =	sadd.s32 $0x5000, s14;
	[dreg:$0xa] =	wrdreg s22  }
0x10: {  	s5 =	smul.u32 $0x2710, s4;
	s24 =	sadd.s32 $0x6000, s14;
	[dreg:$0xb] =	wrdreg s23  }
0x11: {  	s4 =	sadd.s32 $0x15E00, s3;
	s25 =	sadd.s32 $0x7000, s14;
	[dreg:$0xc] =	wrdreg s24  }
0x12: {  	s0 =	sadd.s32 s18, s0;
	s26 =	sadd.s32 $0x8000, s14;
	[dreg:$0xd] =	wrdreg s25  }
0x13: {  	s16 =	simm.s32 $0x0;
	s30 =	sadd.s32 $0x9000, s14;
	[dreg:$0xe] =	wrdreg s26  }
0x14: {  	s0 =	sadd.s32 $0x29800, s0;
	s5 =	sshrl.u32 s5, $0x3;
	[dreg:$0xf] =	wrdreg s30  }
0x15: {  	[dreg:$0x10] =	wrdreg s0;
	s20 =	simm.s32 $0x11220;
	s21 =	simm.s32 $0x7  }
0x16: {  	s22 =	simm.s32 $0x8;
	s23 =	simm.s32 $0x9;
	s24 =	simm.s32 $0xA  }
0x17: {  	s25 =	simm.s32 $0xB;
	s26 =	simm.s32 $0x10;
	s5 =	sadd.s32 s5, s3  }
0x18: {  	s1 =	simm.s32 $0x4E20;
	s0 =	simm.s32 $0x8E20;
	s17 =	sadd.s32 $0x2400, s5  }
0x19: {  	s19 =	simm.s32 $0xC;
	s5 =	sadd.s32 $0xC040, s5;
	[dreg:$0x3] =	wrdreg s17  }
0x1a: {  	v0 =	vimm.f32 $0.0e+00;
	s3 =	simm.s32 $0xAE20;
	[dreg:$0x4] =	wrdreg s5;
	s5 =	simm.s32 $0x1  }
.LBB2_1:
0x1b: {  	s7 =	simm.s32 $0x0;
	s11 =	rddreg [dreg:$0x3]  }
0x1c: {  	[tilespmem:s7], [sflag:$0xF] =	stream.linear.gather [hbm4b:s11+s7], $0x2710, $0x38;
	[tilespmem:$0x1C220] =	vst v63  }
0x1d: {  	s30 =	rddreg [dreg:$0x4];
	s18 =	simm.s32 $0x100;
	s17 =	simm.s32 $0x0  }
0x1e: {  	[tilespmem:s15], [sflag:$0xF] =	stream.linear.gather [hbm4b:s30+s7], $0x2710, $0x38;
	[tilespmem:$0x1C220] =	vst v63  }
.LBB2_2:
0x1f: {  	p0 =	sne.s32 s18, $0x3F00;
	[tilespmem:s17+$0x11250] =	vst v0;
	s30 =	smov.u32 s18;
	s18 =	sadd.s32 $0x100, s18  }
.Ltmp0:
0x20: {  	[tilespmem:s17+$0x11240] =	vst v0;
	(pc) =	sbr.rel @p0 .LBB2_2-.Ltmp0, $3  }
0x21: {  	[tilespmem:s17+$0x11220] =	vst v0  }
0x22: {  	[tilespmem:s17+$0x11230] =	vst v0;
	_ =	sdelay $0x1  }
0x23: {  	s17 =	sshra.s32 s30, $0x2  }
0x24: {  	[tilespmem:s17+$0x11250] =	vst v0  }
0x25: {  	[tilespmem:s17+$0x11240] =	vst v0  }
0x26: {  	[tilespmem:s17+$0x11220] =	vst v0  }
0x27: {  	[tilespmem:s17+$0x11230] =	vst v0  }
0x28: {  	[spmem:s14] =	stream.linear.scatter [tilespmem:s20], [sflag:$0x7], $0x1000, $0x38;
	[tilespmem:$0x1C220] =	vst v63  }
0x29: {  	s7 =	rddreg [dreg:$0x7]  }
0x2a: {  	[spmem:s7] =	stream.linear.scatter [tilespmem:s20], [sflag:$0x8], $0x1000, $0x38;
	[tilespmem:$0x1C220] =	vst v63  }
0x2b: {  	s14 =	rddreg [dreg:$0x8]  }
0x2c: {  	[spmem:s14] =	stream.linear.scatter [tilespmem:s20], [sflag:$0x9], $0x1000, $0x38;
	[tilespmem:$0x1C220] =	vst v63  }
0x2d: {  	s17 =	rddreg [dreg:$0x9]  }
0x2e: {  	[spmem:s17] =	stream.linear.scatter [tilespmem:s20], [sflag:$0xA], $0x1000, $0x38;
	[tilespmem:$0x1C220] =	vst v63  }
0x2f: {  	s18 =	rddreg [dreg:$0xa]  }
0x30: {  	[spmem:s18] =	stream.linear.scatter [tilespmem:s20], [sflag:$0xB], $0x1000, $0x38;
	[tilespmem:$0x1C220] =	vst v63  }
0x31: {  	s30 =	rddreg [dreg:$0xb]  }
0x32: {  	[spmem:s30] =	stream.linear.scatter [tilespmem:s20], [sflag:$0x7], $0x1000, $0x38;
	[tilespmem:$0x1C220] =	vst v63  }
0x33: {  	s11 =	rddreg [dreg:$0xc]  }
0x34: {  	[spmem:s11] =	stream.linear.scatter [tilespmem:s20], [sflag:$0x8], $0x1000, $0x38;
	[tilespmem:$0x1C220] =	vst v63  }
0x35: {  	s14 =	rddreg [dreg:$0xd]  }
0x36: {  	[spmem:s14] =	stream.linear.scatter [tilespmem:s20], [sflag:$0x9], $0x1000, $0x38;
	[tilespmem:$0x1C220] =	vst v63  }
0x37: {  	s17 =	rddreg [dreg:$0xe]  }
0x38: {  	[spmem:s17] =	stream.linear.scatter [tilespmem:s20], [sflag:$0xA], $0x1000, $0x38;
	[tilespmem:$0x1C220] =	vst v63  }
0x39: {  	s18 =	rddreg [dreg:$0xf]  }
0x3a: {  	[spmem:s18] =	stream.linear.scatter [tilespmem:s20], [sflag:$0xB], $0x1000, $0x38;
	[tilespmem:$0x1C220] =	vst v63  }
0x3b: {  	_ =	swait.ge [sflag:s21], $0x1000  }
0x3c: {  	[sflag:s21] =	ssyncset.done $0x0  }
0x3d: {  	[sflag:s21] =	ssyncadd.s32 $0xFFFFF000  }
0x3e: {  	_ =	swait.ge [sflag:s22], $0x1000  }
0x3f: {  	[sflag:s22] =	ssyncset.done $0x0  }
0x40: {  	[sflag:s22] =	ssyncadd.s32 $0xFFFFF000  }
0x41: {  	_ =	swait.ge [sflag:s23], $0x1000  }
0x42: {  	[sflag:s23] =	ssyncset.done $0x0  }
0x43: {  	[sflag:s23] =	ssyncadd.s32 $0xFFFFF000  }
0x44: {  	_ =	swait.ge [sflag:s24], $0x1000  }
0x45: {  	[sflag:s24] =	ssyncset.done $0x0  }
0x46: {  	[sflag:s24] =	ssyncadd.s32 $0xFFFFF000  }
0x47: {  	_ =	swait.ge [sflag:s25], $0x1000  }
0x48: {  	[sflag:s25] =	ssyncset.done $0x0  }
0x49: {  	[sflag:s25] =	ssyncadd.s32 $0xFFFFF000  }
0x4a: {  	_ =	swait.ge [sflag:s21], $0x1000  }
0x4b: {  	[sflag:s21] =	ssyncset.done $0x0  }
0x4c: {  	[sflag:s21] =	ssyncadd.s32 $0xFFFFF000  }
0x4d: {  	_ =	swait.ge [sflag:s22], $0x1000  }
0x4e: {  	[sflag:s22] =	ssyncset.done $0x0  }
0x4f: {  	[sflag:s22] =	ssyncadd.s32 $0xFFFFF000  }
0x50: {  	_ =	swait.ge [sflag:s23], $0x1000  }
0x51: {  	[sflag:s23] =	ssyncset.done $0x0  }
0x52: {  	[sflag:s23] =	ssyncadd.s32 $0xFFFFF000  }
0x53: {  	_ =	swait.ge [sflag:s24], $0x1000  }
0x54: {  	[sflag:s24] =	ssyncset.done $0x0  }
0x55: {  	[sflag:s24] =	ssyncadd.s32 $0xFFFFF000  }
0x56: {  	_ =	swait.ge [sflag:s25], $0x1000  }
0x57: {  	[sflag:s25] =	ssyncset.done $0x0  }
0x58: {  	s30 =	simm.s32 $0xF;
	[sflag:s25] =	ssyncadd.s32 $0xFFFFF000  }
0x59: {  	_ =	swait.ge [sflag:s30], $0x2710  }
0x5a: {  	[sflag:s30] =	ssyncset.done $0x0  }
0x5b: {  	[sflag:s30] =	ssyncadd.s32 $0xFFFFD8F0  }
0x5c: {  	_ =	swait.ge [sflag:s30], $0x2710  }
0x5d: {  	[sflag:s30] =	ssyncset.done $0x0  }
0x5e: {  	[sflag:s30] =	ssyncadd.s32 $0xFFFFD8F0  }
0x5f: {  	s11 =	simm.s32 $0x2700;
	[bflag:$0x0] =	sbarrier.arrive $0xFFFF  }
0x60: {  	[tilespmem:s28], [sflag:$0xD] =	stream.indirect.gather [hbm4b:s4+s26], $0x40, s11, s26, $0xb8;
	[tilespmem:$0x1C220] =	vst v63  }
0x61: {  	s14 =	simm.s32 $0x0  }
0x62: {  	[tilespmem:s1], [sflag:$0x1] =	stream.indirect.gather [hbm4b:s4+s31], $0x40, s14, s31, $0xb8;
	[tilespmem:$0x1C220] =	vst v63  }
0x63: {  	_ = 	snop  }
0x64: {  	[tilespmem:s29], [sflag:$0x2] =	stream.indirect.gather [hbm4b:s4+s31], $0x40, s31, s31, $0xb8;
	[tilespmem:$0x1C220] =	vst v63  }
0x65: {  	s17 =	simm.s32 $0x100  }
0x66: {  	[tilespmem:s0], [sflag:$0x3] =	stream.indirect.gather [hbm4b:s4+s31], $0x40, s17, s31, $0xb8;
	[tilespmem:$0x1C220] =	vst v63  }
0x67: {  	s18 =	simm.s32 $0x180  }
0x68: {  	[tilespmem:s3], [sflag:$0x4] =	stream.indirect.gather [hbm4b:s4+s31], $0x40, s18, s31, $0xb8;
	[tilespmem:$0x1C220] =	vst v63  }
0x69: {  	_ =	swait.ge [sflag:s5], $0x2000  }
0x6a: {  	[sflag:s5] =	ssyncset.done $0x0  }
0x6b: {  	[sflag:s5] =	ssyncadd.s32 $0xFFFFE000  }
0x6c: {  	[spmem:s2] =	stream.indirect.scatter.add.f32 [tilespmem:s1], [sflag:$0x7], $0x40, s15, s31, $0xb8;
	[tilespmem:$0x1C220] =	vst v63  }
0x6d: {  	s26 =	simm.s32 $0x200  }
0x6e: {  	[tilespmem:s6], [sflag:$0x5] =	stream.indirect.gather [hbm4b:s4+s31], $0x40, s26, s31, $0xb8;
	[tilespmem:$0x1C220] =	vst v63  }
0x6f: {  	_ =	swait.ge [sflag:s8], $0x2000  }
0x70: {  	[sflag:s8] =	ssyncset.done $0x0  }
0x71: {  	s28 =	simm.s32 $0x2790;
	[sflag:s8] =	ssyncadd.s32 $0xFFFFE000  }
0x72: {  	[spmem:s2] =	stream.indirect.scatter.add.f32 [tilespmem:s29], [sflag:$0x8], $0x40, s28, s31, $0xb8;
	[tilespmem:$0x1C220] =	vst v63  }
0x73: {  	s30 =	simm.s32 $0x280  }
0x74: {  	[tilespmem:s9], [sflag:$0x6] =	stream.indirect.gather [hbm4b:s4+s31], $0x40, s30, s31, $0xb8;
	[tilespmem:$0x1C220] =	vst v63  }
0x75: {  	_ =	swait.ge [sflag:s10], $0x2000  }
0x76: {  	[sflag:s10] =	ssyncset.done $0x0  }
0x77: {  	s11 =	simm.s32 $0x2810;
	[sflag:s10] =	ssyncadd.s32 $0xFFFFE000  }
0x78: {  	[spmem:s2] =	stream.indirect.scatter.add.f32 [tilespmem:s0], [sflag:$0x9], $0x40, s11, s31, $0xb8;
	[tilespmem:$0x1C220] =	vst v63  }
0x79: {  	_ =	swait.ge [sflag:s21], $0x2000  }
0x7a: {  	[sflag:s21] =	ssyncset.done $0x0  }
0x7b: {  	s14 =	simm.s32 $0x300;
	s15 =	simm.s32 $0x4;
	[sflag:s21] =	ssyncadd.s32 $0xFFFFE000  }
0x7c: {  	[tilespmem:s1], [sflag:$0x1] =	stream.indirect.gather [hbm4b:s4+s31], $0x40, s14, s31, $0xb8;
	[tilespmem:$0x1C220] =	vst v63  }
0x7d: {  	_ =	swait.ge [sflag:s15], $0x2000  }
0x7e: {  	[sflag:s15] =	ssyncset.done $0x0  }
0x7f: {  	s17 =	simm.s32 $0x2890;
	[sflag:s15] =	ssyncadd.s32 $0xFFFFE000  }
0x80: {  	[spmem:s2] =	stream.indirect.scatter.add.f32 [tilespmem:s3], [sflag:$0xA], $0x40, s17, s31, $0xb8;
	[tilespmem:$0x1C220] =	vst v63  }
0x81: {  	_ =	swait.ge [sflag:s22], $0x2000  }
0x82: {  	[sflag:s22] =	ssyncset.done $0x0  }
0x83: {  	s18 =	simm.s32 $0x380;
	[sflag:s22] =	ssyncadd.s32 $0xFFFFE000  }
0x84: {  	[tilespmem:s29], [sflag:$0x2] =	stream.indirect.gather [hbm4b:s4+s31], $0x40, s18, s31, $0xb8;
	[tilespmem:$0x1C220] =	vst v63  }
0x85: {  	_ =	swait.ge [sflag:s12], $0x2000  }
0x86: {  	[sflag:s12] =	ssyncset.done $0x0  }
0x87: {  	s26 =	simm.s32 $0x2910;
	[sflag:s12] =	ssyncadd.s32 $0xFFFFE000  }
0x88: {  	[spmem:s2] =	stream.indirect.scatter.add.f32 [tilespmem:s6], [sflag:$0xB], $0x40, s26, s31, $0xb8;
	[tilespmem:$0x1C220] =	vst v63  }
0x89: {  	_ =	swait.ge [sflag:s23], $0x2000  }
0x8a: {  	[sflag:s23] =	ssyncset.done $0x0  }
0x8b: {  	s28 =	simm.s32 $0x400;
	[sflag:s23] =	ssyncadd.s32 $0xFFFFE000  }
0x8c: {  	[tilespmem:s0], [sflag:$0x3] =	stream.indirect.gather [hbm4b:s4+s31], $0x40, s28, s31, $0xb8;
	[tilespmem:$0x1C220] =	vst v63  }
0x8d: {  	_ =	swait.ge [sflag:s13], $0x2000  }
0x8e: {  	[sflag:s13] =	ssyncset.done $0x0  }
0x8f: {  	s30 =	simm.s32 $0x2990;
	[sflag:s13] =	ssyncadd.s32 $0xFFFFE000  }
0x90: {  	[spmem:s2] =	stream.indirect.scatter.add.f32 [tilespmem:s9], [sflag:$0xC], $0x40, s30, s31, $0xb8;
	[tilespmem:$0x1C220] =	vst v63  }
0x91: {  	_ =	swait.ge [sflag:s24], $0x2000  }
0x92: {  	[sflag:s24] =	ssyncset.done $0x0  }
0x93: {  	s11 =	simm.s32 $0x480;
	[sflag:s24] =	ssyncadd.s32 $0xFFFFE000  }
0x94: {  	[tilespmem:s3], [sflag:$0x4] =	stream.indirect.gather [hbm4b:s4+s31], $0x40, s11, s31, $0xb8;
	[tilespmem:$0x1C220] =	vst v63  }
0x95: {  	_ =	swait.ge [sflag:s5], $0x2000  }
0x96: {  	[sflag:s5] =	ssyncset.done $0x0  }
0x97: {  	s14 =	simm.s32 $0x2A10;
	[sflag:s5] =	ssyncadd.s32 $0xFFFFE000  }
0x98: {  	[spmem:s2] =	stream.indirect.scatter.add.f32 [tilespmem:s1], [sflag:$0x7], $0x40, s14, s31, $0xb8;
	[tilespmem:$0x1C220] =	vst v63  }
0x99: {  	_ =	swait.ge [sflag:s25], $0x2000  }
0x9a: {  	[sflag:s25] =	ssyncset.done $0x0  }
0x9b: {  	s15 =	simm.s32 $0x500;
	[sflag:s25] =	ssyncadd.s32 $0xFFFFE000  }
0x9c: {  	[tilespmem:s6], [sflag:$0x5] =	stream.indirect.gather [hbm4b:s4+s31], $0x40, s15, s31, $0xb8;
	[tilespmem:$0x1C220] =	vst v63  }
0x9d: {  	_ =	swait.ge [sflag:s8], $0x2000  }
0x9e: {  	[sflag:s8] =	ssyncset.done $0x0  }
0x9f: {  	s18 =	simm.s32 $0x2A90;
	[sflag:s8] =	ssyncadd.s32 $0xFFFFE000  }
0xa0: {  	[spmem:s2] =	stream.indirect.scatter.add.f32 [tilespmem:s29], [sflag:$0x8], $0x40, s18, s31, $0xb8;
	[tilespmem:$0x1C220] =	vst v63  }
0xa1: {  	_ =	swait.ge [sflag:s19], $0x2000  }
0xa2: {  	[sflag:s19] =	ssyncset.done $0x0  }
0xa3: {  	s26 =	simm.s32 $0x580;
	[sflag:s19] =	ssyncadd.s32 $0xFFFFE000  }
0xa4: {  	[tilespmem:s9], [sflag:$0x6] =	stream.indirect.gather [hbm4b:s4+s31], $0x40, s26, s31, $0xb8;
	[tilespmem:$0x1C220] =	vst v63  }
0xa5: {  	_ =	swait.ge [sflag:s10], $0x2000  }
0xa6: {  	[sflag:s10] =	ssyncset.done $0x0  }
0xa7: {  	s28 =	simm.s32 $0x2B10;
	[sflag:s10] =	ssyncadd.s32 $0xFFFFE000  }
0xa8: {  	[spmem:s2] =	stream.indirect.scatter.add.f32 [tilespmem:s0], [sflag:$0x9], $0x40, s28, s31, $0xb8;
	[tilespmem:$0x1C220] =	vst v63  }
0xa9: {  	_ =	swait.ge [sflag:s21], $0x2000  }
0xaa: {  	p0 =	por $0x0, $0x0;
	[sflag:s21] =	ssyncset.done $0x0  }
0xab: {  	s17 =	simm.s32 @p0 $0x4;
	[sflag:s21] =	ssyncadd.s32 $0xFFFFE000  }
0xac: {  	_ =	swait.ge @p0 [sflag:s17], $0x2000  }
0xad: {  	s30 =	simm.s32 @p0 $0xAE20;
	[sflag:s17] =	ssyncset.done @p0 $0x0  }
0xae: {  	s18 =	simm.s32 @p0 $0x2B90;
	[sflag:s17] =	ssyncadd.s32 @p0 $0xFFFFE000;
	s17 =	simm.s32 @p0 $0x80  }
0xaf: {  	[spmem:s2] =	stream.indirect.scatter.add.f32 @p0 [tilespmem:s30], [sflag:$0xA], $0x40, s18, s17, $0xb8;
	[tilespmem:$0x1C220] =	vst v63  }
0xb0: {  	s17 =	simm.s32 @p0 $0x8  }
0xb1: {  	_ =	swait.ge @p0 [sflag:s17], $0x2000  }
0xb2: {  	s18 =	simm.s32 @!p0 $0x600;
	[sflag:s17] =	ssyncset.done @p0 $0x0  }
0xb3: {  	s30 =	simm.s32 @!p0 $0x4E20;
	[sflag:s17] =	ssyncadd.s32 @p0 $0xFFFFE000;
	s17 =	simm.s32 @!p0 $0x80  }
0xb4: {  	[tilespmem:s30], [sflag:$0x1] =	stream.indirect.gather @!p0 [hbm4b:s4+s17], $0x40, s18, s17, $0xb8;
	[tilespmem:$0x1C220] =	vst v63  }
0xb5: {  	s18 =	simm.s32 @!p0 $0x4  }
0xb6: {  	_ =	swait.ge @!p0 [sflag:s18], $0x2000  }
0xb7: {  	[sflag:s18] =	ssyncset.done @!p0 $0x0  }
0xb8: {  	s30 =	simm.s32 @!p0 $0x2B90;
	[sflag:s18] =	ssyncadd.s32 @!p0 $0xFFFFE000;
	s18 =	simm.s32 @!p0 $0xAE20  }
0xb9: {  	[spmem:s2] =	stream.indirect.scatter.add.f32 @!p0 [tilespmem:s18], [sflag:$0xA], $0x40, s30, s17, $0xb8;
	[tilespmem:$0x1C220] =	vst v63  }
0xba: {  	s18 =	simm.s32 @!p0 $0x8  }
0xbb: {  	_ =	swait.ge @!p0 [sflag:s18], $0x2000  }
0xbc: {  	[sflag:s18] =	ssyncset.done @!p0 $0x0  }
0xbd: {  	s30 =	simm.s32 @!p0 $0x680;
	[sflag:s18] =	ssyncadd.s32 @!p0 $0xFFFFE000;
	s18 =	simm.s32 @!p0 $0x6E20  }
0xbe: {  	[tilespmem:s18], [sflag:$0x2] =	stream.indirect.gather @!p0 [hbm4b:s4+s17], $0x40, s30, s17, $0xb8;
	[tilespmem:$0x1C220] =	vst v63  }
0xbf: {  	_ =	swait.ge [sflag:s12], $0x2000  }
0xc0: {  	[sflag:s12] =	ssyncset.done $0x0  }
0xc1: {  	s30 =	simm.s32 $0x2C10;
	[sflag:s12] =	ssyncadd.s32 $0xFFFFE000  }
0xc2: {  	[spmem:s2] =	stream.indirect.scatter.add.f32 [tilespmem:s6], [sflag:$0xB], $0x40, s30, s31, $0xb8;
	[tilespmem:$0x1C220] =	vst v63  }
0xc3: {  	_ =	swait.ge [sflag:s23], $0x2000  }
0xc4: {  	[sflag:s23] =	ssyncset.done $0x0  }
0xc5: {  	s18 =	simm.s32 @!p0 $0x700;
	s30 =	simm.s32 @!p0 $0x8E20;
	[sflag:s23] =	ssyncadd.s32 $0xFFFFE000  }
0xc6: {  	[tilespmem:s30], [sflag:$0x3] =	stream.indirect.gather @!p0 [hbm4b:s4+s17], $0x40, s18, s17, $0xb8;
	[tilespmem:$0x1C220] =	vst v63  }
0xc7: {  	_ =	swait.ge [sflag:s13], $0x2000  }
0xc8: {  	[sflag:s13] =	ssyncset.done $0x0  }
0xc9: {  	s17 =	simm.s32 $0xC00;
	s18 =	simm.s32 $0x2C90;
	[sflag:s13] =	ssyncadd.s32 $0xFFFFE000  }
.LBB2_4:
0xca: {  	[spmem:s2] =	stream.indirect.scatter.add.f32 [tilespmem:s9], [sflag:$0xC], $0x40, s18, s31, $0xb8;
	[tilespmem:$0x1C220] =	vst v63  }
0xcb: {  	s30 =	smov.u32 s17;
	s17 =	sadd.s32 $0xC00, s17;
	_ =	swait.ge [sflag:s24], $0x2000  }
0xcc: {  	s18 =	sshra.s32 s30, $0x2;
	p0 =	sne.s32 s17, $0x9000;
	[sflag:s24] =	ssyncset.done $0x0  }
0xcd: {  	s11 =	sadd.s32 $0x480, s18;
	[sflag:s24] =	ssyncadd.s32 $0xFFFFE000  }
0xce: {  	[tilespmem:s3], [sflag:$0x4] =	stream.indirect.gather [hbm4b:s4+s31], $0x40, s11, s31, $0xb8;
	[tilespmem:$0x1C220] =	vst v63  }
0xcf: {  	_ =	swait.ge [sflag:s5], $0x2000  }
0xd0: {  	[sflag:s5] =	ssyncset.done $0x0  }
0xd1: {  	s11 =	sadd.s32 $0x2A10, s18;
	[sflag:s5] =	ssyncadd.s32 $0xFFFFE000  }
0xd2: {  	[spmem:s2] =	stream.indirect.scatter.add.f32 [tilespmem:s1], [sflag:$0x7], $0x40, s11, s31, $0xb8;
	[tilespmem:$0x1C220] =	vst v63  }
0xd3: {  	_ =	swait.ge [sflag:s25], $0x2000  }
0xd4: {  	[sflag:s25] =	ssyncset.done $0x0  }
0xd5: {  	s11 =	sadd.s32 $0x500, s18;
	[sflag:s25] =	ssyncadd.s32 $0xFFFFE000  }
0xd6: {  	[tilespmem:s6], [sflag:$0x5] =	stream.indirect.gather [hbm4b:s4+s31], $0x40, s11, s31, $0xb8;
	[tilespmem:$0x1C220] =	vst v63  }
0xd7: {  	_ =	swait.ge [sflag:s8], $0x2000  }
0xd8: {  	[sflag:s8] =	ssyncset.done $0x0  }
0xd9: {  	s11 =	sadd.s32 $0x2A90, s18;
	[sflag:s8] =	ssyncadd.s32 $0xFFFFE000  }
0xda: {  	[spmem:s2] =	stream.indirect.scatter.add.f32 [tilespmem:s29], [sflag:$0x8], $0x40, s11, s31, $0xb8;
	[tilespmem:$0x1C220] =	vst v63  }
0xdb: {  	_ =	swait.ge [sflag:s19], $0x2000  }
0xdc: {  	[sflag:s19] =	ssyncset.done $0x0  }
0xdd: {  	s11 =	sadd.s32 $0x580, s18;
	[sflag:s19] =	ssyncadd.s32 $0xFFFFE000  }
0xde: {  	[tilespmem:s9], [sflag:$0x6] =	stream.indirect.gather [hbm4b:s4+s31], $0x40, s11, s31, $0xb8;
	[tilespmem:$0x1C220] =	vst v63  }
0xdf: {  	_ =	swait.ge [sflag:s10], $0x2000  }
0xe0: {  	[sflag:s10] =	ssyncset.done $0x0  }
0xe1: {  	s11 =	sadd.s32 $0x2B10, s18;
	[sflag:s10] =	ssyncadd.s32 $0xFFFFE000  }
0xe2: {  	[spmem:s2] =	stream.indirect.scatter.add.f32 [tilespmem:s0], [sflag:$0x9], $0x40, s11, s31, $0xb8;
	[tilespmem:$0x1C220] =	vst v63  }
0xe3: {  	_ =	swait.ge [sflag:s21], $0x2000  }
0xe4: {  	p1 =	seq.s32 s30, $0x8400;
	[sflag:s21] =	ssyncset.done $0x0  }
0xe5: {  	s14 =	sshra.s32 @p1 s30, $0x2;
	s11 =	simm.s32 @p1 $0x4;
	[sflag:s21] =	ssyncadd.s32 $0xFFFFE000  }
0xe6: {  	s30 =	sshra.s32 @!p1 s30, $0x2;
	s14 =	sadd.s32 @p1 $0x2B90, s14;
	_ =	swait.ge @p1 [sflag:s11], $0x2000  }
0xe7: {  	s15 =	simm.s32 @p1 $0x8;
	s7 =	sadd.s32 @!p1 $0x600, s30;
	[sflag:s11] =	ssyncset.done @p1 $0x0  }
0xe8: {  	s26 =	simm.s32 @p1 $0xAE20;
	[sflag:s11] =	ssyncadd.s32 @p1 $0xFFFFE000;
	s11 =	simm.s32 @p1 $0x80  }
0xe9: {  	[spmem:s2] =	stream.indirect.scatter.add.f32 @p1 [tilespmem:s26], [sflag:$0xA], $0x40, s14, s11, $0xb8;
	[tilespmem:$0x1C220] =	vst v63  }
0xea: {  	s11 =	sadd.s32 @!p1 $0x2B90, s30;
	s14 =	sadd.s32 @!p1 $0x680, s30;
	_ =	swait.ge @p1 [sflag:s15], $0x2000  }
0xeb: {  	s26 =	simm.s32 @!p1 $0x4;
	s30 =	sadd.s32 @!p1 $0x700, s30;
	[sflag:s15] =	ssyncset.done @p1 $0x0  }
0xec: {  	s28 =	simm.s32 @!p1 $0x4E20;
	[sflag:s15] =	ssyncadd.s32 @p1 $0xFFFFE000;
	s15 =	simm.s32 @!p1 $0x80  }
0xed: {  	[tilespmem:s28], [sflag:$0x1] =	stream.indirect.gather @!p1 [hbm4b:s4+s15], $0x40, s7, s15, $0xb8;
	[tilespmem:$0x1C220] =	vst v63  }
0xee: {  	_ =	swait.ge @!p1 [sflag:s26], $0x2000  }
0xef: {  	[sflag:s26] =	ssyncset.done @!p1 $0x0  }
0xf0: {  	s7 =	simm.s32 @!p1 $0xAE20;
	[sflag:s26] =	ssyncadd.s32 @!p1 $0xFFFFE000;
	s26 =	simm.s32 @!p1 $0x8  }
0xf1: {  	[spmem:s2] =	stream.indirect.scatter.add.f32 @!p1 [tilespmem:s7], [sflag:$0xA], $0x40, s11, s15, $0xb8;
	[tilespmem:$0x1C220] =	vst v63  }
0xf2: {  	_ =	swait.ge @!p1 [sflag:s26], $0x2000  }
0xf3: {  	[sflag:s26] =	ssyncset.done @!p1 $0x0  }
0xf4: {  	s7 =	simm.s32 @!p1 $0x6E20;
	[sflag:s26] =	ssyncadd.s32 @!p1 $0xFFFFE000  }
0xf5: {  	[tilespmem:s7], [sflag:$0x2] =	stream.indirect.gather @!p1 [hbm4b:s4+s15], $0x40, s14, s15, $0xb8;
	[tilespmem:$0x1C220] =	vst v63  }
0xf6: {  	_ =	swait.ge [sflag:s12], $0x2000  }
0xf7: {  	[sflag:s12] =	ssyncset.done $0x0  }
0xf8: {  	s7 =	sadd.s32 $0x2C10, s18;
	[sflag:s12] =	ssyncadd.s32 $0xFFFFE000  }
0xf9: {  	[spmem:s2] =	stream.indirect.scatter.add.f32 [tilespmem:s6], [sflag:$0xB], $0x40, s7, s31, $0xb8;
	[tilespmem:$0x1C220] =	vst v63  }
0xfa: {  	_ =	swait.ge [sflag:s23], $0x2000  }
0xfb: {  	[sflag:s23] =	ssyncset.done $0x0  }
.Ltmp1:
0xfc: {  	s7 =	simm.s32 @!p1 $0x8E20;
	[sflag:s23] =	ssyncadd.s32 $0xFFFFE000;
	(pc) =	sbr.rel @p0 .LBB2_4-.Ltmp1, $4  }
0xfd: {  	[tilespmem:s7], [sflag:$0x3] =	stream.indirect.gather @!p1 [hbm4b:s4+s15], $0x40, s30, s15, $0xb8;
	[tilespmem:$0x1C220] =	vst v63  }
0xfe: {  	_ =	swait.ge [sflag:s13], $0x2000  }
0xff: {  	[sflag:s13] =	ssyncset.done $0x0  }
0x100: {  	s18 =	sadd.s32 $0x2C90, s18;
	[sflag:s13] =	ssyncadd.s32 $0xFFFFE000  }
0x101: {  	[spmem:s2] =	stream.indirect.scatter.add.f32 [tilespmem:s9], [sflag:$0xC], $0x40, s18, s31, $0xb8;
	[tilespmem:$0x1C220] =	vst v63  }
0x102: {  	s7 =	simm.s32 $0xD  }
0x103: {  	_ =	swait.ge [sflag:s7], $0x400  }
0x104: {  	s26 =	simm.s32 $0x10;
	[sflag:s7] =	ssyncset.done $0x0  }
0x105: {  	s28 =	simm.s32 $0x10E20;
	s15 =	simm.s32 $0x4E10;
	[sflag:s7] =	ssyncadd.s32 $0xFFFFFC00  }
0x106: {  	[spmem:s2] =	stream.indirect.scatter.add.f32 [tilespmem:s28], [sflag:$0xE], $0x40, s15, s26, $0xb8;
	[tilespmem:$0x1C220] =	vst v63  }
0x107: {  	_ =	swait.ge [sflag:s24], $0x2000  }
0x108: {  	[sflag:s24] =	ssyncset.done $0x0  }
0x109: {  	[sflag:s24] =	ssyncadd.s32 $0xFFFFE000  }
0x10a: {  	_ =	swait.ge [sflag:s25], $0x2000  }
0x10b: {  	[sflag:s25] =	ssyncset.done $0x0  }
0x10c: {  	[sflag:s25] =	ssyncadd.s32 $0xFFFFE000  }
0x10d: {  	_ =	swait.ge [sflag:s19], $0x2000  }
0x10e: {  	[sflag:s19] =	ssyncset.done $0x0  }
0x10f: {  	s17 =	simm.s32 $0xE;
	[sflag:s19] =	ssyncadd.s32 $0xFFFFE000  }
0x110: {  	_ =	swait.ge [sflag:s17], $0x400  }
0x111: {  	[sflag:s17] =	ssyncset.done $0x0  }
0x112: {  	[sflag:s17] =	ssyncadd.s32 $0xFFFFFC00  }
0x113: {  	s18 =	stileid.u32;
	[bflag:$0x0] =	sbarrier.arrive $0xFFFF  }
0x114: {  	s7 =	sshll.u32 s18, $0x6;
	s14 =	rddreg [dreg:$0x5]  }
0x115: {  	s7 =	sor.u32 $0x1C10, s7;
	s15 =	rddreg [dreg:$0x10];
	s11 =	sshrl.u32 s14, $0x3  }
0x116: {  	[hbm:s15@s26], [sflag:s7] =	dma.strided [spmem:s11@s22], $0x1400, s5, $0x8   }
0x117: {  	_ =	swait.ge [sflag:s26], $0x1400  }
0x118: {  	s16 =	sadd.s32 $0x1, s16;
	s30 =	rddreg [dreg:$0x6]  }
0x119: {  	p0 =	sne.s32 s16, s30  }
.Ltmp2:
0x11a: {  	_ = 	snop;
	(pc) =	sbr.rel @p0 .LBB2_1-.Ltmp2, $3  }
0x11b: {  	_ =	sdelay $0x1  }
0x11c: {  	[sflag:s26] =	ssyncset.done $0x0  }
0x11d: {  	s15 =	simm.s32 $0x2710;
	[sflag:s26] =	ssyncadd.s32 $0xFFFFEC00  }
0x11e: {  	_ =	sfence.sel $0x180000  }
0x11f: {  	[bflag:$0x0] =	sbarrier.arrive $0xFFFF  }
0x120: {  	_ =	strace $0x9000004A  }
0x121: {  	s0 =	stileid.u32;
	[bflag:$0x2] =	sbarrier.arrive $0xFFFF  }
0x122: {  	p0 =	sne.s32 s0, $0x0;
	s0 =	rddreg [dreg:$0x2]  }
0x123: {  	s0 =	sadd.s32 @!p0 $0x100000, s0  }
0x124: {  	[sflag:s0] =	ssyncadd.tile.s32 @!p0 $0x1;
	_ =	shalt  }
.Lfunc_end2:
_tile_overlayer_lowered:
.L_overlay_start_2:
0x125: {  	(tag) =	ssettag $0x2  }
0x126: {  	s0 =	rddreg [dreg:$0x0];
	s2 =	stileid.u32  }
0x127: {  	s1 =	rddreg [dreg:$0x1];
	p0 =	sne.s32 s2, $0x0  }
0x128: {  	s3 =	rddreg [dreg:$0x2];
	[bflag:$0x3] =	sbarrier.arrive $0xFFFF;
	s2 =	simm.s32 @!p0 $0x1C10  }
0x129: {  	[timem:s3], [sflag:s2] =	dma.local @!p0 [hbm:s0], s1  }
0x12a: {  	s0 =	simm.s32 @!p0 $0x10  }
0x12b: {  	_ =	swait.ge @!p0 [sflag:s0], s1  }
0x12c: {  	s1 =	ssub.s32 @!p0 $0x0, s1;
	[sflag:s0] =	ssyncset.done @!p0 $0x0  }
0x12d: {  	[sflag:s0] =	ssyncadd.s32 @!p0 s1  }
0x12e: {  	[bflag:$0x3] =	sbarrier.arrive $0xFFFF  }
0x12f: {  	_ =	shalt  }

// kernel: kernel.14.cloned.1.call-start
scs
__scs_entry_jumppad:
0x0: {  	(pc) =	sbr.rel $0x88, $3  }
0x1: {  	(tag) =	ssettag $0x0;
	lr =	simm.s32 $0x1  }
0x2: {  	[smem:$0x3F9B] =	sst lr;
	_ =	strace $0xD0000000  }
0x3: {  	_ = 	snop  }
0x4: {  	_ = 	snop  }
0x5: {  	_ = 	snop  }
0x6: {  	_ = 	snop  }
0x7: {  	_ = 	snop  }
__scs_overlays_trampoline_lowered:
0x8: {  	[smem:$0x3FAA] =	sst s0  }
0x9: {  	[smem:$0x3FAB] =	sst s1  }
0xa: {  	[smem:$0x3FAC] =	sst s2  }
0xb: {  	[smem:$0x3FAD] =	sst s3  }
0xc: {  	[smem:$0x3FAE] =	sst s4  }
0xd: {  	[smem:$0x3FAF] =	sst s5  }
0xe: {  	[smem:$0x3FB0] =	sst s6  }
0xf: {  	[smem:$0x3FB1] =	sst s7  }
0x10: {  	[smem:$0x3FB2] =	sst s8  }
0x11: {  	[smem:$0x3FB3] =	sst s9;
	s0 =	simm.s32 @!p0 $0x0  }
0x12: {  	s1 =	sld [smem:$0x3F99];
	s0 =	simm.s32 @p0 $0x1  }
0x13: {  	[smem:$0x3FB4] =	sst s0;
	s0 =	simm.s32 @!p1 $0x0  }
0x14: {  	s2 =	sld [smem:$0x3F98];
	s0 =	simm.s32 @p1 $0x1  }
0x15: {  	[smem:$0x3FB5] =	sst s0;
	s0 =	simm.s32 @!p2 $0x0  }
0x16: {  	s3 =	sld [smem:$0x3FDB];
	s0 =	simm.s32 @p2 $0x1  }
0x17: {  	s4 =	simm.s32 $0x1BF5;
	[smem:$0x3FB7] =	sst s0  }
0x18: {  	s0 =	sld [smem:$0x3F9A];
	_ =	swait.ge [sflag:s4], $0x0  }
0x19: {  	s7 =	sld [smem:$0x3F9B]  }
0x1a: {  	s8 =	sadd.s32 $0xFFFFE003, lr  }
0x1b: {  	s9 =	sadd.s32 $0xFFFFFEF7, lr;
	s5 =	simm.s32 $0xFFFFFFFF;
	p2 =	slt.u32 s8, $0xFFFFF086  }
0x1c: {  	p1 =	slt.u32 s9, $0xF7A;
	s5 =	simm.s32 @!p2 $0x0  }
0x1d: {  	s5 =	simm.s32 @p1 $0x1;
	p0 =	seq.s32 s7, s2  }
0x1e: {  	s7 =	smul.u32 @!p0 $0xF7A, s2;
	p2 =	seq.s32 @!p0 s5, $0x0  }
0x1f: {  	s9 =	smul.u32 $0xF7A, s1;
	s8 =	simm.s32 @!p0 $0x1BF5;
	p2 =	por !p2, p0  }
0x20: {  	[sflag:s8] =	ssyncset.s32 @!p0 $0xFFFFF086;
	s6 =	sadd.s32 @!p0 s3, s7;
	s7 =	simm.s32 @!p0 $0x108  }
0x21: {  	s3 =	sadd.s32 s3, s9;
	s6 =	sadd.s32 @!p0 $0x88, s6;
	s7 =	simm.s32 @p2 $0x1082  }
0x22: {  	[simem:s7], [sflag:s8] =	dma.local @!p0 [hbm:s6], $0xF7A  }
0x23: {  	s9 =	sor.u32 $0xD0000000, s2;
	s6 =	simm.s32 $0x108;
	_ =	swait.ge @!p0 [sflag:s8], $0x0  }
0x24: {  	s3 =	sadd.s32 $0x88, s3;
	s6 =	simm.s32 @!p1 $0x1082;
	[sflag:s4] =	ssyncset.s32 $0xFFFFF086  }
0x25: {  	[simem:s6], [sflag:s4] =	dma.local [hbm:s3], $0xF7A  }
0x26: {  	[smem:$0x3F9B] =	sst s1;
	(tag) =	ssettag s2;
	_ =	strace s9  }
0x27: {  	s1 =	sld [smem:$0x3FAB]  }
0x28: {  	s2 =	sld [smem:$0x3FAC]  }
0x29: {  	s4 =	sld [smem:$0x3FAE]  }
0x2a: {  	p0 =	seq.s32 s5, $0x0;
	s5 =	sld [smem:$0x3FAF]  }
0x2b: {  	s6 =	sld [smem:$0x3FB0]  }
0x2c: {  	s7 =	sld [smem:$0x3FB1]  }
0x2d: {  	s3 =	simm.s32 $0x108;
	s8 =	sld [smem:$0x3FB2]  }
0x2e: {  	s3 =	simm.s32 @!p0 $0x1082;
	s9 =	sld [smem:$0x3FB3]  }
0x2f: {  	lr =	sadd.s32 s0, s3;
	s0 =	sld [smem:$0x3FAA]  }
0x30: {  	s3 =	sld [smem:$0x3FAD]  }
0x31: {  	[smem:$0x3FB6] =	sst s10  }
0x32: {  	s10 =	sld [smem:$0x3FB4];
	_ =	sdelay $0x3  }
0x33: {  	p0 =	seq.s32 s10, $0x1;
	s10 =	sld [smem:$0x3FB6];
	_ =	sdelay $0x3  }
0x34: {  	[smem:$0x3FB6] =	sst s10  }
0x35: {  	s10 =	sld [smem:$0x3FB5];
	_ =	sdelay $0x3  }
0x36: {  	p1 =	seq.s32 s10, $0x1;
	s10 =	sld [smem:$0x3FB6];
	_ =	sdelay $0x3  }
0x37: {  	[smem:$0x3FB6] =	sst s10  }
0x38: {  	s10 =	sld [smem:$0x3FB7]  }
0x39: {  	_ = 	snop;
	(pc) =	sbr.ind lr, $3  }
0x3a: {  	_ = 	snop  }
0x3b: {  	_ = 	snop  }
0x3c: {  	p2 =	seq.s32 s10, $0x1;
	s10 =	sld [smem:$0x3FB6]  }
0x3d: {  	_ =	shalt  }
0x3e: {  	_ =	shalt  }
0x3f: {  	_ =	shalt  }
0x40: {  	_ =	shalt  }
0x41: {  	_ =	shalt  }
0x42: {  	_ =	shalt  }
0x43: {  	_ =	shalt  }
0x44: {  	_ =	shalt  }
0x45: {  	_ =	shalt  }
0x46: {  	_ =	shalt  }
0x47: {  	_ =	shalt  }
0x48: {  	_ =	shalt  }
0x49: {  	_ =	shalt  }
0x4a: {  	_ =	shalt  }
0x4b: {  	_ =	shalt  }
0x4c: {  	_ =	shalt  }
0x4d: {  	_ =	shalt  }
0x4e: {  	_ =	shalt  }
0x4f: {  	_ =	shalt  }
0x50: {  	_ =	shalt  }
0x51: {  	_ =	shalt  }
0x52: {  	_ =	shalt  }
0x53: {  	_ =	shalt  }
0x54: {  	_ =	shalt  }
0x55: {  	_ =	shalt  }
0x56: {  	_ =	shalt  }
0x57: {  	_ =	shalt  }
0x58: {  	_ =	shalt  }
0x59: {  	_ =	shalt  }
0x5a: {  	_ =	shalt  }
0x5b: {  	_ =	shalt  }
0x5c: {  	_ =	shalt  }
0x5d: {  	_ =	shalt  }
0x5e: {  	_ =	shalt  }
0x5f: {  	_ =	shalt  }
0x60: {  	_ =	shalt  }
0x61: {  	_ =	shalt  }
0x62: {  	_ =	shalt  }
0x63: {  	_ =	shalt  }
0x64: {  	_ =	shalt  }
0x65: {  	_ =	shalt  }
0x66: {  	_ =	shalt  }
0x67: {  	_ =	shalt  }
0x68: {  	_ =	shalt  }
0x69: {  	_ =	shalt  }
0x6a: {  	_ =	shalt  }
0x6b: {  	_ =	shalt  }
0x6c: {  	_ =	shalt  }
0x6d: {  	_ =	shalt  }
0x6e: {  	_ =	shalt  }
0x6f: {  	_ =	shalt  }
0x70: {  	_ =	shalt  }
0x71: {  	_ =	shalt  }
0x72: {  	_ =	shalt  }
0x73: {  	_ =	shalt  }
0x74: {  	_ =	shalt  }
0x75: {  	_ =	shalt  }
0x76: {  	_ =	shalt  }
0x77: {  	_ =	shalt  }
0x78: {  	_ =	shalt  }
0x79: {  	_ =	shalt  }
0x7a: {  	_ =	shalt  }
0x7b: {  	_ =	shalt  }
0x7c: {  	_ =	shalt  }
0x7d: {  	_ =	shalt  }
0x7e: {  	_ =	shalt  }
0x7f: {  	_ =	shalt  }
0x80: {  	_ =	shalt  }
0x81: {  	_ =	shalt  }
0x82: {  	_ =	shalt  }
0x83: {  	_ =	shalt  }
0x84: {  	_ =	shalt  }
0x85: {  	_ =	shalt  }
0x86: {  	_ =	shalt  }
0x87: {  	_ =	shalt  }
.Lfunc_end0:
.L_simem_size_0:
called_computation.2_lowered:
.L_overlay_start_0:
0x88: {  	s2 =	sld [smem:$0x3FD9]  }
0x89: {  	s3 =	sld [smem:$0x3FFE];
	_ =	sdelay $0x1  }
0x8a: {  	s1 =	srdreg.scid  }
0x8b: {  	s0 =	sand.u32 $0x1, s1  }
0x8c: {  	s16 =	sshll.u32 s0, $0xA;
	s2 =	sadd.s32 s3, s2  }
0x8d: {  	s2 =	sadd.s32 s2, s16  }
0x8e: {  	[smem:$0x3FC2] =	sst s2  }
0x8f: {  	_ = 	snop  }
0x90: {  	(tm) =	ssettm $0x1  }
0x91: {  	s17 =	sld [smem:$0x3FFB];
	_ =	sdelay $0x3  }
0x92: {  	_ =	strace s17  }
0x93: {  	s2 =	sld [smem:$0x3FFC];
	_ =	sdelay $0x3  }
0x94: {  	_ =	strace s2  }
0x95: {  	s2 =	sld [smem:$0x3FFD];
	_ =	sdelay $0x3  }
0x96: {  	_ =	strace s2  }
0x97: {  	_ =	strace $0x8FFFFFFF  }
0x98: {  	s18 =	sld [smem:$0x3FDB];
	_ =	sdelay $0x1  }
0x99: {  	s19 =	simm.s32 $_scs_section_size  }
0x9a: {  	s4 =	simm.s32 $_size__tile_overlayer_lowered;
	s5 =	simm.s32 $_tile_overlayer_lowered  }
0x9b: {  	s22 =	simm.s32 $0x1BFF;
	s21 =	sshll.u32 s5, $0x1;
	s2 =	sadd.s32 s19, s18  }
0x9c: {  	s6 =	simm.s32 $0x0;
	s20 =	sshll.u32 s4, $0x1;
	s4 =	sadd.s32 s21, s2  }
0x9d: {  	[timem:s6], [sflag:s22] =	dma.local [hbm:s4], s20  }
0x9e: {  	_ =	swait.ge [sflag:s22], s20  }
0x9f: {  	s3 =	ssub.s32 $0x0, s20;
	[sflag:s22] =	ssyncset.done $0x0  }
0xa0: {  	[sflag:s22] =	ssyncadd.s32 s3;
	_ =	sdelay $0x1  }
0xa1: {  	s23 =	simm.s32 $0x1B8B  }
0xa2: {  	_ =	swait.ge [sflag:s23], $0x1  }
0xa3: {  	[sflag:s23] =	ssyncset.done $0x0  }
0xa4: {  	s25 =	simm.s32 $0x1B8E;
	s24 =	sld [smem:$0x3FFE];
	[sflag:s23] =	ssyncadd.s32 $0xFFFFFFFF  }
0xa5: {  	s26 =	simm.s32 $execute0_lowered;
	[smem:$0x3FD2] =	sst s25  }
0xa6: {  	s4 =	sshll.u32 s26, $0x1;
	_ =	strace $0x8000004C;
	[dreg:$0x1] =	wrdreg $0xFFFFFFFF  }
0xa7: {  	s28 =	simm.s32 $_size_execute0_lowered;
	s2 =	sadd.s32 s2, s4;
	[dreg:$0x0] =	wrdreg $0x0  }
0xa8: {  	s4 =	sshll.u32 s28, $0x1;
	[dreg:$0x2] =	wrdreg s2  }
0xa9: {  	[dreg:$0x3] =	wrdreg s4  }
0xaa: {  	[dreg:$0x4] =	wrdreg $0xC0  }
0xab: {  	_ =	task [dreg:s6], $0x5FFFF  }
0xac: {  	[dreg:$0x1] =	wrdreg $0xFFFFFFFF  }
0xad: {  	[dreg:$0x0] =	wrdreg $0x60  }
0xae: {  	[dreg:$0x2] =	wrdreg s24  }
0xaf: {  	[dreg:$0x3] =	wrdreg $0x122200  }
0xb0: {  	[dreg:$0x4] =	wrdreg $0x9  }
0xb1: {  	_ =	task.clear_ibuf [dreg:s6], $0x5FFFF;
	_ =	strace $0x9000004C  }
0xb2: {  	s29 =	simm.s32 $0x9;
	_ =	strace $0x8000004E  }
0xb3: {  	_ =	swait.ge [sflag:s29], $0x1  }
0xb4: {  	[sflag:s29] =	ssyncadd.s32 $0xFFFFFFFF  }
0xb5: {  	_ =	strace $0x9000004E  }
0xb6: {  	_ =	sfence  }
0xb7: {  	s30 =	sld [smem:$0x0];
	_ =	sdelay $0x2  }
0xb8: {  	s31 =	sshll.u32 s1, $0xD;
	s1 =	sshrl.u32 s1, $0x2  }
0xb9: {  	s3 =	sand.u32 $0x4000, s31;
	s1 =	sadd.s32 s1, s30  }
0xba: {  	s0 =	sor.u32 s3, s0;
	s1 =	sshll.u32 s1, $0x11  }
0xbb: {  	s0 =	sor.u32 s1, s0  }
0xbc: {  	s0 =	sadd.s32 $0x8F2B, s0  }
0xbd: {  	[sflag:s0] =	ssyncadd.remote.s32 $0x1  }
0xbe: {  	_ =	sfence.sel $0xFFFF  }
0xbf: {  	[dreg:$0x0] =	wrdreg $0xFFFFFFFF;
	(pc) =	sbr.abs _section_cstart, $3  }
0xc0: {  	[dreg:$0x1] =	wrdreg $0xFFFFFFFF  }
0xc1: {  	_ =	task.clear_ibuf [dreg:s6], $0x2FFFF;
	_ =	strace $0x9FFFFFFF  }
0xc2: {  	(tm) =	ssettm $0x7FFFFFFF  }
0xc3: {  	_ =	shalt  }
tec
execute0_lowered:
.L_overlay_start_1:
0x0: {  	(tag) =	ssettag $0x1  }
0x1: {  	s0 =	srdreg.scid  }
0x2: {  	s3 =	rddreg [dreg:$0x0];
	s8 =	stileid.u32  }
0x3: {  	s2 =	rddreg [dreg:$0x1];
	s6 =	simm.s32 $0x0;
	s28 =	simm.s32 $0x10E20  }
0x4: {  	s31 =	simm.s32 $0x80;
	s29 =	simm.s32 $0x6E20;
	s9 =	simm.s32 $0xEE20  }
0x5: {  	s10 =	simm.s32 $0x3;
	s12 =	simm.s32 $0x5;
	s13 =	simm.s32 $0x6  }
0x6: {  	s1 =	sand.u32 $0x1, s0;
	[smem:$0x7FF] =	sst s6;
	s15 =	smul.u32 $0x28000, s8  }
0x7: {  	s0 =	sshll.u32 s0, $0x3;
	s4 =	sshll.u32 s1, $0x4;
	s1 =	ssub.s32 $0x2, s1  }
0x8: {  	s18 =	smul.u32 $0x2800, s8;
	s7 =	sshrl.u32 s1, $0x1;
	s16 =	sshrl.u32 s15, $0x2  }
0x9: {  	s6 =	simm.s32 $0xCE20;
	s1 =	ssub.s32 s1, s7;
	s14 =	sadd.s32 s16, s2  }
0xa: {  	_ =	strace $0x8000004D;
	s1 =	smax.u32 s1, $0x1;
	[dreg:$0x5] =	wrdreg s14  }
0xb: {  	s0 =	sand.u32 $0x8, s0;
	s19 =	sadd.s32 $0x1000, s14;
	[dreg:$0x6] =	wrdreg s1  }
0xc: {  	s4 =	sor.u32 s8, s4;
	s20 =	sadd.s32 $0x2000, s14;
	[dreg:$0x7] =	wrdreg s19  }
0xd: {  	s0 =	sadd.s32 s0, s3;
	s21 =	sadd.s32 $0x3000, s14;
	[dreg:$0x8] =	wrdreg s20  }
0xe: {  	s15 =	simm.s32 $0x2710;
	s22 =	sadd.s32 $0x4000, s14;
	[dreg:$0x9] =	wrdreg s21  }
0xf: {  	s8 =	simm.s32 $0x2;
	s23 =	sadd.s32 $0x5000, s14;
	[dreg:$0xa] =	wrdreg s22  }
0x10: {  	s5 =	smul.u32 $0x2710, s4;
	s24 =	sadd.s32 $0x6000, s14;
	[dreg:$0xb] =	wrdreg s23  }
0x11: {  	s4 =	sadd.s32 $0x15E00, s3;
	s25 =	sadd.s32 $0x7000, s14;
	[dreg:$0xc] =	wrdreg s24  }
0x12: {  	s0 =	sadd.s32 s18, s0;
	s26 =	sadd.s32 $0x8000, s14;
	[dreg:$0xd] =	wrdreg s25  }
0x13: {  	s16 =	simm.s32 $0x0;
	s30 =	sadd.s32 $0x9000, s14;
	[dreg:$0xe] =	wrdreg s26  }
0x14: {  	s0 =	sadd.s32 $0x29800, s0;
	s5 =	sshrl.u32 s5, $0x3;
	[dreg:$0xf] =	wrdreg s30  }
0x15: {  	[dreg:$0x10] =	wrdreg s0;
	s20 =	simm.s32 $0x11220;
	s21 =	simm.s32 $0x7  }
0x16: {  	s22 =	simm.s32 $0x8;
	s23 =	simm.s32 $0x9;
	s24 =	simm.s32 $0xA  }
0x17: {  	s25 =	simm.s32 $0xB;
	s26 =	simm.s32 $0x10;
	s5 =	sadd.s32 s5, s3  }
0x18: {  	s1 =	simm.s32 $0x4E20;
	s0 =	simm.s32 $0x8E20;
	s17 =	sadd.s32 $0x2400, s5  }
0x19: {  	s19 =	simm.s32 $0xC;
	s5 =	sadd.s32 $0xC040, s5;
	[dreg:$0x3] =	wrdreg s17  }
0x1a: {  	v0 =	vimm.f32 $0.0e+00;
	s3 =	simm.s32 $0xAE20;
	[dreg:$0x4] =	wrdreg s5;
	s5 =	simm.s32 $0x1  }
.LBB2_1:
0x1b: {  	s7 =	simm.s32 $0x0;
	s11 =	rddreg [dreg:$0x3]  }
0x1c: {  	[tilespmem:s7], [sflag:$0xF] =	stream.linear.gather [hbm4b:s11+s7], $0x2710, $0x38;
	[tilespmem:$0x1C220] =	vst v63  }
0x1d: {  	s30 =	rddreg [dreg:$0x4];
	s18 =	simm.s32 $0x100;
	s17 =	simm.s32 $0x0  }
0x1e: {  	[tilespmem:s15], [sflag:$0xF] =	stream.linear.gather [hbm4b:s30+s7], $0x2710, $0x38;
	[tilespmem:$0x1C220] =	vst v63  }
.LBB2_2:
0x1f: {  	p0 =	sne.s32 s18, $0x3F00;
	[tilespmem:s17+$0x11250] =	vst v0;
	s30 =	smov.u32 s18;
	s18 =	sadd.s32 $0x100, s18  }
.Ltmp0:
0x20: {  	[tilespmem:s17+$0x11240] =	vst v0;
	(pc) =	sbr.rel @p0 .LBB2_2-.Ltmp0, $3  }
0x21: {  	[tilespmem:s17+$0x11220] =	vst v0  }
0x22: {  	[tilespmem:s17+$0x11230] =	vst v0;
	_ =	sdelay $0x1  }
0x23: {  	s17 =	sshra.s32 s30, $0x2  }
0x24: {  	[tilespmem:s17+$0x11250] =	vst v0  }
0x25: {  	[tilespmem:s17+$0x11240] =	vst v0  }
0x26: {  	[tilespmem:s17+$0x11220] =	vst v0  }
0x27: {  	[tilespmem:s17+$0x11230] =	vst v0  }
0x28: {  	[spmem:s14] =	stream.linear.scatter [tilespmem:s20], [sflag:$0x7], $0x1000, $0x38;
	[tilespmem:$0x1C220] =	vst v63  }
0x29: {  	s7 =	rddreg [dreg:$0x7]  }
0x2a: {  	[spmem:s7] =	stream.linear.scatter [tilespmem:s20], [sflag:$0x8], $0x1000, $0x38;
	[tilespmem:$0x1C220] =	vst v63  }
0x2b: {  	s14 =	rddreg [dreg:$0x8]  }
0x2c: {  	[spmem:s14] =	stream.linear.scatter [tilespmem:s20], [sflag:$0x9], $0x1000, $0x38;
	[tilespmem:$0x1C220] =	vst v63  }
0x2d: {  	s17 =	rddreg [dreg:$0x9]  }
0x2e: {  	[spmem:s17] =	stream.linear.scatter [tilespmem:s20], [sflag:$0xA], $0x1000, $0x38;
	[tilespmem:$0x1C220] =	vst v63  }
0x2f: {  	s18 =	rddreg [dreg:$0xa]  }
0x30: {  	[spmem:s18] =	stream.linear.scatter [tilespmem:s20], [sflag:$0xB], $0x1000, $0x38;
	[tilespmem:$0x1C220] =	vst v63  }
0x31: {  	s30 =	rddreg [dreg:$0xb]  }
0x32: {  	[spmem:s30] =	stream.linear.scatter [tilespmem:s20], [sflag:$0x7], $0x1000, $0x38;
	[tilespmem:$0x1C220] =	vst v63  }
0x33: {  	s11 =	rddreg [dreg:$0xc]  }
0x34: {  	[spmem:s11] =	stream.linear.scatter [tilespmem:s20], [sflag:$0x8], $0x1000, $0x38;
	[tilespmem:$0x1C220] =	vst v63  }
0x35: {  	s14 =	rddreg [dreg:$0xd]  }
0x36: {  	[spmem:s14] =	stream.linear.scatter [tilespmem:s20], [sflag:$0x9], $0x1000, $0x38;
	[tilespmem:$0x1C220] =	vst v63  }
0x37: {  	s17 =	rddreg [dreg:$0xe]  }
0x38: {  	[spmem:s17] =	stream.linear.scatter [tilespmem:s20], [sflag:$0xA], $0x1000, $0x38;
	[tilespmem:$0x1C220] =	vst v63  }
0x39: {  	s18 =	rddreg [dreg:$0xf]  }
0x3a: {  	[spmem:s18] =	stream.linear.scatter [tilespmem:s20], [sflag:$0xB], $0x1000, $0x38;
	[tilespmem:$0x1C220] =	vst v63  }
0x3b: {  	_ =	swait.ge [sflag:s21], $0x1000  }
0x3c: {  	[sflag:s21] =	ssyncset.done $0x0  }
0x3d: {  	[sflag:s21] =	ssyncadd.s32 $0xFFFFF000  }
0x3e: {  	_ =	swait.ge [sflag:s22], $0x1000  }
0x3f: {  	[sflag:s22] =	ssyncset.done $0x0  }
0x40: {  	[sflag:s22] =	ssyncadd.s32 $0xFFFFF000  }
0x41: {  	_ =	swait.ge [sflag:s23], $0x1000  }
0x42: {  	[sflag:s23] =	ssyncset.done $0x0  }
0x43: {  	[sflag:s23] =	ssyncadd.s32 $0xFFFFF000  }
0x44: {  	_ =	swait.ge [sflag:s24], $0x1000  }
0x45: {  	[sflag:s24] =	ssyncset.done $0x0  }
0x46: {  	[sflag:s24] =	ssyncadd.s32 $0xFFFFF000  }
0x47: {  	_ =	swait.ge [sflag:s25], $0x1000  }
0x48: {  	[sflag:s25] =	ssyncset.done $0x0  }
0x49: {  	[sflag:s25] =	ssyncadd.s32 $0xFFFFF000  }
0x4a: {  	_ =	swait.ge [sflag:s21], $0x1000  }
0x4b: {  	[sflag:s21] =	ssyncset.done $0x0  }
0x4c: {  	[sflag:s21] =	ssyncadd.s32 $0xFFFFF000  }
0x4d: {  	_ =	swait.ge [sflag:s22], $0x1000  }
0x4e: {  	[sflag:s22] =	ssyncset.done $0x0  }
0x4f: {  	[sflag:s22] =	ssyncadd.s32 $0xFFFFF000  }
0x50: {  	_ =	swait.ge [sflag:s23], $0x1000  }
0x51: {  	[sflag:s23] =	ssyncset.done $0x0  }
0x52: {  	[sflag:s23] =	ssyncadd.s32 $0xFFFFF000  }
0x53: {  	_ =	swait.ge [sflag:s24], $0x1000  }
0x54: {  	[sflag:s24] =	ssyncset.done $0x0  }
0x55: {  	[sflag:s24] =	ssyncadd.s32 $0xFFFFF000  }
0x56: {  	_ =	swait.ge [sflag:s25], $0x1000  }
0x57: {  	[sflag:s25] =	ssyncset.done $0x0  }
0x58: {  	s30 =	simm.s32 $0xF;
	[sflag:s25] =	ssyncadd.s32 $0xFFFFF000  }
0x59: {  	_ =	swait.ge [sflag:s30], $0x2710  }
0x5a: {  	[sflag:s30] =	ssyncset.done $0x0  }
0x5b: {  	[sflag:s30] =	ssyncadd.s32 $0xFFFFD8F0  }
0x5c: {  	_ =	swait.ge [sflag:s30], $0x2710  }
0x5d: {  	[sflag:s30] =	ssyncset.done $0x0  }
0x5e: {  	[sflag:s30] =	ssyncadd.s32 $0xFFFFD8F0  }
0x5f: {  	s11 =	simm.s32 $0x2700;
	[bflag:$0x0] =	sbarrier.arrive $0xFFFF  }
0x60: {  	[tilespmem:s28], [sflag:$0xD] =	stream.indirect.gather [hbm4b:s4+s26], $0x40, s11, s26, $0xb8;
	[tilespmem:$0x1C220] =	vst v63  }
0x61: {  	s14 =	simm.s32 $0x0  }
0x62: {  	[tilespmem:s1], [sflag:$0x1] =	stream.indirect.gather [hbm4b:s4+s31], $0x40, s14, s31, $0xb8;
	[tilespmem:$0x1C220] =	vst v63  }
0x63: {  	_ = 	snop  }
0x64: {  	[tilespmem:s29], [sflag:$0x2] =	stream.indirect.gather [hbm4b:s4+s31], $0x40, s31, s31, $0xb8;
	[tilespmem:$0x1C220] =	vst v63  }
0x65: {  	s17 =	simm.s32 $0x100  }
0x66: {  	[tilespmem:s0], [sflag:$0x3] =	stream.indirect.gather [hbm4b:s4+s31], $0x40, s17, s31, $0xb8;
	[tilespmem:$0x1C220] =	vst v63  }
0x67: {  	s18 =	simm.s32 $0x180  }
0x68: {  	[tilespmem:s3], [sflag:$0x4] =	stream.indirect.gather [hbm4b:s4+s31], $0x40, s18, s31, $0xb8;
	[tilespmem:$0x1C220] =	vst v63  }
0x69: {  	_ =	swait.ge [sflag:s5], $0x2000  }
0x6a: {  	[sflag:s5] =	ssyncset.done $0x0  }
0x6b: {  	[sflag:s5] =	ssyncadd.s32 $0xFFFFE000  }
0x6c: {  	[spmem:s2] =	stream.indirect.scatter.add.f32 [tilespmem:s1], [sflag:$0x7], $0x40, s15, s31, $0xb8;
	[tilespmem:$0x1C220] =	vst v63  }
0x6d: {  	s26 =	simm.s32 $0x200  }
0x6e: {  	[tilespmem:s6], [sflag:$0x5] =	stream.indirect.gather [hbm4b:s4+s31], $0x40, s26, s31, $0xb8;
	[tilespmem:$0x1C220] =	vst v63  }
0x6f: {  	_ =	swait.ge [sflag:s8], $0x2000  }
0x70: {  	[sflag:s8] =	ssyncset.done $0x0  }
0x71: {  	s28 =	simm.s32 $0x2790;
	[sflag:s8] =	ssyncadd.s32 $0xFFFFE000  }
0x72: {  	[spmem:s2] =	stream.indirect.scatter.add.f32 [tilespmem:s29], [sflag:$0x8], $0x40, s28, s31, $0xb8;
	[tilespmem:$0x1C220] =	vst v63  }
0x73: {  	s30 =	simm.s32 $0x280  }
0x74: {  	[tilespmem:s9], [sflag:$0x6] =	stream.indirect.gather [hbm4b:s4+s31], $0x40, s30, s31, $0xb8;
	[tilespmem:$0x1C220] =	vst v63  }
0x75: {  	_ =	swait.ge [sflag:s10], $0x2000  }
0x76: {  	[sflag:s10] =	ssyncset.done $0x0  }
0x77: {  	s11 =	simm.s32 $0x2810;
	[sflag:s10] =	ssyncadd.s32 $0xFFFFE000  }
0x78: {  	[spmem:s2] =	stream.indirect.scatter.add.f32 [tilespmem:s0], [sflag:$0x9], $0x40, s11, s31, $0xb8;
	[tilespmem:$0x1C220] =	vst v63  }
0x79: {  	_ =	swait.ge [sflag:s21], $0x2000  }
0x7a: {  	[sflag:s21] =	ssyncset.done $0x0  }
0x7b: {  	s14 =	simm.s32 $0x300;
	s15 =	simm.s32 $0x4;
	[sflag:s21] =	ssyncadd.s32 $0xFFFFE000  }
0x7c: {  	[tilespmem:s1], [sflag:$0x1] =	stream.indirect.gather [hbm4b:s4+s31], $0x40, s14, s31, $0xb8;
	[tilespmem:$0x1C220] =	vst v63  }
0x7d: {  	_ =	swait.ge [sflag:s15], $0x2000  }
0x7e: {  	[sflag:s15] =	ssyncset.done $0x0  }
0x7f: {  	s17 =	simm.s32 $0x2890;
	[sflag:s15] =	ssyncadd.s32 $0xFFFFE000  }
0x80: {  	[spmem:s2] =	stream.indirect.scatter.add.f32 [tilespmem:s3], [sflag:$0xA], $0x40, s17, s31, $0xb8;
	[tilespmem:$0x1C220] =	vst v63  }
0x81: {  	_ =	swait.ge [sflag:s22], $0x2000  }
0x82: {  	[sflag:s22] =	ssyncset.done $0x0  }
0x83: {  	s18 =	simm.s32 $0x380;
	[sflag:s22] =	ssyncadd.s32 $0xFFFFE000  }
0x84: {  	[tilespmem:s29], [sflag:$0x2] =	stream.indirect.gather [hbm4b:s4+s31], $0x40, s18, s31, $0xb8;
	[tilespmem:$0x1C220] =	vst v63  }
0x85: {  	_ =	swait.ge [sflag:s12], $0x2000  }
0x86: {  	[sflag:s12] =	ssyncset.done $0x0  }
0x87: {  	s26 =	simm.s32 $0x2910;
	[sflag:s12] =	ssyncadd.s32 $0xFFFFE000  }
0x88: {  	[spmem:s2] =	stream.indirect.scatter.add.f32 [tilespmem:s6], [sflag:$0xB], $0x40, s26, s31, $0xb8;
	[tilespmem:$0x1C220] =	vst v63  }
0x89: {  	_ =	swait.ge [sflag:s23], $0x2000  }
0x8a: {  	[sflag:s23] =	ssyncset.done $0x0  }
0x8b: {  	s28 =	simm.s32 $0x400;
	[sflag:s23] =	ssyncadd.s32 $0xFFFFE000  }
0x8c: {  	[tilespmem:s0], [sflag:$0x3] =	stream.indirect.gather [hbm4b:s4+s31], $0x40, s28, s31, $0xb8;
	[tilespmem:$0x1C220] =	vst v63  }
0x8d: {  	_ =	swait.ge [sflag:s13], $0x2000  }
0x8e: {  	[sflag:s13] =	ssyncset.done $0x0  }
0x8f: {  	s30 =	simm.s32 $0x2990;
	[sflag:s13] =	ssyncadd.s32 $0xFFFFE000  }
0x90: {  	[spmem:s2] =	stream.indirect.scatter.add.f32 [tilespmem:s9], [sflag:$0xC], $0x40, s30, s31, $0xb8;
	[tilespmem:$0x1C220] =	vst v63  }
0x91: {  	_ =	swait.ge [sflag:s24], $0x2000  }
0x92: {  	[sflag:s24] =	ssyncset.done $0x0  }
0x93: {  	s11 =	simm.s32 $0x480;
	[sflag:s24] =	ssyncadd.s32 $0xFFFFE000  }
0x94: {  	[tilespmem:s3], [sflag:$0x4] =	stream.indirect.gather [hbm4b:s4+s31], $0x40, s11, s31, $0xb8;
	[tilespmem:$0x1C220] =	vst v63  }
0x95: {  	_ =	swait.ge [sflag:s5], $0x2000  }
0x96: {  	[sflag:s5] =	ssyncset.done $0x0  }
0x97: {  	s14 =	simm.s32 $0x2A10;
	[sflag:s5] =	ssyncadd.s32 $0xFFFFE000  }
0x98: {  	[spmem:s2] =	stream.indirect.scatter.add.f32 [tilespmem:s1], [sflag:$0x7], $0x40, s14, s31, $0xb8;
	[tilespmem:$0x1C220] =	vst v63  }
0x99: {  	_ =	swait.ge [sflag:s25], $0x2000  }
0x9a: {  	[sflag:s25] =	ssyncset.done $0x0  }
0x9b: {  	s15 =	simm.s32 $0x500;
	[sflag:s25] =	ssyncadd.s32 $0xFFFFE000  }
0x9c: {  	[tilespmem:s6], [sflag:$0x5] =	stream.indirect.gather [hbm4b:s4+s31], $0x40, s15, s31, $0xb8;
	[tilespmem:$0x1C220] =	vst v63  }
0x9d: {  	_ =	swait.ge [sflag:s8], $0x2000  }
0x9e: {  	[sflag:s8] =	ssyncset.done $0x0  }
0x9f: {  	s18 =	simm.s32 $0x2A90;
	[sflag:s8] =	ssyncadd.s32 $0xFFFFE000  }
0xa0: {  	[spmem:s2] =	stream.indirect.scatter.add.f32 [tilespmem:s29], [sflag:$0x8], $0x40, s18, s31, $0xb8;
	[tilespmem:$0x1C220] =	vst v63  }
0xa1: {  	_ =	swait.ge [sflag:s19], $0x2000  }
0xa2: {  	[sflag:s19] =	ssyncset.done $0x0  }
0xa3: {  	s26 =	simm.s32 $0x580;
	[sflag:s19] =	ssyncadd.s32 $0xFFFFE000  }
0xa4: {  	[tilespmem:s9], [sflag:$0x6] =	stream.indirect.gather [hbm4b:s4+s31], $0x40, s26, s31, $0xb8;
	[tilespmem:$0x1C220] =	vst v63  }
0xa5: {  	_ =	swait.ge [sflag:s10], $0x2000  }
0xa6: {  	[sflag:s10] =	ssyncset.done $0x0  }
0xa7: {  	s28 =	simm.s32 $0x2B10;
	[sflag:s10] =	ssyncadd.s32 $0xFFFFE000  }
0xa8: {  	[spmem:s2] =	stream.indirect.scatter.add.f32 [tilespmem:s0], [sflag:$0x9], $0x40, s28, s31, $0xb8;
	[tilespmem:$0x1C220] =	vst v63  }
0xa9: {  	_ =	swait.ge [sflag:s21], $0x2000  }
0xaa: {  	p0 =	por $0x0, $0x0;
	[sflag:s21] =	ssyncset.done $0x0  }
0xab: {  	s17 =	simm.s32 @p0 $0x4;
	[sflag:s21] =	ssyncadd.s32 $0xFFFFE000  }
0xac: {  	_ =	swait.ge @p0 [sflag:s17], $0x2000  }
0xad: {  	s30 =	simm.s32 @p0 $0xAE20;
	[sflag:s17] =	ssyncset.done @p0 $0x0  }
0xae: {  	s18 =	simm.s32 @p0 $0x2B90;
	[sflag:s17] =	ssyncadd.s32 @p0 $0xFFFFE000;
	s17 =	simm.s32 @p0 $0x80  }
0xaf: {  	[spmem:s2] =	stream.indirect.scatter.add.f32 @p0 [tilespmem:s30], [sflag:$0xA], $0x40, s18, s17, $0xb8;
	[tilespmem:$0x1C220] =	vst v63  }
0xb0: {  	s17 =	simm.s32 @p0 $0x8  }
0xb1: {  	_ =	swait.ge @p0 [sflag:s17], $0x2000  }
0xb2: {  	s18 =	simm.s32 @!p0 $0x600;
	[sflag:s17] =	ssyncset.done @p0 $0x0  }
0xb3: {  	s30 =	simm.s32 @!p0 $0x4E20;
	[sflag:s17] =	ssyncadd.s32 @p0 $0xFFFFE000;
	s17 =	simm.s32 @!p0 $0x80  }
0xb4: {  	[tilespmem:s30], [sflag:$0x1] =	stream.indirect.gather @!p0 [hbm4b:s4+s17], $0x40, s18, s17, $0xb8;
	[tilespmem:$0x1C220] =	vst v63  }
0xb5: {  	s18 =	simm.s32 @!p0 $0x4  }
0xb6: {  	_ =	swait.ge @!p0 [sflag:s18], $0x2000  }
0xb7: {  	[sflag:s18] =	ssyncset.done @!p0 $0x0  }
0xb8: {  	s30 =	simm.s32 @!p0 $0x2B90;
	[sflag:s18] =	ssyncadd.s32 @!p0 $0xFFFFE000;
	s18 =	simm.s32 @!p0 $0xAE20  }
0xb9: {  	[spmem:s2] =	stream.indirect.scatter.add.f32 @!p0 [tilespmem:s18], [sflag:$0xA], $0x40, s30, s17, $0xb8;
	[tilespmem:$0x1C220] =	vst v63  }
0xba: {  	s18 =	simm.s32 @!p0 $0x8  }
0xbb: {  	_ =	swait.ge @!p0 [sflag:s18], $0x2000  }
0xbc: {  	[sflag:s18] =	ssyncset.done @!p0 $0x0  }
0xbd: {  	s30 =	simm.s32 @!p0 $0x680;
	[sflag:s18] =	ssyncadd.s32 @!p0 $0xFFFFE000;
	s18 =	simm.s32 @!p0 $0x6E20  }
0xbe: {  	[tilespmem:s18], [sflag:$0x2] =	stream.indirect.gather @!p0 [hbm4b:s4+s17], $0x40, s30, s17, $0xb8;
	[tilespmem:$0x1C220] =	vst v63  }
0xbf: {  	_ =	swait.ge [sflag:s12], $0x2000  }
0xc0: {  	[sflag:s12] =	ssyncset.done $0x0  }
0xc1: {  	s30 =	simm.s32 $0x2C10;
	[sflag:s12] =	ssyncadd.s32 $0xFFFFE000  }
0xc2: {  	[spmem:s2] =	stream.indirect.scatter.add.f32 [tilespmem:s6], [sflag:$0xB], $0x40, s30, s31, $0xb8;
	[tilespmem:$0x1C220] =	vst v63  }
0xc3: {  	_ =	swait.ge [sflag:s23], $0x2000  }
0xc4: {  	[sflag:s23] =	ssyncset.done $0x0  }
0xc5: {  	s18 =	simm.s32 @!p0 $0x700;
	s30 =	simm.s32 @!p0 $0x8E20;
	[sflag:s23] =	ssyncadd.s32 $0xFFFFE000  }
0xc6: {  	[tilespmem:s30], [sflag:$0x3] =	stream.indirect.gather @!p0 [hbm4b:s4+s17], $0x40, s18, s17, $0xb8;
	[tilespmem:$0x1C220] =	vst v63  }
0xc7: {  	_ =	swait.ge [sflag:s13], $0x2000  }
0xc8: {  	[sflag:s13] =	ssyncset.done $0x0  }
0xc9: {  	s17 =	simm.s32 $0xC00;
	s18 =	simm.s32 $0x2C90;
	[sflag:s13] =	ssyncadd.s32 $0xFFFFE000  }
.LBB2_4:
0xca: {  	[spmem:s2] =	stream.indirect.scatter.add.f32 [tilespmem:s9], [sflag:$0xC], $0x40, s18, s31, $0xb8;
	[tilespmem:$0x1C220] =	vst v63  }
0xcb: {  	s30 =	smov.u32 s17;
	s17 =	sadd.s32 $0xC00, s17;
	_ =	swait.ge [sflag:s24], $0x2000  }
0xcc: {  	s18 =	sshra.s32 s30, $0x2;
	p0 =	sne.s32 s17, $0x9000;
	[sflag:s24] =	ssyncset.done $0x0  }
0xcd: {  	s11 =	sadd.s32 $0x480, s18;
	[sflag:s24] =	ssyncadd.s32 $0xFFFFE000  }
0xce: {  	[tilespmem:s3], [sflag:$0x4] =	stream.indirect.gather [hbm4b:s4+s31], $0x40, s11, s31, $0xb8;
	[tilespmem:$0x1C220] =	vst v63  }
0xcf: {  	_ =	swait.ge [sflag:s5], $0x2000  }
0xd0: {  	[sflag:s5] =	ssyncset.done $0x0  }
0xd1: {  	s11 =	sadd.s32 $0x2A10, s18;
	[sflag:s5] =	ssyncadd.s32 $0xFFFFE000  }
0xd2: {  	[spmem:s2] =	stream.indirect.scatter.add.f32 [tilespmem:s1], [sflag:$0x7], $0x40, s11, s31, $0xb8;
	[tilespmem:$0x1C220] =	vst v63  }
0xd3: {  	_ =	swait.ge [sflag:s25], $0x2000  }
0xd4: {  	[sflag:s25] =	ssyncset.done $0x0  }
0xd5: {  	s11 =	sadd.s32 $0x500, s18;
	[sflag:s25] =	ssyncadd.s32 $0xFFFFE000  }
0xd6: {  	[tilespmem:s6], [sflag:$0x5] =	stream.indirect.gather [hbm4b:s4+s31], $0x40, s11, s31, $0xb8;
	[tilespmem:$0x1C220] =	vst v63  }
0xd7: {  	_ =	swait.ge [sflag:s8], $0x2000  }
0xd8: {  	[sflag:s8] =	ssyncset.done $0x0  }
0xd9: {  	s11 =	sadd.s32 $0x2A90, s18;
	[sflag:s8] =	ssyncadd.s32 $0xFFFFE000  }
0xda: {  	[spmem:s2] =	stream.indirect.scatter.add.f32 [tilespmem:s29], [sflag:$0x8], $0x40, s11, s31, $0xb8;
	[tilespmem:$0x1C220] =	vst v63  }
0xdb: {  	_ =	swait.ge [sflag:s19], $0x2000  }
0xdc: {  	[sflag:s19] =	ssyncset.done $0x0  }
0xdd: {  	s11 =	sadd.s32 $0x580, s18;
	[sflag:s19] =	ssyncadd.s32 $0xFFFFE000  }
0xde: {  	[tilespmem:s9], [sflag:$0x6] =	stream.indirect.gather [hbm4b:s4+s31], $0x40, s11, s31, $0xb8;
	[tilespmem:$0x1C220] =	vst v63  }
0xdf: {  	_ =	swait.ge [sflag:s10], $0x2000  }
0xe0: {  	[sflag:s10] =	ssyncset.done $0x0  }
0xe1: {  	s11 =	sadd.s32 $0x2B10, s18;
	[sflag:s10] =	ssyncadd.s32 $0xFFFFE000  }
0xe2: {  	[spmem:s2] =	stream.indirect.scatter.add.f32 [tilespmem:s0], [sflag:$0x9], $0x40, s11, s31, $0xb8;
	[tilespmem:$0x1C220] =	vst v63  }
0xe3: {  	_ =	swait.ge [sflag:s21], $0x2000  }
0xe4: {  	p1 =	seq.s32 s30, $0x8400;
	[sflag:s21] =	ssyncset.done $0x0  }
0xe5: {  	s14 =	sshra.s32 @p1 s30, $0x2;
	s11 =	simm.s32 @p1 $0x4;
	[sflag:s21] =	ssyncadd.s32 $0xFFFFE000  }
0xe6: {  	s30 =	sshra.s32 @!p1 s30, $0x2;
	s14 =	sadd.s32 @p1 $0x2B90, s14;
	_ =	swait.ge @p1 [sflag:s11], $0x2000  }
0xe7: {  	s15 =	simm.s32 @p1 $0x8;
	s7 =	sadd.s32 @!p1 $0x600, s30;
	[sflag:s11] =	ssyncset.done @p1 $0x0  }
0xe8: {  	s26 =	simm.s32 @p1 $0xAE20;
	[sflag:s11] =	ssyncadd.s32 @p1 $0xFFFFE000;
	s11 =	simm.s32 @p1 $0x80  }
0xe9: {  	[spmem:s2] =	stream.indirect.scatter.add.f32 @p1 [tilespmem:s26], [sflag:$0xA], $0x40, s14, s11, $0xb8;
	[tilespmem:$0x1C220] =	vst v63  }
0xea: {  	s11 =	sadd.s32 @!p1 $0x2B90, s30;
	s14 =	sadd.s32 @!p1 $0x680, s30;
	_ =	swait.ge @p1 [sflag:s15], $0x2000  }
0xeb: {  	s26 =	simm.s32 @!p1 $0x4;
	s30 =	sadd.s32 @!p1 $0x700, s30;
	[sflag:s15] =	ssyncset.done @p1 $0x0  }
0xec: {  	s28 =	simm.s32 @!p1 $0x4E20;
	[sflag:s15] =	ssyncadd.s32 @p1 $0xFFFFE000;
	s15 =	simm.s32 @!p1 $0x80  }
0xed: {  	[tilespmem:s28], [sflag:$0x1] =	stream.indirect.gather @!p1 [hbm4b:s4+s15], $0x40, s7, s15, $0xb8;
	[tilespmem:$0x1C220] =	vst v63  }
0xee: {  	_ =	swait.ge @!p1 [sflag:s26], $0x2000  }
0xef: {  	[sflag:s26] =	ssyncset.done @!p1 $0x0  }
0xf0: {  	s7 =	simm.s32 @!p1 $0xAE20;
	[sflag:s26] =	ssyncadd.s32 @!p1 $0xFFFFE000;
	s26 =	simm.s32 @!p1 $0x8  }
0xf1: {  	[spmem:s2] =	stream.indirect.scatter.add.f32 @!p1 [tilespmem:s7], [sflag:$0xA], $0x40, s11, s15, $0xb8;
	[tilespmem:$0x1C220] =	vst v63  }
0xf2: {  	_ =	swait.ge @!p1 [sflag:s26], $0x2000  }
0xf3: {  	[sflag:s26] =	ssyncset.done @!p1 $0x0  }
0xf4: {  	s7 =	simm.s32 @!p1 $0x6E20;
	[sflag:s26] =	ssyncadd.s32 @!p1 $0xFFFFE000  }
0xf5: {  	[tilespmem:s7], [sflag:$0x2] =	stream.indirect.gather @!p1 [hbm4b:s4+s15], $0x40, s14, s15, $0xb8;
	[tilespmem:$0x1C220] =	vst v63  }
0xf6: {  	_ =	swait.ge [sflag:s12], $0x2000  }
0xf7: {  	[sflag:s12] =	ssyncset.done $0x0  }
0xf8: {  	s7 =	sadd.s32 $0x2C10, s18;
	[sflag:s12] =	ssyncadd.s32 $0xFFFFE000  }
0xf9: {  	[spmem:s2] =	stream.indirect.scatter.add.f32 [tilespmem:s6], [sflag:$0xB], $0x40, s7, s31, $0xb8;
	[tilespmem:$0x1C220] =	vst v63  }
0xfa: {  	_ =	swait.ge [sflag:s23], $0x2000  }
0xfb: {  	[sflag:s23] =	ssyncset.done $0x0  }
.Ltmp1:
0xfc: {  	s7 =	simm.s32 @!p1 $0x8E20;
	[sflag:s23] =	ssyncadd.s32 $0xFFFFE000;
	(pc) =	sbr.rel @p0 .LBB2_4-.Ltmp1, $4  }
0xfd: {  	[tilespmem:s7], [sflag:$0x3] =	stream.indirect.gather @!p1 [hbm4b:s4+s15], $0x40, s30, s15, $0xb8;
	[tilespmem:$0x1C220] =	vst v63  }
0xfe: {  	_ =	swait.ge [sflag:s13], $0x2000  }
0xff: {  	[sflag:s13] =	ssyncset.done $0x0  }
0x100: {  	s18 =	sadd.s32 $0x2C90, s18;
	[sflag:s13] =	ssyncadd.s32 $0xFFFFE000  }
0x101: {  	[spmem:s2] =	stream.indirect.scatter.add.f32 [tilespmem:s9], [sflag:$0xC], $0x40, s18, s31, $0xb8;
	[tilespmem:$0x1C220] =	vst v63  }
0x102: {  	s7 =	simm.s32 $0xD  }
0x103: {  	_ =	swait.ge [sflag:s7], $0x400  }
0x104: {  	s26 =	simm.s32 $0x10;
	[sflag:s7] =	ssyncset.done $0x0  }
0x105: {  	s28 =	simm.s32 $0x10E20;
	s15 =	simm.s32 $0x4E10;
	[sflag:s7] =	ssyncadd.s32 $0xFFFFFC00  }
0x106: {  	[spmem:s2] =	stream.indirect.scatter.add.f32 [tilespmem:s28], [sflag:$0xE], $0x40, s15, s26, $0xb8;
	[tilespmem:$0x1C220] =	vst v63  }
0x107: {  	_ =	swait.ge [sflag:s24], $0x2000  }
0x108: {  	[sflag:s24] =	ssyncset.done $0x0  }
0x109: {  	[sflag:s24] =	ssyncadd.s32 $0xFFFFE000  }
0x10a: {  	_ =	swait.ge [sflag:s25], $0x2000  }
0x10b: {  	[sflag:s25] =	ssyncset.done $0x0  }
0x10c: {  	[sflag:s25] =	ssyncadd.s32 $0xFFFFE000  }
0x10d: {  	_ =	swait.ge [sflag:s19], $0x2000  }
0x10e: {  	[sflag:s19] =	ssyncset.done $0x0  }
0x10f: {  	s17 =	simm.s32 $0xE;
	[sflag:s19] =	ssyncadd.s32 $0xFFFFE000  }
0x110: {  	_ =	swait.ge [sflag:s17], $0x400  }
0x111: {  	[sflag:s17] =	ssyncset.done $0x0  }
0x112: {  	[sflag:s17] =	ssyncadd.s32 $0xFFFFFC00  }
0x113: {  	s18 =	stileid.u32;
	[bflag:$0x0] =	sbarrier.arrive $0xFFFF  }
0x114: {  	s7 =	sshll.u32 s18, $0x6;
	s14 =	rddreg [dreg:$0x5]  }
0x115: {  	s7 =	sor.u32 $0x1C10, s7;
	s15 =	rddreg [dreg:$0x10];
	s11 =	sshrl.u32 s14, $0x3  }
0x116: {  	[hbm:s15@s26], [sflag:s7] =	dma.strided [spmem:s11@s22], $0x1400, s5, $0x8   }
0x117: {  	_ =	swait.ge [sflag:s26], $0x1400  }
0x118: {  	s16 =	sadd.s32 $0x1, s16;
	s30 =	rddreg [dreg:$0x6]  }
0x119: {  	p0 =	sne.s32 s16, s30  }
.Ltmp2:
0x11a: {  	_ = 	snop;
	(pc) =	sbr.rel @p0 .LBB2_1-.Ltmp2, $3  }
0x11b: {  	_ =	sdelay $0x1  }
0x11c: {  	[sflag:s26] =	ssyncset.done $0x0  }
0x11d: {  	s15 =	simm.s32 $0x2710;
	[sflag:s26] =	ssyncadd.s32 $0xFFFFEC00  }
0x11e: {  	_ =	sfence.sel $0x180000  }
0x11f: {  	[bflag:$0x0] =	sbarrier.arrive $0xFFFF  }
0x120: {  	_ =	strace $0x9000004D  }
0x121: {  	s0 =	stileid.u32;
	[bflag:$0x2] =	sbarrier.arrive $0xFFFF  }
0x122: {  	p0 =	sne.s32 s0, $0x0;
	s0 =	rddreg [dreg:$0x2]  }
0x123: {  	s0 =	sadd.s32 @!p0 $0x100000, s0  }
0x124: {  	[sflag:s0] =	ssyncadd.tile.s32 @!p0 $0x1;
	_ =	shalt  }
.Lfunc_end2:
_tile_overlayer_lowered:
.L_overlay_start_2:
0x125: {  	(tag) =	ssettag $0x2  }
0x126: {  	s0 =	rddreg [dreg:$0x0];
	s2 =	stileid.u32  }
0x127: {  	s1 =	rddreg [dreg:$0x1];
	p0 =	sne.s32 s2, $0x0  }
0x128: {  	s3 =	rddreg [dreg:$0x2];
	[bflag:$0x3] =	sbarrier.arrive $0xFFFF;
	s2 =	simm.s32 @!p0 $0x1C10  }
0x129: {  	[timem:s3], [sflag:s2] =	dma.local @!p0 [hbm:s0], s1  }
0x12a: {  	s0 =	simm.s32 @!p0 $0x10  }
0x12b: {  	_ =	swait.ge @!p0 [sflag:s0], s1  }
0x12c: {  	s1 =	ssub.s32 @!p0 $0x0, s1;
	[sflag:s0] =	ssyncset.done @!p0 $0x0  }
0x12d: {  	[sflag:s0] =	ssyncadd.s32 @!p0 s1  }
0x12e: {  	[bflag:$0x3] =	sbarrier.arrive $0xFFFF  }
0x12f: {  	_ =	shalt  }

// kernel: kernel.8.cloned.1.call-start
scs
__scs_entry_jumppad:
0x0: {  	(pc) =	sbr.rel $0x88, $3  }
0x1: {  	(tag) =	ssettag $0x0;
	lr =	simm.s32 $0x1  }
0x2: {  	[smem:$0x3F9B] =	sst lr;
	_ =	strace $0xD0000000  }
0x3: {  	_ = 	snop  }
0x4: {  	_ = 	snop  }
0x5: {  	_ = 	snop  }
0x6: {  	_ = 	snop  }
0x7: {  	_ = 	snop  }
__scs_overlays_trampoline_lowered:
0x8: {  	[smem:$0x3FAA] =	sst s0  }
0x9: {  	[smem:$0x3FAB] =	sst s1  }
0xa: {  	[smem:$0x3FAC] =	sst s2  }
0xb: {  	[smem:$0x3FAD] =	sst s3  }
0xc: {  	[smem:$0x3FAE] =	sst s4  }
0xd: {  	[smem:$0x3FAF] =	sst s5  }
0xe: {  	[smem:$0x3FB0] =	sst s6  }
0xf: {  	[smem:$0x3FB1] =	sst s7  }
0x10: {  	[smem:$0x3FB2] =	sst s8  }
0x11: {  	[smem:$0x3FB3] =	sst s9;
	s0 =	simm.s32 @!p0 $0x0  }
0x12: {  	s1 =	sld [smem:$0x3F99];
	s0 =	simm.s32 @p0 $0x1  }
0x13: {  	[smem:$0x3FB4] =	sst s0;
	s0 =	simm.s32 @!p1 $0x0  }
0x14: {  	s2 =	sld [smem:$0x3F98];
	s0 =	simm.s32 @p1 $0x1  }
0x15: {  	[smem:$0x3FB5] =	sst s0;
	s0 =	simm.s32 @!p2 $0x0  }
0x16: {  	s3 =	sld [smem:$0x3FDB];
	s0 =	simm.s32 @p2 $0x1  }
0x17: {  	s4 =	simm.s32 $0x1BF5;
	[smem:$0x3FB7] =	sst s0  }
0x18: {  	s0 =	sld [smem:$0x3F9A];
	_ =	swait.ge [sflag:s4], $0x0  }
0x19: {  	s7 =	sld [smem:$0x3F9B]  }
0x1a: {  	s8 =	sadd.s32 $0xFFFFE003, lr  }
0x1b: {  	s9 =	sadd.s32 $0xFFFFFEF7, lr;
	s5 =	simm.s32 $0xFFFFFFFF;
	p2 =	slt.u32 s8, $0xFFFFF086  }
0x1c: {  	p1 =	slt.u32 s9, $0xF7A;
	s5 =	simm.s32 @!p2 $0x0  }
0x1d: {  	s5 =	simm.s32 @p1 $0x1;
	p0 =	seq.s32 s7, s2  }
0x1e: {  	s7 =	smul.u32 @!p0 $0xF7A, s2;
	p2 =	seq.s32 @!p0 s5, $0x0  }
0x1f: {  	s9 =	smul.u32 $0xF7A, s1;
	s8 =	simm.s32 @!p0 $0x1BF5;
	p2 =	por !p2, p0  }
0x20: {  	[sflag:s8] =	ssyncset.s32 @!p0 $0xFFFFF086;
	s6 =	sadd.s32 @!p0 s3, s7;
	s7 =	simm.s32 @!p0 $0x108  }
0x21: {  	s3 =	sadd.s32 s3, s9;
	s6 =	sadd.s32 @!p0 $0x88, s6;
	s7 =	simm.s32 @p2 $0x1082  }
0x22: {  	[simem:s7], [sflag:s8] =	dma.local @!p0 [hbm:s6], $0xF7A  }
0x23: {  	s9 =	sor.u32 $0xD0000000, s2;
	s6 =	simm.s32 $0x108;
	_ =	swait.ge @!p0 [sflag:s8], $0x0  }
0x24: {  	s3 =	sadd.s32 $0x88, s3;
	s6 =	simm.s32 @!p1 $0x1082;
	[sflag:s4] =	ssyncset.s32 $0xFFFFF086  }
0x25: {  	[simem:s6], [sflag:s4] =	dma.local [hbm:s3], $0xF7A  }
0x26: {  	[smem:$0x3F9B] =	sst s1;
	(tag) =	ssettag s2;
	_ =	strace s9  }
0x27: {  	s1 =	sld [smem:$0x3FAB]  }
0x28: {  	s2 =	sld [smem:$0x3FAC]  }
0x29: {  	s4 =	sld [smem:$0x3FAE]  }
0x2a: {  	p0 =	seq.s32 s5, $0x0;
	s5 =	sld [smem:$0x3FAF]  }
0x2b: {  	s6 =	sld [smem:$0x3FB0]  }
0x2c: {  	s7 =	sld [smem:$0x3FB1]  }
0x2d: {  	s3 =	simm.s32 $0x108;
	s8 =	sld [smem:$0x3FB2]  }
0x2e: {  	s3 =	simm.s32 @!p0 $0x1082;
	s9 =	sld [smem:$0x3FB3]  }
0x2f: {  	lr =	sadd.s32 s0, s3;
	s0 =	sld [smem:$0x3FAA]  }
0x30: {  	s3 =	sld [smem:$0x3FAD]  }
0x31: {  	[smem:$0x3FB6] =	sst s10  }
0x32: {  	s10 =	sld [smem:$0x3FB4];
	_ =	sdelay $0x3  }
0x33: {  	p0 =	seq.s32 s10, $0x1;
	s10 =	sld [smem:$0x3FB6];
	_ =	sdelay $0x3  }
0x34: {  	[smem:$0x3FB6] =	sst s10  }
0x35: {  	s10 =	sld [smem:$0x3FB5];
	_ =	sdelay $0x3  }
0x36: {  	p1 =	seq.s32 s10, $0x1;
	s10 =	sld [smem:$0x3FB6];
	_ =	sdelay $0x3  }
0x37: {  	[smem:$0x3FB6] =	sst s10  }
0x38: {  	s10 =	sld [smem:$0x3FB7]  }
0x39: {  	_ = 	snop;
	(pc) =	sbr.ind lr, $3  }
0x3a: {  	_ = 	snop  }
0x3b: {  	_ = 	snop  }
0x3c: {  	p2 =	seq.s32 s10, $0x1;
	s10 =	sld [smem:$0x3FB6]  }
0x3d: {  	_ =	shalt  }
0x3e: {  	_ =	shalt  }
0x3f: {  	_ =	shalt  }
0x40: {  	_ =	shalt  }
0x41: {  	_ =	shalt  }
0x42: {  	_ =	shalt  }
0x43: {  	_ =	shalt  }
0x44: {  	_ =	shalt  }
0x45: {  	_ =	shalt  }
0x46: {  	_ =	shalt  }
0x47: {  	_ =	shalt  }
0x48: {  	_ =	shalt  }
0x49: {  	_ =	shalt  }
0x4a: {  	_ =	shalt  }
0x4b: {  	_ =	shalt  }
0x4c: {  	_ =	shalt  }
0x4d: {  	_ =	shalt  }
0x4e: {  	_ =	shalt  }
0x4f: {  	_ =	shalt  }
0x50: {  	_ =	shalt  }
0x51: {  	_ =	shalt  }
0x52: {  	_ =	shalt  }
0x53: {  	_ =	shalt  }
0x54: {  	_ =	shalt  }
0x55: {  	_ =	shalt  }
0x56: {  	_ =	shalt  }
0x57: {  	_ =	shalt  }
0x58: {  	_ =	shalt  }
0x59: {  	_ =	shalt  }
0x5a: {  	_ =	shalt  }
0x5b: {  	_ =	shalt  }
0x5c: {  	_ =	shalt  }
0x5d: {  	_ =	shalt  }
0x5e: {  	_ =	shalt  }
0x5f: {  	_ =	shalt  }
0x60: {  	_ =	shalt  }
0x61: {  	_ =	shalt  }
0x62: {  	_ =	shalt  }
0x63: {  	_ =	shalt  }
0x64: {  	_ =	shalt  }
0x65: {  	_ =	shalt  }
0x66: {  	_ =	shalt  }
0x67: {  	_ =	shalt  }
0x68: {  	_ =	shalt  }
0x69: {  	_ =	shalt  }
0x6a: {  	_ =	shalt  }
0x6b: {  	_ =	shalt  }
0x6c: {  	_ =	shalt  }
0x6d: {  	_ =	shalt  }
0x6e: {  	_ =	shalt  }
0x6f: {  	_ =	shalt  }
0x70: {  	_ =	shalt  }
0x71: {  	_ =	shalt  }
0x72: {  	_ =	shalt  }
0x73: {  	_ =	shalt  }
0x74: {  	_ =	shalt  }
0x75: {  	_ =	shalt  }
0x76: {  	_ =	shalt  }
0x77: {  	_ =	shalt  }
0x78: {  	_ =	shalt  }
0x79: {  	_ =	shalt  }
0x7a: {  	_ =	shalt  }
0x7b: {  	_ =	shalt  }
0x7c: {  	_ =	shalt  }
0x7d: {  	_ =	shalt  }
0x7e: {  	_ =	shalt  }
0x7f: {  	_ =	shalt  }
0x80: {  	_ =	shalt  }
0x81: {  	_ =	shalt  }
0x82: {  	_ =	shalt  }
0x83: {  	_ =	shalt  }
0x84: {  	_ =	shalt  }
0x85: {  	_ =	shalt  }
0x86: {  	_ =	shalt  }
0x87: {  	_ =	shalt  }
.Lfunc_end0:
.L_simem_size_0:
called_computation_lowered:
.L_overlay_start_0:
0x88: {  	s2 =	sld [smem:$0x3FD9]  }
0x89: {  	s3 =	sld [smem:$0x3FFE];
	_ =	sdelay $0x1  }
0x8a: {  	s1 =	srdreg.scid  }
0x8b: {  	s0 =	sand.u32 $0x1, s1  }
0x8c: {  	s16 =	sshll.u32 s0, $0xA;
	s2 =	sadd.s32 s3, s2  }
0x8d: {  	s2 =	sadd.s32 s2, s16  }
0x8e: {  	[smem:$0x3FC2] =	sst s2  }
0x8f: {  	_ = 	snop  }
0x90: {  	(tm) =	ssettm $0x1  }
0x91: {  	s17 =	sld [smem:$0x3FFB];
	_ =	sdelay $0x3  }
0x92: {  	_ =	strace s17  }
0x93: {  	s2 =	sld [smem:$0x3FFC];
	_ =	sdelay $0x3  }
0x94: {  	_ =	strace s2  }
0x95: {  	s2 =	sld [smem:$0x3FFD];
	_ =	sdelay $0x3  }
0x96: {  	_ =	strace s2  }
0x97: {  	_ =	strace $0x8FFFFFFF  }
0x98: {  	s18 =	sld [smem:$0x3FDB];
	_ =	sdelay $0x1  }
0x99: {  	s19 =	simm.s32 $_scs_section_size  }
0x9a: {  	s4 =	simm.s32 $_size__tile_overlayer_lowered;
	s5 =	simm.s32 $_tile_overlayer_lowered  }
0x9b: {  	s22 =	simm.s32 $0x1BFF;
	s21 =	sshll.u32 s5, $0x1;
	s2 =	sadd.s32 s19, s18  }
0x9c: {  	s6 =	simm.s32 $0x0;
	s20 =	sshll.u32 s4, $0x1;
	s4 =	sadd.s32 s21, s2  }
0x9d: {  	[timem:s6], [sflag:s22] =	dma.local [hbm:s4], s20  }
0x9e: {  	_ =	swait.ge [sflag:s22], s20  }
0x9f: {  	s3 =	ssub.s32 $0x0, s20;
	[sflag:s22] =	ssyncset.done $0x0  }
0xa0: {  	[sflag:s22] =	ssyncadd.s32 s3;
	_ =	sdelay $0x1  }
0xa1: {  	s23 =	simm.s32 $0x1B8B  }
0xa2: {  	_ =	swait.ge [sflag:s23], $0x1  }
0xa3: {  	[sflag:s23] =	ssyncset.done $0x0  }
0xa4: {  	s25 =	simm.s32 $0x1B8E;
	s24 =	sld [smem:$0x3FFE];
	[sflag:s23] =	ssyncadd.s32 $0xFFFFFFFF  }
0xa5: {  	s26 =	simm.s32 $execute0_lowered;
	[smem:$0x3FD2] =	sst s25  }
0xa6: {  	s4 =	sshll.u32 s26, $0x1;
	_ =	strace $0x80000046;
	[dreg:$0x1] =	wrdreg $0xFFFFFFFF  }
0xa7: {  	s28 =	simm.s32 $_size_execute0_lowered;
	s2 =	sadd.s32 s2, s4;
	[dreg:$0x0] =	wrdreg $0x0  }
0xa8: {  	s4 =	sshll.u32 s28, $0x1;
	[dreg:$0x2] =	wrdreg s2  }
0xa9: {  	[dreg:$0x3] =	wrdreg s4  }
0xaa: {  	[dreg:$0x4] =	wrdreg $0xC0  }
0xab: {  	_ =	task [dreg:s6], $0x5FFFF  }
0xac: {  	[dreg:$0x1] =	wrdreg $0xFFFFFFFF  }
0xad: {  	[dreg:$0x0] =	wrdreg $0x60  }
0xae: {  	[dreg:$0x2] =	wrdreg s24  }
0xaf: {  	[dreg:$0x3] =	wrdreg $0x33100  }
0xb0: {  	[dreg:$0x4] =	wrdreg $0x9  }
0xb1: {  	_ =	task.clear_ibuf [dreg:s6], $0x5FFFF;
	_ =	strace $0x90000046  }
0xb2: {  	s29 =	simm.s32 $0x9;
	_ =	strace $0x80000048  }
0xb3: {  	_ =	swait.ge [sflag:s29], $0x1  }
0xb4: {  	[sflag:s29] =	ssyncadd.s32 $0xFFFFFFFF  }
0xb5: {  	_ =	strace $0x90000048  }
0xb6: {  	_ =	sfence  }
0xb7: {  	s30 =	sld [smem:$0x0];
	_ =	sdelay $0x2  }
0xb8: {  	s31 =	sshll.u32 s1, $0xD;
	s1 =	sshrl.u32 s1, $0x2  }
0xb9: {  	s3 =	sand.u32 $0x4000, s31;
	s1 =	sadd.s32 s1, s30  }
0xba: {  	s0 =	sor.u32 s3, s0;
	s1 =	sshll.u32 s1, $0x11  }
0xbb: {  	s0 =	sor.u32 s1, s0  }
0xbc: {  	s0 =	sadd.s32 $0x8F2B, s0  }
0xbd: {  	[sflag:s0] =	ssyncadd.remote.s32 $0x1  }
0xbe: {  	_ =	sfence.sel $0xFFFF  }
0xbf: {  	[dreg:$0x0] =	wrdreg $0xFFFFFFFF;
	(pc) =	sbr.abs _section_cstart, $3  }
0xc0: {  	[dreg:$0x1] =	wrdreg $0xFFFFFFFF  }
0xc1: {  	_ =	task.clear_ibuf [dreg:s6], $0x2FFFF;
	_ =	strace $0x9FFFFFFF  }
0xc2: {  	(tm) =	ssettm $0x7FFFFFFF  }
0xc3: {  	_ =	shalt  }
tec
execute0_lowered:
.L_overlay_start_1:
0x0: {  	(tag) =	ssettag $0x1  }
0x1: {  	s0 =	srdreg.scid;
	s1 =	rddreg [dreg:$0x0]  }
0x2: {  	s2 =	rddreg [dreg:$0x1];
	s8 =	stileid.u32  }
0x3: {  	s3 =	simm.s32 $0x0;
	s17 =	simm.s32 $0x2F10;
	s18 =	simm.s32 $0x7  }
0x4: {  	s19 =	simm.s32 $0x1;
	s20 =	simm.s32 $0x10;
	s22 =	simm.s32 $0x2710  }
0x5: {  	s23 =	simm.s32 $0x80;
	s28 =	simm.s32 $0x4;
	s29 =	simm.s32 $0x5  }
0x6: {  	s30 =	simm.s32 $0x6;
	s21 =	simm.s32 $0x0;
	s4 =	sand.u32 $0x1, s0  }
0x7: {  	[smem:$0x7FF] =	sst s3;
	s0 =	sshll.u32 s0, $0x1;
	s6 =	smul.u32 $0xA000, s8  }
0x8: {  	s31 =	smul.u32 $0x2800, s8;
	s5 =	sshll.u32 s4, $0x4;
	_ =	strace $0x80000047  }
0x9: {  	s0 =	sand.u32 $0x2, s0;
	s4 =	ssub.s32 $0x2, s4;
	s5 =	sor.u32 s8, s5  }
0xa: {  	s0 =	sadd.s32 s0, s1;
	s7 =	sshrl.u32 s4, $0x1;
	s5 =	smul.u32 $0x2710, s5  }
0xb: {  	s25 =	sshrl.u32 s6, $0x2;
	s26 =	ssub.s32 s4, s7;
	s0 =	sadd.s32 s31, s0  }
0xc: {  	s6 =	smax.u32 s26, $0x1;
	s16 =	sadd.s32 $0x15E00, s0;
	s5 =	sshrl.u32 s5, $0x3  }
0xd: {  	s26 =	simm.s32 $0x3;
	s1 =	sadd.s32 s1, s5;
	s5 =	sadd.s32 s25, s2  }
0xe: {  	s0 =	simm.s32 $0x2680;
	s4 =	sadd.s32 $0xC040, s1;
	s7 =	sadd.s32 $0x400, s5  }
0xf: {  	s8 =	sadd.s32 $0x800, s5;
	s9 =	sadd.s32 $0xC00, s5;
	s10 =	sadd.s32 $0x1000, s5  }
0x10: {  	s11 =	sadd.s32 $0x1400, s5;
	s12 =	sadd.s32 $0x1800, s5;
	s13 =	sadd.s32 $0x1C00, s5  }
0x11: {  	v0 =	vimm.f32 $1.000000000e+00;
	v1 =	vimm.f32 $0.0e+00;
	s14 =	sadd.s32 $0x2000, s5;
	s15 =	sadd.s32 $0x2400, s5;
	s1 =	simm.s32 $0x2  }
.LBB2_1:
0x12: {  	[tilespmem:s3], [sflag:$0x1] =	stream.linear.gather [hbm4b:s4+s3], $0x2710, $0x38;
	[tilespmem:$0x5B10] =	vst v63  }
0x13: {  	s24 =	simm.s32 $0x0  }
.LBB2_2:
0x14: {  	p0 =	sne.s32 s24, $0x1FC0  }
.Ltmp0:
0x15: {  	_ = 	snop;
	(pc) =	sbr.rel @p0 .LBB2_2-.Ltmp0, $3  }
0x16: {  	_ =	sdelay $0x1  }
0x17: {  	s25 =	sshra.s32 s24, $0x2  }
0x18: {  	s24 =	sadd.s32 $0x40, s24;
	[tilespmem:s25+$0x2710] =	vst v0  }
0x19: {  	s24 =	simm.s32 $0x40;
	s25 =	simm.s32 $0x0  }
.LBB2_4:
0x1a: {  	p0 =	sne.s32 s24, $0xFC0;
	[tilespmem:s25+$0x2F10] =	vst v1;
	s25 =	smov.u32 s24;
	s24 =	sadd.s32 $0x40, s24  }
.Ltmp1:
0x1b: {  	(pc) =	sbr.rel @p0 .LBB2_4-.Ltmp1, $2  }
0x1c: {  	_ =	sdelay $0x2  }
0x1d: {  	s25 =	sshra.s32 s25, $0x2  }
0x1e: {  	[tilespmem:s25+$0x2F10] =	vst v1  }
0x1f: {  	[spmem:s5] =	stream.linear.scatter [tilespmem:s17], [sflag:$0x7], $0x400, $0x38;
	[tilespmem:$0x5B10] =	vst v63  }
0x20: {  	_ =	swait.ge [sflag:s18], $0x400  }
0x21: {  	[sflag:s18] =	ssyncset.done $0x0  }
0x22: {  	[sflag:s18] =	ssyncadd.s32 $0xFFFFFC00  }
0x23: {  	[spmem:s7] =	stream.linear.scatter [tilespmem:s17], [sflag:$0x7], $0x400, $0x38;
	[tilespmem:$0x5B10] =	vst v63  }
0x24: {  	_ =	swait.ge [sflag:s18], $0x400  }
0x25: {  	[sflag:s18] =	ssyncset.done $0x0  }
0x26: {  	[sflag:s18] =	ssyncadd.s32 $0xFFFFFC00  }
0x27: {  	[spmem:s8] =	stream.linear.scatter [tilespmem:s17], [sflag:$0x7], $0x400, $0x38;
	[tilespmem:$0x5B10] =	vst v63  }
0x28: {  	_ =	swait.ge [sflag:s18], $0x400  }
0x29: {  	[sflag:s18] =	ssyncset.done $0x0  }
0x2a: {  	[sflag:s18] =	ssyncadd.s32 $0xFFFFFC00  }
0x2b: {  	[spmem:s9] =	stream.linear.scatter [tilespmem:s17], [sflag:$0x7], $0x400, $0x38;
	[tilespmem:$0x5B10] =	vst v63  }
0x2c: {  	_ =	swait.ge [sflag:s18], $0x400  }
0x2d: {  	[sflag:s18] =	ssyncset.done $0x0  }
0x2e: {  	[sflag:s18] =	ssyncadd.s32 $0xFFFFFC00  }
0x2f: {  	[spmem:s10] =	stream.linear.scatter [tilespmem:s17], [sflag:$0x7], $0x400, $0x38;
	[tilespmem:$0x5B10] =	vst v63  }
0x30: {  	_ =	swait.ge [sflag:s18], $0x400  }
0x31: {  	[sflag:s18] =	ssyncset.done $0x0  }
0x32: {  	[sflag:s18] =	ssyncadd.s32 $0xFFFFFC00  }
0x33: {  	[spmem:s11] =	stream.linear.scatter [tilespmem:s17], [sflag:$0x7], $0x400, $0x38;
	[tilespmem:$0x5B10] =	vst v63  }
0x34: {  	_ =	swait.ge [sflag:s18], $0x400  }
0x35: {  	[sflag:s18] =	ssyncset.done $0x0  }
0x36: {  	[sflag:s18] =	ssyncadd.s32 $0xFFFFFC00  }
0x37: {  	[spmem:s12] =	stream.linear.scatter [tilespmem:s17], [sflag:$0x7], $0x400, $0x38;
	[tilespmem:$0x5B10] =	vst v63  }
0x38: {  	_ =	swait.ge [sflag:s18], $0x400  }
0x39: {  	[sflag:s18] =	ssyncset.done $0x0  }
0x3a: {  	[sflag:s18] =	ssyncadd.s32 $0xFFFFFC00  }
0x3b: {  	[spmem:s13] =	stream.linear.scatter [tilespmem:s17], [sflag:$0x7], $0x400, $0x38;
	[tilespmem:$0x5B10] =	vst v63  }
0x3c: {  	_ =	swait.ge [sflag:s18], $0x400  }
0x3d: {  	[sflag:s18] =	ssyncset.done $0x0  }
0x3e: {  	[sflag:s18] =	ssyncadd.s32 $0xFFFFFC00  }
0x3f: {  	[spmem:s14] =	stream.linear.scatter [tilespmem:s17], [sflag:$0x7], $0x400, $0x38;
	[tilespmem:$0x5B10] =	vst v63  }
0x40: {  	_ =	swait.ge [sflag:s18], $0x400  }
0x41: {  	[sflag:s18] =	ssyncset.done $0x0  }
0x42: {  	[sflag:s18] =	ssyncadd.s32 $0xFFFFFC00  }
0x43: {  	[spmem:s15] =	stream.linear.scatter [tilespmem:s17], [sflag:$0x7], $0x400, $0x38;
	[tilespmem:$0x5B10] =	vst v63  }
0x44: {  	_ =	swait.ge [sflag:s18], $0x400  }
0x45: {  	[sflag:s18] =	ssyncset.done $0x0  }
0x46: {  	[sflag:s18] =	ssyncadd.s32 $0xFFFFFC00  }
0x47: {  	_ =	swait.ge [sflag:s19], $0x2710  }
0x48: {  	[sflag:s19] =	ssyncset.done $0x0  }
0x49: {  	[sflag:s19] =	ssyncadd.s32 $0xFFFFD8F0  }
0x4a: {  	s24 =	simm.s32 $0x2700;
	[bflag:$0x0] =	sbarrier.arrive $0xFFFF  }
0x4b: {  	[spmem:s2] =	stream.indirect.scatter.add.f32 [tilespmem:s22], [sflag:$0x2], $0x10, s24, s20, $0xb8;
	[tilespmem:$0x5B10] =	vst v63  }
0x4c: {  	_ = 	snop  }
0x4d: {  	[spmem:s2] =	stream.indirect.scatter.add.f32 [tilespmem:s22], [sflag:$0x3], $0x10, s3, s23, $0xb8;
	[tilespmem:$0x5B10] =	vst v63  }
0x4e: {  	_ = 	snop  }
0x4f: {  	[spmem:s2] =	stream.indirect.scatter.add.f32 [tilespmem:s22], [sflag:$0x4], $0x10, s23, s23, $0xb8;
	[tilespmem:$0x5B10] =	vst v63  }
0x50: {  	s31 =	simm.s32 $0x100  }
0x51: {  	[spmem:s2] =	stream.indirect.scatter.add.f32 [tilespmem:s22], [sflag:$0x5], $0x10, s31, s23, $0xb8;
	[tilespmem:$0x5B10] =	vst v63  }
0x52: {  	s25 =	simm.s32 $0x180  }
0x53: {  	[spmem:s2] =	stream.indirect.scatter.add.f32 [tilespmem:s22], [sflag:$0x6], $0x10, s25, s23, $0xb8;
	[tilespmem:$0x5B10] =	vst v63  }
0x54: {  	_ =	swait.ge [sflag:s26], $0x800  }
0x55: {  	[sflag:s26] =	ssyncset.done $0x0  }
0x56: {  	s31 =	simm.s32 $0x200;
	[sflag:s26] =	ssyncadd.s32 $0xFFFFF800  }
0x57: {  	[spmem:s2] =	stream.indirect.scatter.add.f32 [tilespmem:s22], [sflag:$0x3], $0x10, s31, s23, $0xb8;
	[tilespmem:$0x5B10] =	vst v63  }
0x58: {  	_ =	swait.ge [sflag:s28], $0x800  }
0x59: {  	[sflag:s28] =	ssyncset.done $0x0  }
0x5a: {  	s25 =	simm.s32 $0x280;
	[sflag:s28] =	ssyncadd.s32 $0xFFFFF800  }
0x5b: {  	[spmem:s2] =	stream.indirect.scatter.add.f32 [tilespmem:s22], [sflag:$0x4], $0x10, s25, s23, $0xb8;
	[tilespmem:$0x5B10] =	vst v63  }
0x5c: {  	_ =	swait.ge [sflag:s29], $0x800  }
0x5d: {  	[sflag:s29] =	ssyncset.done $0x0  }
0x5e: {  	s31 =	simm.s32 $0x300;
	[sflag:s29] =	ssyncadd.s32 $0xFFFFF800  }
0x5f: {  	[spmem:s2] =	stream.indirect.scatter.add.f32 [tilespmem:s22], [sflag:$0x5], $0x10, s31, s23, $0xb8;
	[tilespmem:$0x5B10] =	vst v63  }
0x60: {  	_ =	swait.ge [sflag:s30], $0x800  }
0x61: {  	[sflag:s30] =	ssyncset.done $0x0  }
0x62: {  	s24 =	simm.s32 $0xFFFF7800;
	s25 =	simm.s32 $0x380;
	[sflag:s30] =	ssyncadd.s32 $0xFFFFF800  }
.LBB2_6:
0x63: {  	[spmem:s2] =	stream.indirect.scatter.add.f32 [tilespmem:s22], [sflag:$0x6], $0x10, s25, s23, $0xb8;
	[tilespmem:$0x5B10] =	vst v63  }
0x64: {  	s25 =	smov.u32 s24  }
0x65: {  	p0 =	sne.s32 s24, $0xFFFFF800;
	s24 =	sadd.s32 $0x800, s24;
	_ =	swait.ge [sflag:s26], $0x800  }
0x66: {  	s25 =	sshra.s32 s25, $0x2;
	[sflag:s26] =	ssyncset.done $0x0  }
0x67: {  	s31 =	sadd.s32 $0x2600, s25;
	[sflag:s26] =	ssyncadd.s32 $0xFFFFF800  }
0x68: {  	[spmem:s2] =	stream.indirect.scatter.add.f32 [tilespmem:s22], [sflag:$0x3], $0x10, s31, s23, $0xb8;
	[tilespmem:$0x5B10] =	vst v63  }
0x69: {  	_ =	swait.ge [sflag:s28], $0x800  }
0x6a: {  	[sflag:s28] =	ssyncset.done $0x0  }
0x6b: {  	s31 =	sadd.s32 $0x2680, s25;
	[sflag:s28] =	ssyncadd.s32 $0xFFFFF800  }
0x6c: {  	[spmem:s2] =	stream.indirect.scatter.add.f32 [tilespmem:s22], [sflag:$0x4], $0x10, s31, s23, $0xb8;
	[tilespmem:$0x5B10] =	vst v63  }
0x6d: {  	_ =	swait.ge [sflag:s29], $0x800  }
0x6e: {  	[sflag:s29] =	ssyncset.done $0x0  }
.Ltmp2:
0x6f: {  	s31 =	sadd.s32 $0x2700, s25;
	[sflag:s29] =	ssyncadd.s32 $0xFFFFF800;
	(pc) =	sbr.rel @p0 .LBB2_6-.Ltmp2, $4  }
0x70: {  	[spmem:s2] =	stream.indirect.scatter.add.f32 [tilespmem:s22], [sflag:$0x5], $0x10, s31, s23, $0xb8;
	[tilespmem:$0x5B10] =	vst v63  }
0x71: {  	_ =	swait.ge [sflag:s30], $0x800  }
0x72: {  	[sflag:s30] =	ssyncset.done $0x0  }
0x73: {  	s25 =	sadd.s32 $0x2780, s25;
	[sflag:s30] =	ssyncadd.s32 $0xFFFFF800  }
0x74: {  	[spmem:s2] =	stream.indirect.scatter.add.f32 [tilespmem:s22], [sflag:$0x6], $0x10, s25, s23, $0xb8;
	[tilespmem:$0x5B10] =	vst v63  }
0x75: {  	_ =	swait.ge [sflag:s26], $0x800  }
0x76: {  	[sflag:s26] =	ssyncset.done $0x0  }
0x77: {  	s24 =	simm.s32 $0x2600;
	[sflag:s26] =	ssyncadd.s32 $0xFFFFF800  }
0x78: {  	[spmem:s2] =	stream.indirect.scatter.add.f32 [tilespmem:s22], [sflag:$0x3], $0x10, s24, s23, $0xb8;
	[tilespmem:$0x5B10] =	vst v63  }
0x79: {  	_ =	swait.ge [sflag:s28], $0x800  }
0x7a: {  	[sflag:s28] =	ssyncset.done $0x0  }
0x7b: {  	[sflag:s28] =	ssyncadd.s32 $0xFFFFF800  }
0x7c: {  	[spmem:s2] =	stream.indirect.scatter.add.f32 [tilespmem:s22], [sflag:$0x4], $0x10, s0, s23, $0xb8;
	[tilespmem:$0x5B10] =	vst v63  }
0x7d: {  	_ =	swait.ge [sflag:s29], $0x800  }
0x7e: {  	[sflag:s29] =	ssyncset.done $0x0  }
0x7f: {  	[sflag:s29] =	ssyncadd.s32 $0xFFFFF800  }
0x80: {  	_ =	swait.ge [sflag:s30], $0x800  }
0x81: {  	[sflag:s30] =	ssyncset.done $0x0  }
0x82: {  	[sflag:s30] =	ssyncadd.s32 $0xFFFFF800  }
0x83: {  	_ =	swait.ge [sflag:s26], $0x800  }
0x84: {  	[sflag:s26] =	ssyncset.done $0x0  }
0x85: {  	[sflag:s26] =	ssyncadd.s32 $0xFFFFF800  }
0x86: {  	_ =	swait.ge [sflag:s28], $0x800  }
0x87: {  	[sflag:s28] =	ssyncset.done $0x0  }
0x88: {  	[sflag:s28] =	ssyncadd.s32 $0xFFFFF800  }
0x89: {  	s25 =	stileid.u32;
	_ =	swait.ge [sflag:s1], $0x100  }
0x8a: {  	s31 =	sshrl.u32 s5, $0x3;
	s21 =	sadd.s32 $0x1, s21;
	[sflag:s1] =	ssyncset.done $0x0  }
0x8b: {  	p0 =	sne.s32 s21, s6;
	s24 =	sshll.u32 s25, $0x6;
	[sflag:s1] =	ssyncadd.s32 $0xFFFFFF00  }
.Ltmp3:
0x8c: {  	s24 =	sor.u32 $0x1C07, s24;
	[bflag:$0x0] =	sbarrier.arrive $0xFFFF;
	(pc) =	sbr.rel @p0 .LBB2_1-.Ltmp3, $4  }
0x8d: {  	[hbm:s16@s20], [sflag:s24] =	dma.strided [spmem:s31@s1], $0x500, s19, $0x2   }
0x8e: {  	_ =	swait.ge [sflag:s18], $0x500  }
0x8f: {  	[sflag:s18] =	ssyncset.done $0x0  }
0x90: {  	[sflag:s18] =	ssyncadd.s32 $0xFFFFFB00  }
0x91: {  	_ =	sfence.sel $0x180000  }
0x92: {  	[bflag:$0x0] =	sbarrier.arrive $0xFFFF  }
0x93: {  	_ =	strace $0x90000047  }
0x94: {  	s0 =	stileid.u32;
	[bflag:$0x2] =	sbarrier.arrive $0xFFFF  }
0x95: {  	p0 =	sne.s32 s0, $0x0;
	s0 =	rddreg [dreg:$0x2]  }
0x96: {  	s0 =	sadd.s32 @!p0 $0x100000, s0  }
0x97: {  	[sflag:s0] =	ssyncadd.tile.s32 @!p0 $0x1;
	_ =	shalt  }
.Lfunc_end2:
_tile_overlayer_lowered:
.L_overlay_start_2:
0x98: {  	(tag) =	ssettag $0x2  }
0x99: {  	s0 =	rddreg [dreg:$0x0];
	s2 =	stileid.u32  }
0x9a: {  	s1 =	rddreg [dreg:$0x1];
	p0 =	sne.s32 s2, $0x0  }
0x9b: {  	s3 =	rddreg [dreg:$0x2];
	[bflag:$0x3] =	sbarrier.arrive $0xFFFF;
	s2 =	simm.s32 @!p0 $0x1C07  }
0x9c: {  	[timem:s3], [sflag:s2] =	dma.local @!p0 [hbm:s0], s1  }
0x9d: {  	s0 =	simm.s32 @!p0 $0x7  }
0x9e: {  	_ =	swait.ge @!p0 [sflag:s0], s1  }
0x9f: {  	s1 =	ssub.s32 @!p0 $0x0, s1;
	[sflag:s0] =	ssyncset.done @!p0 $0x0  }
0xa0: {  	[sflag:s0] =	ssyncadd.s32 @!p0 s1  }
0xa1: {  	[bflag:$0x3] =	sbarrier.arrive $0xFFFF  }
0xa2: {  	_ =	shalt  }

</sc_bundles>
